<compile_context>
chip_gen: v7x
topology: tpu7x:2x2x1
jax: 0.10.2.dev20260603
libtpu: 0.0.44.dev20260713+nightly
codegen_flags: <defaults>
</compile_context>

<pallas_src>
import functools

import jax
import jax.numpy as jnp
from jax import lax
from jax.experimental import pallas as pl
from jax.experimental.pallas import tpu as pltpu
from jax.experimental.pallas import tpu_sc as plsc

_N = 50000
_E = 800000
_HD = 64
_HH = 32
_QW = 16
_FT = 300
_NT = 150
_NN = 16
_EPS = 1e-5

_LANE = 128
_NSUB = 16
_EROWS = 392
_E_PAD = _NSUB * _EROWS * _LANE
_ROWS_TOT = _E_PAD // _LANE
_AGG_ROWS = 50048
_ZROWS = _AGG_ROWS // _NSUB
_TAIL = _N - 15 * _ZROWS

_BN = 2000
_GRID = _N // _BN

_MESH = plsc.VectorSubcoreMesh(core_axis_name="c", subcore_axis_name="s")
_f32 = jnp.float32
_bf16 = jnp.bfloat16


_NBUF = 4


def _run_edges(table, src_v, dst_v, rows, agg_sh, gsems, ssems):
    def g_start(j, b):
        pltpu.async_copy(table.at[src_v.at[j]], rows[b], gsems[b])

    def g_wait(j, b):
        pltpu.make_async_copy(table.at[src_v.at[j]], rows[b], gsems[b]).wait()

    def s_start(j, b):
        pltpu.async_copy(rows[b], agg_sh.at[dst_v.at[j]], ssems[b], add=True)

    def s_wait(j, b):
        pltpu.make_async_copy(rows[b], agg_sh.at[dst_v.at[j]],
                              ssems[b]).wait()

    for b in range(_NBUF):
        g_start(b, b)

    def body(i, carry):
        j0 = _NBUF * i
        for b in range(_NBUF):
            g_wait(j0 + b, b)
            s_start(j0 + b, b)
        for b in range(_NBUF):
            jn = j0 + b + _NBUF

            @pl.when(jn < _EROWS)
            def _(jn=jn, b=b, j=j0 + b):
                s_wait(j, b)
                g_start(jn, b)

        return carry

    lax.fori_loop(0, _EROWS // _NBUF, body, 0)
    for b in range(_NBUF):
        s_wait(_EROWS - _NBUF + b, b)


def _copy_out(sh, out, s):
    @pl.when(s < _NSUB - 1)
    def _():
        pltpu.sync_copy(sh.at[pl.ds(s * _ZROWS, _ZROWS)],
                        out.at[pl.ds(s * _ZROWS, _ZROWS)])

    @pl.when(s == _NSUB - 1)
    def _():
        pltpu.sync_copy(sh.at[pl.ds(15 * _ZROWS, _TAIL)],
                        out.at[pl.ds(15 * _ZROWS, _TAIL)])


@functools.partial(
    pl.kernel,
    mesh=_MESH,
    out_type=[jax.ShapeDtypeStruct((_N, _QW), _bf16)] * 4,
    scratch_types=(
        [pltpu.VMEM((_EROWS, _LANE), jnp.int32)] * 2
        + [pltpu.VMEM((_LANE, _QW), _bf16)] * _NBUF
        + [pltpu.VMEM_SHARED((_AGG_ROWS, _QW), _bf16)]
        + [pltpu.SemaphoreType.DMA] * _NBUF
    ),
    compiler_params=pltpu.CompilerParams(use_tc_tiling_on_sc=False),
)
def _sc_agg(t0, t1, t2, t3, src2d, dst2d, zrows, o0, o1, o2, o3,
            src_v, dst_v, *rest):
    rows = rest[:_NBUF]
    agg_sh = rest[_NBUF]
    gsems = rest[_NBUF + 1:2 * _NBUF + 1]
    ssems = gsems
    c = lax.axis_index("c")
    s = lax.axis_index("s")
    pltpu.sync_copy(src2d.at[pl.ds(s * _EROWS, _EROWS)], src_v)
    pltpu.sync_copy(dst2d.at[pl.ds(s * _EROWS, _EROWS)], dst_v)
    for tabA, tabB, outA, outB in ((t0, t1, o0, o1), (t2, t3, o2, o3)):
        pltpu.sync_copy(zrows, agg_sh.at[pl.ds(s * _ZROWS, _ZROWS)])
        plsc.subcore_barrier()

        @pl.when(c == 0)
        def _(tabA=tabA):
            _run_edges(tabA, src_v, dst_v, rows, agg_sh, gsems, ssems)

        @pl.when(c == 1)
        def _(tabB=tabB):
            _run_edges(tabB, src_v, dst_v, rows, agg_sh, gsems, ssems)

        plsc.subcore_barrier()

        @pl.when(c == 0)
        def _(outA=outA):
            _copy_out(agg_sh, outA, s)

        @pl.when(c == 1)
        def _(outB=outB):
            _copy_out(agg_sh, outB, s)

        plsc.subcore_barrier()


def _enc_body(tag, xt, xc, xn, temb, WcT, bc, WtcTa, WtcTb, btc, WtT, bt,
              WmAL, WmBL, bmL, WmAR, WmBR, bmR, WnL, bnL, WnR, bnR,
              h0A, h0B):
    f = _f32
    iot = lax.broadcasted_iota(jnp.int32, (_BN, _NT), 1)
    oh = (iot == tag[...]).astype(f)
    et = jnp.dot(oh, temb[...], preferred_element_type=f)
    ec = jnp.dot(xc[...], WcT[...], preferred_element_type=f) + bc[...]
    htc = jnp.maximum(jnp.dot(et, WtcTa[...], preferred_element_type=f)
                      + jnp.dot(ec, WtcTb[...], preferred_element_type=f)
                      + btc[...], 0.0)
    ht = jnp.maximum(jnp.dot(xt[...], WtT[...], preferred_element_type=f)
                     + bt[...], 0.0)
    hxL = jnp.maximum(jnp.dot(htc, WmAL[...], preferred_element_type=f)
                      + jnp.dot(ht, WmBL[...], preferred_element_type=f)
                      + bmL[...], 0.0)
    hxR = jnp.maximum(jnp.dot(htc, WmAR[...], preferred_element_type=f)
                      + jnp.dot(ht, WmBR[...], preferred_element_type=f)
                      + bmR[...], 0.0)
    hnL = jnp.maximum(jnp.dot(xn[...], WnL[...], preferred_element_type=f)
                      + bnL[...], 0.0)
    hnR = jnp.maximum(jnp.dot(xn[...], WnR[...], preferred_element_type=f)
                      + bnR[...], 0.0)
    h0A[...] = jnp.maximum(hxL + hnL, 0.0)
    h0B[...] = jnp.maximum(hxR + hnR, 0.0)


def _k2_body(a0, a1, a2, a3, deg, hA, hB, mu0, mu1, mu2, mu3,
             Wl0L, Wl1L, Wl2L, Wl3L, Wl0R, Wl1R, Wl2R, Wl3R,
             Wr00, Wr10, Wr01, Wr11, blL, blR,
             outA, outB, stA, stB):
    f = _f32
    i = pl.program_id(0)

    @pl.when(i == 0)
    def _():
        stA[...] = jnp.zeros((2, _HH), f)
        stB[...] = jnp.zeros((2, _HH), f)

    d = deg[...][:, 0:1].astype(f)
    invd = 1.0 / jnp.maximum(d, 1.0)
    m0 = (a0[...].astype(f) + d * mu0[...]) * invd
    m1 = (a1[...].astype(f) + d * mu1[...]) * invd
    m2 = (a2[...].astype(f) + d * mu2[...]) * invd
    m3 = (a3[...].astype(f) + d * mu3[...]) * invd
    a = hA[...]
    b = hB[...]
    oA = (jnp.dot(m0, Wl0L[...], preferred_element_type=f)
          + jnp.dot(m1, Wl1L[...], preferred_element_type=f)
          + jnp.dot(m2, Wl2L[...], preferred_element_type=f)
          + jnp.dot(m3, Wl3L[...], preferred_element_type=f)
          + jnp.dot(a, Wr00[...], preferred_element_type=f)
          + jnp.dot(b, Wr10[...], preferred_element_type=f) + blL[...])
    oB = (jnp.dot(m0, Wl0R[...], preferred_element_type=f)
          + jnp.dot(m1, Wl1R[...], preferred_element_type=f)
          + jnp.dot(m2, Wl2R[...], preferred_element_type=f)
          + jnp.dot(m3, Wl3R[...], preferred_element_type=f)
          + jnp.dot(a, Wr01[...], preferred_element_type=f)
          + jnp.dot(b, Wr11[...], preferred_element_type=f) + blR[...])
    outA[...] = oA
    outB[...] = oB
    stA[...] = stA[...] + jnp.concatenate(
        [jnp.sum(oA, 0, keepdims=True), jnp.sum(oA * oA, 0, keepdims=True)], 0)
    stB[...] = stB[...] + jnp.concatenate(
        [jnp.sum(oB, 0, keepdims=True), jnp.sum(oB * oB, 0, keepdims=True)], 0)


def _k4_body(outA, outB, hA, hB, scA, shA, scB, shB,
             nA, nB, hsA, hsB):
    i = pl.program_id(0)

    @pl.when(i == 0)
    def _():
        hsA[...] = jnp.zeros((1, _HH), _f32)
        hsB[...] = jnp.zeros((1, _HH), _f32)

    tA = jnp.maximum(outA[...] * scA[...] + shA[...], 0.0) + hA[...]
    tB = jnp.maximum(outB[...] * scB[...] + shB[...], 0.0) + hB[...]
    nA[...] = tA
    nB[...] = tB
    hsA[...] = hsA[...] + jnp.sum(tA, 0, keepdims=True)
    hsB[...] = hsB[...] + jnp.sum(tB, 0, keepdims=True)


def _head_body(hA, hB, WhA, WhB, bh, lg):
    f = _f32
    lg[...] = (jnp.dot(hA[...], WhA[...], preferred_element_type=f)
               + jnp.dot(hB[...], WhB[...], preferred_element_type=f)
               + bh[...])


def _row_spec(w):
    return pl.BlockSpec((_BN, w), lambda i: (i, 0))


def _full_spec(a, b):
    return pl.BlockSpec((a, b), lambda i: (0, 0))


def kernel(x_tag, x_text, x_class, x_num, edge_index, tag_embed, Wc, bc, Wtc,
           btc, Wt, bt, Wm, bm, Wn, bnm, Wl0, bl0, Wr0, g0, be0, Wl1, bl1,
           Wr1, g1, be1, Wl2, bl2, Wr2, g2, be2, Wh, bh):
    f = _f32
    src = edge_index[0].astype(jnp.int32)
    dst = edge_index[1].astype(jnp.int32)
    pad = _E_PAD - _E
    srcp = jnp.concatenate([src, jnp.zeros((pad,), jnp.int32)])
    dstp = jnp.concatenate([dst, jnp.full((pad,), _N, jnp.int32)])
    src2d = srcp.reshape(_ROWS_TOT, _LANE)
    dst2d = dstp.reshape(_ROWS_TOT, _LANE)
    zrows = jnp.zeros((_ZROWS, _QW), _bf16)

    tag2 = x_tag.astype(jnp.int32).reshape(_N, 1)
    WtcT = Wtc.T
    WmT = Wm.T
    WnT = Wn.T
    enc_in = (
        tag2, x_text, x_class, x_num,
        tag_embed.astype(f), Wc.T, bc.reshape(1, _HD),
        WtcT[:_HD], WtcT[_HD:], btc.reshape(1, _HD),
        Wt.T, bt.reshape(1, _HD),
        WmT[:_HD, :_HH], WmT[_HD:, :_HH], bm[:_HH].reshape(1, _HH),
        WmT[:_HD, _HH:], WmT[_HD:, _HH:], bm[_HH:].reshape(1, _HH),
        WnT[:, :_HH], bnm[:_HH].reshape(1, _HH),
        WnT[:, _HH:], bnm[_HH:].reshape(1, _HH),
    )
    enc_specs = [
        _row_spec(1), _row_spec(_FT), _row_spec(_FT), _row_spec(_NN),
        _full_spec(_NT, _HD), _full_spec(_FT, _HD), _full_spec(1, _HD),
        _full_spec(_HD, _HD), _full_spec(_HD, _HD), _full_spec(1, _HD),
        _full_spec(_FT, _HD), _full_spec(1, _HD),
        _full_spec(_HD, _HH), _full_spec(_HD, _HH), _full_spec(1, _HH),
        _full_spec(_HD, _HH), _full_spec(_HD, _HH), _full_spec(1, _HH),
        _full_spec(_NN, _HH), _full_spec(1, _HH),
        _full_spec(_NN, _HH), _full_spec(1, _HH),
    ]
    hA, hB = pl.pallas_call(
        _enc_body,
        grid=(_GRID,),
        in_specs=enc_specs,
        out_specs=[_row_spec(_HH)] * 2,
        out_shape=[jax.ShapeDtypeStruct((_N, _HH), f)] * 2,
        compiler_params=pltpu.CompilerParams(
            dimension_semantics=("parallel",)),
    )(*enc_in)

    z64 = jnp.zeros((_HD, _HD), f)
    z1 = jnp.zeros((_HD,), f)
    WlTs = jnp.stack([z64, Wl0.T, Wl1.T, Wl2.T])
    WrTs = jnp.stack([z64, Wr0.T, Wr1.T, Wr2.T])
    bls = jnp.stack([z1, bl0, bl1, bl2])
    gs = jnp.stack([z1, g0, g1, g2])
    bes = jnp.stack([z1, be0, be1, be2])
    ts = jnp.arange(4)

    def step(carry, w):
        hA, hB, q0, q1, q2, q3, degb, muA, muB = carry
        t, WlT, WrT, bl, g, be = w
        a0, a1, a2, a3 = _sc_agg(q0, q1, q2, q3, src2d, dst2d, zrows)
        degb = jnp.where(t == 0, a0, degb)
        k2_in = (
            a0, a1, a2, a3, degb, hA, hB,
            muA[:, :_QW], muA[:, _QW:], muB[:, :_QW], muB[:, _QW:],
            WlT[0:16, :_HH], WlT[16:32, :_HH],
            WlT[32:48, :_HH], WlT[48:64, :_HH],
            WlT[0:16, _HH:], WlT[16:32, _HH:],
            WlT[32:48, _HH:], WlT[48:64, _HH:],
            WrT[:_HH, :_HH], WrT[_HH:, :_HH], WrT[:_HH, _HH:], WrT[_HH:, _HH:],
            bl[:_HH].reshape(1, _HH), bl[_HH:].reshape(1, _HH),
        )
        k2_specs = (
            [_row_spec(_QW)] * 5 + [_row_spec(_HH)] * 2
            + [_full_spec(1, _QW)] * 4
            + [_full_spec(_QW, _HH)] * 8
            + [_full_spec(_HH, _HH)] * 4
            + [_full_spec(1, _HH)] * 2
        )
        outA, outB, stA, stB = pl.pallas_call(
            _k2_body,
            grid=(_GRID,),
            in_specs=k2_specs,
            out_specs=[_row_spec(_HH), _row_spec(_HH),
                       pl.BlockSpec((2, _HH), lambda i: (0, 0)),
                       pl.BlockSpec((2, _HH), lambda i: (0, 0))],
            out_shape=[jax.ShapeDtypeStruct((_N, _HH), f)] * 2
            + [jax.ShapeDtypeStruct((2, _HH), f)] * 2,
            compiler_params=pltpu.CompilerParams(
                dimension_semantics=("arbitrary",)),
        )(*k2_in)

        muA = stA[0] / _N
        varA = stA[1] / _N - muA * muA
        scA = (g[:_HH] / jnp.sqrt(varA + _EPS)).reshape(1, _HH)
        shA = (be[:_HH] - muA * scA[0]).reshape(1, _HH)
        muB = stB[0] / _N
        varB = stB[1] / _N - muB * muB
        scB = (g[_HH:] / jnp.sqrt(varB + _EPS)).reshape(1, _HH)
        shB = (be[_HH:] - muB * scB[0]).reshape(1, _HH)

        hA, hB, hsA, hsB = pl.pallas_call(
            _k4_body,
            grid=(_GRID,),
            in_specs=[_row_spec(_HH)] * 4 + [_full_spec(1, _HH)] * 4,
            out_specs=[_row_spec(_HH)] * 2
            + [pl.BlockSpec((1, _HH), lambda i: (0, 0))] * 2,
            out_shape=[jax.ShapeDtypeStruct((_N, _HH), f)] * 2
            + [jax.ShapeDtypeStruct((1, _HH), f)] * 2,
            compiler_params=pltpu.CompilerParams(
                dimension_semantics=("arbitrary",)),
        )(outA, outB, hA, hB, scA, shA, scB, shB)
        muA = hsA / _N
        muB = hsB / _N

        cA = hA - muA
        cB = hB - muB
        q0 = cA[:, 0:_QW].astype(_bf16)
        q1 = cA[:, _QW:_HH].astype(_bf16)
        q2 = cB[:, 0:_QW].astype(_bf16)
        q3 = cB[:, _QW:_HH].astype(_bf16)
        return (hA, hB, q0, q1, q2, q3, degb, muA, muB), None

    ones_q = jnp.ones((_N, _QW), _bf16)
    zmu = jnp.zeros((1, _HH), f)
    (hA, hB, q0, q1, q2, q3, _, _, _), _ = lax.scan(
        step, (hA, hB, ones_q, ones_q, ones_q, ones_q, ones_q, zmu, zmu),
        (ts, WlTs, WrTs, bls, gs, bes))

    WhT = Wh.T.astype(f)
    logits = pl.pallas_call(
        _head_body,
        grid=(_GRID,),
        in_specs=[_row_spec(_HH)] * 2
        + [_full_spec(_HH, 2), _full_spec(_HH, 2), _full_spec(1, 2)],
        out_specs=[_row_spec(2)],
        out_shape=[jax.ShapeDtypeStruct((_N, 2), f)],
        compiler_params=pltpu.CompilerParams(
            dimension_semantics=("parallel",)),
    )(hA, hB, WhT[:_HH], WhT[_HH:], bh.reshape(1, 2))[0]

    return logits

# --- scband reference (transcript-rebuilt; emitter-appended) ---
"""Pipeline reference for scband-domsageclassifier-9552007266356 (READ-ONLY COPY).

The authoritative reference and input builder live on the scoring server;
editing this copy changes nothing except your own understanding.
"""

import jax, jax.numpy as jnp
import numpy as np

N = 50000
E = 800000
FT = 300
ED = 64
HD = 64
NT = 150
NN = 16
NC = 2
EPS = 1e-5


def setup_inputs(seed: int = 0) -> dict:
    key = jax.random.key(seed)
    ks = jax.random.split(key, 40)
    s = 0.05
    inp = {}
    inp['x_tag'] = jax.random.randint(ks[0], (N,), 0, NT)
    inp['x_text'] = jax.random.normal(ks[1], (N, FT), jnp.float32)
    inp['x_class'] = jax.random.normal(ks[2], (N, FT), jnp.float32)
    inp['x_num'] = jax.random.normal(ks[3], (N, NN), jnp.float32)
    inp['edge_index'] = jax.random.randint(ks[4], (2, E), 0, N)
    # encoder params
    inp['tag_embed'] = jax.random.normal(ks[5], (NT, ED)) * s
    inp['Wc'] = jax.random.normal(ks[6], (ED, FT)) * s
    inp['bc'] = jnp.zeros((ED,))
    inp['Wtc'] = jax.random.normal(ks[7], (ED, 2 * ED)) * s
    inp['btc'] = jnp.zeros((ED,))
    inp['Wt'] = jax.random.normal(ks[8], (ED, FT)) * s
    inp['bt'] = jnp.zeros((ED,))
    inp['Wm'] = jax.random.normal(ks[9], (HD, 2 * ED)) * s
    inp['bm'] = jnp.zeros((HD,))
    inp['Wn'] = jax.random.normal(ks[10], (HD, NN)) * s
    inp['bnm'] = jnp.zeros((HD,))
    # 3 SAGE layers + BN params
    for l in range(3):
        inp[f'Wl{l}'] = jax.random.normal(ks[11 + 4 * l], (HD, HD)) * s
        inp[f'bl{l}'] = jnp.zeros((HD,))
        inp[f'Wr{l}'] = jax.random.normal(ks[12 + 4 * l], (HD, HD)) * s
        inp[f'g{l}'] = jnp.ones((HD,))
        inp[f'be{l}'] = jnp.zeros((HD,))
    inp['Wh'] = jax.random.normal(ks[30], (NC, HD)) * s
    inp['bh'] = jnp.zeros((NC,))
    return inp


def _encoder(x_tag, x_text, x_class, x_num, tag_embed, Wc, bc, Wtc, btc, Wt, bt, Wm, bm, Wn, bnm):
    e_tag = jnp.take(tag_embed, x_tag, axis=0)
    e_class = x_class @ Wc.T + bc
    h_tag_class = jax.nn.relu(jnp.concatenate([e_tag, e_class], axis=-1) @ Wtc.T + btc)
    h_text = jax.nn.relu(x_text @ Wt.T + bt)
    h_textual = jax.nn.relu(jnp.concatenate([h_tag_class, h_text], axis=-1) @ Wm.T + bm)
    h_num = jax.nn.relu(x_num @ Wn.T + bnm)
    return h_textual + h_num


def _sage_bn_layer(h, src, dst, Wl, bl, Wr, g, be):
    # SAGEConv(mean): lin_l(mean_j x_j) + lin_r(x_i)
    agg = jax.ops.segment_sum(h[src], dst, num_segments=N)
    deg = jax.ops.segment_sum(jnp.ones((E,), h.dtype), dst, num_segments=N)
    mean_nb = agg / jnp.maximum(deg, 1.0)[:, None]
    out = mean_nb @ Wl.T + bl + h @ Wr.T
    # BatchNorm1d (training-mode batch statistics)
    mu = out.mean(axis=0)
    var = out.var(axis=0)
    out = (out - mu) / jnp.sqrt(var + EPS) * g + be
    # dropout is identity in deterministic reference
    return jax.nn.relu(out) + h


def reference(x_tag, x_text, x_class, x_num, edge_index, tag_embed, Wc, bc, Wtc, btc, Wt, bt, Wm, bm, Wn, bnm, Wl0, bl0, Wr0, g0, be0, Wl1, bl1, Wr1, g1, be1, Wl2, bl2, Wr2, g2, be2, Wh, bh):
    src = edge_index[0]
    dst = edge_index[1]
    h = jax.nn.relu(_encoder(x_tag, x_text, x_class, x_num, tag_embed, Wc, bc, Wtc, btc, Wt, bt, Wm, bm, Wn, bnm))
    h = _sage_bn_layer(h, src, dst, Wl0, bl0, Wr0, g0, be0)
    h = _sage_bn_layer(h, src, dst, Wl1, bl1, Wr1, g1, be1)
    h = _sage_bn_layer(h, src, dst, Wl2, bl2, Wr2, g2, be2)
    return h @ Wh.T + bh

if __name__ == "__main__":
    import jax
    _d = setup_inputs()
    print(jax.jit(kernel)(*tuple(_d.values())))

</pallas_src>

<mosaic_0001>
#map = affine_map<(d0, d1) -> (0, 0)>
module attributes {stable_mosaic.version = 14 : i64} {
  func.func @_sc_agg(%arg0: i32, %arg1: i32, %arg2: memref<50000x16xbf16, #tpu.memory_space<hbm>>, %arg3: memref<50000x16xbf16, #tpu.memory_space<hbm>>, %arg4: memref<50000x16xbf16, #tpu.memory_space<hbm>>, %arg5: memref<50000x16xbf16, #tpu.memory_space<hbm>>, %arg6: memref<6272x128xi32, #tpu.memory_space<hbm>>, %arg7: memref<6272x128xi32, #tpu.memory_space<hbm>>, %arg8: memref<3128x16xbf16, #tpu.memory_space<hbm>>, %arg9: memref<50000x16xbf16, #tpu.memory_space<hbm>>, %arg10: memref<50000x16xbf16, #tpu.memory_space<hbm>>, %arg11: memref<50000x16xbf16, #tpu.memory_space<hbm>>, %arg12: memref<50000x16xbf16, #tpu.memory_space<hbm>>, %arg13: memref<392x128xi32, #tpu.memory_space<vmem>>, %arg14: memref<392x128xi32, #tpu.memory_space<vmem>>, %arg15: memref<128x16xbf16, #tpu.memory_space<vmem>>, %arg16: memref<128x16xbf16, #tpu.memory_space<vmem>>, %arg17: memref<128x16xbf16, #tpu.memory_space<vmem>>, %arg18: memref<128x16xbf16, #tpu.memory_space<vmem>>, %arg19: memref<50048x16xbf16, #tpu.memory_space<vmem_shared>>, %arg20: memref<!tpu.dma_semaphore, #tpu.memory_space<semaphore_mem>>, %arg21: memref<!tpu.dma_semaphore, #tpu.memory_space<semaphore_mem>>, %arg22: memref<!tpu.dma_semaphore, #tpu.memory_space<semaphore_mem>>, %arg23: memref<!tpu.dma_semaphore, #tpu.memory_space<semaphore_mem>>) attributes {dimension_semantics = [#tpu.dimension_semantics<core_parallel>, #tpu.dimension_semantics<subcore_parallel>], iteration_bounds = array<i64: 2, 16>, scalar_prefetch = 0 : i64, scratch_operands = 11 : i64, tpu.core_type = #tpu.core_type<sc_vector_subcore>, window_params = [{transform_indices = #map}, {transform_indices = #map}, {transform_indices = #map}, {transform_indices = #map}, {transform_indices = #map}, {transform_indices = #map}, {transform_indices = #map}, {transform_indices = #map}, {transform_indices = #map}, {transform_indices = #map}, {transform_indices = #map}]} {
    %mul3A = arith.constant 392 : i32
    %mul3A_0 = arith.muli %arg1, %mul3A : i32
    "tpu.region"() ({
      %run_scoped3A = tpu.sem_alloc : memref<!tpu.dma_semaphore, #tpu.memory_space<semaphore_mem>>
      %dma_start3A = arith.constant 0 : i32
      %dma_start3A_49 = tpu.memref_slice %arg6[%mul3A_0, %dma_start3A] : memref<6272x128xi32, #tpu.memory_space<hbm>> -> memref<392x128xi32, #tpu.memory_space<hbm>>
      %dma_start3A_50 = arith.constant 0 : i32
      %dma_start3A_51 = tpu.memref_slice %arg6[%mul3A_0, %dma_start3A_50] : memref<6272x128xi32, #tpu.memory_space<hbm>> -> memref<392x128xi32, #tpu.memory_space<hbm>>
      tpu.enqueue_dma source(%dma_start3A_51 : memref<392x128xi32, #tpu.memory_space<hbm>>) target(%arg13 : memref<392x128xi32, #tpu.memory_space<vmem>>) target_semaphore(%run_scoped3A : memref<!tpu.dma_semaphore, #tpu.memory_space<semaphore_mem>>)
      %dma_wait3A = arith.constant 0 : i32
      %dma_wait3A_52 = tpu.memref_slice %arg6[%mul3A_0, %dma_wait3A] : memref<6272x128xi32, #tpu.memory_space<hbm>> -> memref<392x128xi32, #tpu.memory_space<hbm>>
      %dma_wait3A_53 = arith.constant 0 : i32
      %dma_wait3A_54 = tpu.memref_slice %arg6[%mul3A_0, %dma_wait3A_53] : memref<6272x128xi32, #tpu.memory_space<hbm>> -> memref<392x128xi32, #tpu.memory_space<hbm>>
      tpu.wait_dma2 semaphore(%run_scoped3A : memref<!tpu.dma_semaphore, #tpu.memory_space<semaphore_mem>>) src(%dma_wait3A_54 : memref<392x128xi32, #tpu.memory_space<hbm>>) dst(%arg13 : memref<392x128xi32, #tpu.memory_space<vmem>>)
      tpu.yield
    }) : () -> ()
    %mul3A_1 = arith.constant 392 : i32
    %mul3A_2 = arith.muli %arg1, %mul3A_1 : i32
    "tpu.region"() ({
      %run_scoped3A = tpu.sem_alloc : memref<!tpu.dma_semaphore, #tpu.memory_space<semaphore_mem>>
      %dma_start3A = arith.constant 0 : i32
      %dma_start3A_49 = tpu.memref_slice %arg7[%mul3A_2, %dma_start3A] : memref<6272x128xi32, #tpu.memory_space<hbm>> -> memref<392x128xi32, #tpu.memory_space<hbm>>
      %dma_start3A_50 = arith.constant 0 : i32
      %dma_start3A_51 = tpu.memref_slice %arg7[%mul3A_2, %dma_start3A_50] : memref<6272x128xi32, #tpu.memory_space<hbm>> -> memref<392x128xi32, #tpu.memory_space<hbm>>
      tpu.enqueue_dma source(%dma_start3A_51 : memref<392x128xi32, #tpu.memory_space<hbm>>) target(%arg14 : memref<392x128xi32, #tpu.memory_space<vmem>>) target_semaphore(%run_scoped3A : memref<!tpu.dma_semaphore, #tpu.memory_space<semaphore_mem>>)
      %dma_wait3A = arith.constant 0 : i32
      %dma_wait3A_52 = tpu.memref_slice %arg7[%mul3A_2, %dma_wait3A] : memref<6272x128xi32, #tpu.memory_space<hbm>> -> memref<392x128xi32, #tpu.memory_space<hbm>>
      %dma_wait3A_53 = arith.constant 0 : i32
      %dma_wait3A_54 = tpu.memref_slice %arg7[%mul3A_2, %dma_wait3A_53] : memref<6272x128xi32, #tpu.memory_space<hbm>> -> memref<392x128xi32, #tpu.memory_space<hbm>>
      tpu.wait_dma2 semaphore(%run_scoped3A : memref<!tpu.dma_semaphore, #tpu.memory_space<semaphore_mem>>) src(%dma_wait3A_54 : memref<392x128xi32, #tpu.memory_space<hbm>>) dst(%arg14 : memref<392x128xi32, #tpu.memory_space<vmem>>)
      tpu.yield
    }) : () -> ()
    %mul3A_3 = arith.constant 3128 : i32
    %mul3A_4 = arith.muli %arg1, %mul3A_3 : i32
    "tpu.region"() ({
      %run_scoped3A = tpu.sem_alloc : memref<!tpu.dma_semaphore, #tpu.memory_space<semaphore_mem>>
      %dma_start3A = arith.constant 0 : i32
      %dma_start3A_49 = tpu.memref_slice %arg19[%mul3A_4, %dma_start3A] : memref<50048x16xbf16, #tpu.memory_space<vmem_shared>> -> memref<3128x16xbf16, #tpu.memory_space<vmem_shared>>
      tpu.enqueue_dma source(%arg8 : memref<3128x16xbf16, #tpu.memory_space<hbm>>) target(%dma_start3A_49 : memref<3128x16xbf16, #tpu.memory_space<vmem_shared>>) target_semaphore(%run_scoped3A : memref<!tpu.dma_semaphore, #tpu.memory_space<semaphore_mem>>)
      %dma_wait3A = arith.constant 0 : i32
      %dma_wait3A_50 = tpu.memref_slice %arg19[%mul3A_4, %dma_wait3A] : memref<50048x16xbf16, #tpu.memory_space<vmem_shared>> -> memref<3128x16xbf16, #tpu.memory_space<vmem_shared>>
      tpu.wait_dma2 semaphore(%run_scoped3A : memref<!tpu.dma_semaphore, #tpu.memory_space<semaphore_mem>>) src(%arg8 : memref<3128x16xbf16, #tpu.memory_space<hbm>>) dst(%dma_wait3A_50 : memref<3128x16xbf16, #tpu.memory_space<vmem_shared>>)
      tpu.yield
    }) : () -> ()
    %barrier3A = arith.constant 0 : index
    tpu.barrier barrier_id(%barrier3A)
    %eq3A = arith.constant 0 : i32
    %eq3A_5 = arith.cmpi eq, %arg0, %eq3A : i32
    %convert_element_type3A = arith.extui %eq3A_5 : i1 to i32
    %cond3A = arith.constant 0 : i32
    %cond3A_6 = arith.cmpi ne, %convert_element_type3A, %cond3A : i32
    scf.if %cond3A_6 {
      %dma_start3A = arith.constant 0 : i32
      %dma_start3A_49 = arith.constant 0 : i32
      %dma_start3A_50 = tpu.memref_slice %arg13[%dma_start3A, %dma_start3A_49] : memref<392x128xi32, #tpu.memory_space<vmem>> -> memref<1x128xi32, #tpu.memory_space<vmem>>
      %dma_start3A_51 = tpu.memref_squeeze %dma_start3A_50 : memref<1x128xi32, #tpu.memory_space<vmem>> -> memref<128xi32, #tpu.memory_space<vmem>>
      %dma_start3A_52 = arith.constant 0 : i32
      %dma_start3A_53 = arith.constant 0 : i32
      %dma_start3A_54 = tpu.memref_slice %arg2[%dma_start3A_52, %dma_start3A_53] : memref<50000x16xbf16, #tpu.memory_space<hbm>> -> memref<50000x16xbf16, #tpu.memory_space<hbm>>
      tpu.enqueue_indirect_dma source(%dma_start3A_54 : memref<50000x16xbf16, #tpu.memory_space<hbm>>) target(%arg15 : memref<128x16xbf16, #tpu.memory_space<vmem>>) offsets(%dma_start3A_51 : memref<128xi32, #tpu.memory_space<vmem>>) semaphore(%arg20 : memref<!tpu.dma_semaphore, #tpu.memory_space<semaphore_mem>>)
      %dma_start3A_55 = arith.constant 1 : i32
      %dma_start3A_56 = arith.constant 0 : i32
      %dma_start3A_57 = tpu.memref_slice %arg13[%dma_start3A_55, %dma_start3A_56] : memref<392x128xi32, #tpu.memory_space<vmem>> -> memref<1x128xi32, #tpu.memory_space<vmem>>
      %dma_start3A_58 = tpu.memref_squeeze %dma_start3A_57 : memref<1x128xi32, #tpu.memory_space<vmem>> -> memref<128xi32, #tpu.memory_space<vmem>>
      %dma_start3A_59 = arith.constant 0 : i32
      %dma_start3A_60 = arith.constant 0 : i32
      %dma_start3A_61 = tpu.memref_slice %arg2[%dma_start3A_59, %dma_start3A_60] : memref<50000x16xbf16, #tpu.memory_space<hbm>> -> memref<50000x16xbf16, #tpu.memory_space<hbm>>
      tpu.enqueue_indirect_dma source(%dma_start3A_61 : memref<50000x16xbf16, #tpu.memory_space<hbm>>) target(%arg16 : memref<128x16xbf16, #tpu.memory_space<vmem>>) offsets(%dma_start3A_58 : memref<128xi32, #tpu.memory_space<vmem>>) semaphore(%arg21 : memref<!tpu.dma_semaphore, #tpu.memory_space<semaphore_mem>>)
      %dma_start3A_62 = arith.constant 2 : i32
      %dma_start3A_63 = arith.constant 0 : i32
      %dma_start3A_64 = tpu.memref_slice %arg13[%dma_start3A_62, %dma_start3A_63] : memref<392x128xi32, #tpu.memory_space<vmem>> -> memref<1x128xi32, #tpu.memory_space<vmem>>
      %dma_start3A_65 = tpu.memref_squeeze %dma_start3A_64 : memref<1x128xi32, #tpu.memory_space<vmem>> -> memref<128xi32, #tpu.memory_space<vmem>>
      %dma_start3A_66 = arith.constant 0 : i32
      %dma_start3A_67 = arith.constant 0 : i32
      %dma_start3A_68 = tpu.memref_slice %arg2[%dma_start3A_66, %dma_start3A_67] : memref<50000x16xbf16, #tpu.memory_space<hbm>> -> memref<50000x16xbf16, #tpu.memory_space<hbm>>
      tpu.enqueue_indirect_dma source(%dma_start3A_68 : memref<50000x16xbf16, #tpu.memory_space<hbm>>) target(%arg17 : memref<128x16xbf16, #tpu.memory_space<vmem>>) offsets(%dma_start3A_65 : memref<128xi32, #tpu.memory_space<vmem>>) semaphore(%arg22 : memref<!tpu.dma_semaphore, #tpu.memory_space<semaphore_mem>>)
      %dma_start3A_69 = arith.constant 3 : i32
      %dma_start3A_70 = arith.constant 0 : i32
      %dma_start3A_71 = tpu.memref_slice %arg13[%dma_start3A_69, %dma_start3A_70] : memref<392x128xi32, #tpu.memory_space<vmem>> -> memref<1x128xi32, #tpu.memory_space<vmem>>
      %dma_start3A_72 = tpu.memref_squeeze %dma_start3A_71 : memref<1x128xi32, #tpu.memory_space<vmem>> -> memref<128xi32, #tpu.memory_space<vmem>>
      %dma_start3A_73 = arith.constant 0 : i32
      %dma_start3A_74 = arith.constant 0 : i32
      %dma_start3A_75 = tpu.memref_slice %arg2[%dma_start3A_73, %dma_start3A_74] : memref<50000x16xbf16, #tpu.memory_space<hbm>> -> memref<50000x16xbf16, #tpu.memory_space<hbm>>
      tpu.enqueue_indirect_dma source(%dma_start3A_75 : memref<50000x16xbf16, #tpu.memory_space<hbm>>) target(%arg18 : memref<128x16xbf16, #tpu.memory_space<vmem>>) offsets(%dma_start3A_72 : memref<128xi32, #tpu.memory_space<vmem>>) semaphore(%arg23 : memref<!tpu.dma_semaphore, #tpu.memory_space<semaphore_mem>>)
      %scan3A = arith.constant 0 : i32
      %scan3A_76 = arith.constant 0 : i32
      %scan3A_77 = arith.constant 98 : i32
      %scan3A_78 = arith.addi %scan3A_76, %scan3A_77 : i32
      %scan3A_79 = arith.constant 1 : i32
      scf.for %scan3A_108 = %scan3A_76 to %scan3A_78 step %scan3A_79  : i32 {
        %mul3A_109 = arith.constant 4 : i32
        %mul3A_110 = arith.muli %mul3A_109, %scan3A_108 : i32
        %add3A = arith.constant 0 : i32
        %add3A_111 = arith.addi %mul3A_110, %add3A : i32
        %dma_wait3A_112 = arith.constant 0 : i32
        %dma_wait3A_113 = tpu.memref_slice %arg13[%add3A_111, %dma_wait3A_112] : memref<392x128xi32, #tpu.memory_space<vmem>> -> memref<1x128xi32, #tpu.memory_space<vmem>>
        %dma_wait3A_114 = tpu.memref_squeeze %dma_wait3A_113 : memref<1x128xi32, #tpu.memory_space<vmem>> -> memref<128xi32, #tpu.memory_space<vmem>>
        %dma_wait3A_115 = arith.constant 0 : i32
        %dma_wait3A_116 = arith.constant 0 : i32
        %dma_wait3A_117 = tpu.memref_slice %arg2[%dma_wait3A_115, %dma_wait3A_116] : memref<50000x16xbf16, #tpu.memory_space<hbm>> -> memref<50000x16xbf16, #tpu.memory_space<hbm>>
        tpu.wait_indirect_dma semaphore(%arg20 : memref<!tpu.dma_semaphore, #tpu.memory_space<semaphore_mem>>) src(%dma_wait3A_117 : memref<50000x16xbf16, #tpu.memory_space<hbm>>) dst(%arg15 : memref<128x16xbf16, #tpu.memory_space<vmem>>)
        %add3A_118 = arith.constant 0 : i32
        %add3A_119 = arith.addi %mul3A_110, %add3A_118 : i32
        %dma_start3A_120 = arith.constant 0 : i32
        %dma_start3A_121 = tpu.memref_slice %arg14[%add3A_119, %dma_start3A_120] : memref<392x128xi32, #tpu.memory_space<vmem>> -> memref<1x128xi32, #tpu.memory_space<vmem>>
        %dma_start3A_122 = tpu.memref_squeeze %dma_start3A_121 : memref<1x128xi32, #tpu.memory_space<vmem>> -> memref<128xi32, #tpu.memory_space<vmem>>
        %dma_start3A_123 = arith.constant 0 : i32
        %dma_start3A_124 = arith.constant 0 : i32
        %dma_start3A_125 = tpu.memref_slice %arg19[%dma_start3A_123, %dma_start3A_124] : memref<50048x16xbf16, #tpu.memory_space<vmem_shared>> -> memref<50048x16xbf16, #tpu.memory_space<vmem_shared>>
        tpu.enqueue_indirect_dma source(%arg15 : memref<128x16xbf16, #tpu.memory_space<vmem>>) target(%dma_start3A_125 : memref<50048x16xbf16, #tpu.memory_space<vmem_shared>>) offsets(%dma_start3A_122 : memref<128xi32, #tpu.memory_space<vmem>>) semaphore(%arg20 : memref<!tpu.dma_semaphore, #tpu.memory_space<semaphore_mem>>) {add = true}
        %add3A_126 = arith.constant 1 : i32
        %add3A_127 = arith.addi %mul3A_110, %add3A_126 : i32
        %dma_wait3A_128 = arith.constant 0 : i32
        %dma_wait3A_129 = tpu.memref_slice %arg13[%add3A_127, %dma_wait3A_128] : memref<392x128xi32, #tpu.memory_space<vmem>> -> memref<1x128xi32, #tpu.memory_space<vmem>>
        %dma_wait3A_130 = tpu.memref_squeeze %dma_wait3A_129 : memref<1x128xi32, #tpu.memory_space<vmem>> -> memref<128xi32, #tpu.memory_space<vmem>>
        %dma_wait3A_131 = arith.constant 0 : i32
        %dma_wait3A_132 = arith.constant 0 : i32
        %dma_wait3A_133 = tpu.memref_slice %arg2[%dma_wait3A_131, %dma_wait3A_132] : memref<50000x16xbf16, #tpu.memory_space<hbm>> -> memref<50000x16xbf16, #tpu.memory_space<hbm>>
        tpu.wait_indirect_dma semaphore(%arg21 : memref<!tpu.dma_semaphore, #tpu.memory_space<semaphore_mem>>) src(%dma_wait3A_133 : memref<50000x16xbf16, #tpu.memory_space<hbm>>) dst(%arg16 : memref<128x16xbf16, #tpu.memory_space<vmem>>)
        %add3A_134 = arith.constant 1 : i32
        %add3A_135 = arith.addi %mul3A_110, %add3A_134 : i32
        %dma_start3A_136 = arith.constant 0 : i32
        %dma_start3A_137 = tpu.memref_slice %arg14[%add3A_135, %dma_start3A_136] : memref<392x128xi32, #tpu.memory_space<vmem>> -> memref<1x128xi32, #tpu.memory_space<vmem>>
        %dma_start3A_138 = tpu.memref_squeeze %dma_start3A_137 : memref<1x128xi32, #tpu.memory_space<vmem>> -> memref<128xi32, #tpu.memory_space<vmem>>
        %dma_start3A_139 = arith.constant 0 : i32
        %dma_start3A_140 = arith.constant 0 : i32
        %dma_start3A_141 = tpu.memref_slice %arg19[%dma_start3A_139, %dma_start3A_140] : memref<50048x16xbf16, #tpu.memory_space<vmem_shared>> -> memref<50048x16xbf16, #tpu.memory_space<vmem_shared>>
        tpu.enqueue_indirect_dma source(%arg16 : memref<128x16xbf16, #tpu.memory_space<vmem>>) target(%dma_start3A_141 : memref<50048x16xbf16, #tpu.memory_space<vmem_shared>>) offsets(%dma_start3A_138 : memref<128xi32, #tpu.memory_space<vmem>>) semaphore(%arg21 : memref<!tpu.dma_semaphore, #tpu.memory_space<semaphore_mem>>) {add = true}
        %add3A_142 = arith.constant 2 : i32
        %add3A_143 = arith.addi %mul3A_110, %add3A_142 : i32
        %dma_wait3A_144 = arith.constant 0 : i32
        %dma_wait3A_145 = tpu.memref_slice %arg13[%add3A_143, %dma_wait3A_144] : memref<392x128xi32, #tpu.memory_space<vmem>> -> memref<1x128xi32, #tpu.memory_space<vmem>>
        %dma_wait3A_146 = tpu.memref_squeeze %dma_wait3A_145 : memref<1x128xi32, #tpu.memory_space<vmem>> -> memref<128xi32, #tpu.memory_space<vmem>>
        %dma_wait3A_147 = arith.constant 0 : i32
        %dma_wait3A_148 = arith.constant 0 : i32
        %dma_wait3A_149 = tpu.memref_slice %arg2[%dma_wait3A_147, %dma_wait3A_148] : memref<50000x16xbf16, #tpu.memory_space<hbm>> -> memref<50000x16xbf16, #tpu.memory_space<hbm>>
        tpu.wait_indirect_dma semaphore(%arg22 : memref<!tpu.dma_semaphore, #tpu.memory_space<semaphore_mem>>) src(%dma_wait3A_149 : memref<50000x16xbf16, #tpu.memory_space<hbm>>) dst(%arg17 : memref<128x16xbf16, #tpu.memory_space<vmem>>)
        %add3A_150 = arith.constant 2 : i32
        %add3A_151 = arith.addi %mul3A_110, %add3A_150 : i32
        %dma_start3A_152 = arith.constant 0 : i32
        %dma_start3A_153 = tpu.memref_slice %arg14[%add3A_151, %dma_start3A_152] : memref<392x128xi32, #tpu.memory_space<vmem>> -> memref<1x128xi32, #tpu.memory_space<vmem>>
        %dma_start3A_154 = tpu.memref_squeeze %dma_start3A_153 : memref<1x128xi32, #tpu.memory_space<vmem>> -> memref<128xi32, #tpu.memory_space<vmem>>
        %dma_start3A_155 = arith.constant 0 : i32
        %dma_start3A_156 = arith.constant 0 : i32
        %dma_start3A_157 = tpu.memref_slice %arg19[%dma_start3A_155, %dma_start3A_156] : memref<50048x16xbf16, #tpu.memory_space<vmem_shared>> -> memref<50048x16xbf16, #tpu.memory_space<vmem_shared>>
        tpu.enqueue_indirect_dma source(%arg17 : memref<128x16xbf16, #tpu.memory_space<vmem>>) target(%dma_start3A_157 : memref<50048x16xbf16, #tpu.memory_space<vmem_shared>>) offsets(%dma_start3A_154 : memref<128xi32, #tpu.memory_space<vmem>>) semaphore(%arg22 : memref<!tpu.dma_semaphore, #tpu.memory_space<semaphore_mem>>) {add = true}
        %add3A_158 = arith.constant 3 : i32
        %add3A_159 = arith.addi %mul3A_110, %add3A_158 : i32
        %dma_wait3A_160 = arith.constant 0 : i32
        %dma_wait3A_161 = tpu.memref_slice %arg13[%add3A_159, %dma_wait3A_160] : memref<392x128xi32, #tpu.memory_space<vmem>> -> memref<1x128xi32, #tpu.memory_space<vmem>>
        %dma_wait3A_162 = tpu.memref_squeeze %dma_wait3A_161 : memref<1x128xi32, #tpu.memory_space<vmem>> -> memref<128xi32, #tpu.memory_space<vmem>>
        %dma_wait3A_163 = arith.constant 0 : i32
        %dma_wait3A_164 = arith.constant 0 : i32
        %dma_wait3A_165 = tpu.memref_slice %arg2[%dma_wait3A_163, %dma_wait3A_164] : memref<50000x16xbf16, #tpu.memory_space<hbm>> -> memref<50000x16xbf16, #tpu.memory_space<hbm>>
        tpu.wait_indirect_dma semaphore(%arg23 : memref<!tpu.dma_semaphore, #tpu.memory_space<semaphore_mem>>) src(%dma_wait3A_165 : memref<50000x16xbf16, #tpu.memory_space<hbm>>) dst(%arg18 : memref<128x16xbf16, #tpu.memory_space<vmem>>)
        %add3A_166 = arith.constant 3 : i32
        %add3A_167 = arith.addi %mul3A_110, %add3A_166 : i32
        %dma_start3A_168 = arith.constant 0 : i32
        %dma_start3A_169 = tpu.memref_slice %arg14[%add3A_167, %dma_start3A_168] : memref<392x128xi32, #tpu.memory_space<vmem>> -> memref<1x128xi32, #tpu.memory_space<vmem>>
        %dma_start3A_170 = tpu.memref_squeeze %dma_start3A_169 : memref<1x128xi32, #tpu.memory_space<vmem>> -> memref<128xi32, #tpu.memory_space<vmem>>
        %dma_start3A_171 = arith.constant 0 : i32
        %dma_start3A_172 = arith.constant 0 : i32
        %dma_start3A_173 = tpu.memref_slice %arg19[%dma_start3A_171, %dma_start3A_172] : memref<50048x16xbf16, #tpu.memory_space<vmem_shared>> -> memref<50048x16xbf16, #tpu.memory_space<vmem_shared>>
        tpu.enqueue_indirect_dma source(%arg18 : memref<128x16xbf16, #tpu.memory_space<vmem>>) target(%dma_start3A_173 : memref<50048x16xbf16, #tpu.memory_space<vmem_shared>>) offsets(%dma_start3A_170 : memref<128xi32, #tpu.memory_space<vmem>>) semaphore(%arg23 : memref<!tpu.dma_semaphore, #tpu.memory_space<semaphore_mem>>) {add = true}
        %add3A_174 = arith.constant 0 : i32
        %add3A_175 = arith.addi %mul3A_110, %add3A_174 : i32
        %add3A_176 = arith.constant 4 : i32
        %add3A_177 = arith.addi %add3A_175, %add3A_176 : i32
        %lt3A = arith.constant 392 : i32
        %lt3A_178 = arith.cmpi slt, %add3A_177, %lt3A : i32
        %add3A_179 = arith.constant 0 : i32
        %add3A_180 = arith.addi %mul3A_110, %add3A_179 : i32
        %convert_element_type3A_181 = arith.extui %lt3A_178 : i1 to i32
        %cond3A_182 = arith.constant 0 : i32
        %cond3A_183 = arith.cmpi ne, %convert_element_type3A_181, %cond3A_182 : i32
        scf.if %cond3A_183 {
          %dma_wait3A_217 = arith.constant 0 : i32
          %dma_wait3A_218 = tpu.memref_slice %arg14[%add3A_180, %dma_wait3A_217] : memref<392x128xi32, #tpu.memory_space<vmem>> -> memref<1x128xi32, #tpu.memory_space<vmem>>
          %dma_wait3A_219 = tpu.memref_squeeze %dma_wait3A_218 : memref<1x128xi32, #tpu.memory_space<vmem>> -> memref<128xi32, #tpu.memory_space<vmem>>
          %dma_wait3A_220 = arith.constant 0 : i32
          %dma_wait3A_221 = arith.constant 0 : i32
          %dma_wait3A_222 = tpu.memref_slice %arg19[%dma_wait3A_220, %dma_wait3A_221] : memref<50048x16xbf16, #tpu.memory_space<vmem_shared>> -> memref<50048x16xbf16, #tpu.memory_space<vmem_shared>>
          tpu.wait_indirect_dma semaphore(%arg20 : memref<!tpu.dma_semaphore, #tpu.memory_space<semaphore_mem>>) src(%arg15 : memref<128x16xbf16, #tpu.memory_space<vmem>>) dst(%dma_wait3A_222 : memref<50048x16xbf16, #tpu.memory_space<vmem_shared>>)
          %dma_start3A_223 = arith.constant 0 : i32
          %dma_start3A_224 = tpu.memref_slice %arg13[%add3A_177, %dma_start3A_223] : memref<392x128xi32, #tpu.memory_space<vmem>> -> memref<1x128xi32, #tpu.memory_space<vmem>>
          %dma_start3A_225 = tpu.memref_squeeze %dma_start3A_224 : memref<1x128xi32, #tpu.memory_space<vmem>> -> memref<128xi32, #tpu.memory_space<vmem>>
          %dma_start3A_226 = arith.constant 0 : i32
          %dma_start3A_227 = arith.constant 0 : i32
          %dma_start3A_228 = tpu.memref_slice %arg2[%dma_start3A_226, %dma_start3A_227] : memref<50000x16xbf16, #tpu.memory_space<hbm>> -> memref<50000x16xbf16, #tpu.memory_space<hbm>>
          tpu.enqueue_indirect_dma source(%dma_start3A_228 : memref<50000x16xbf16, #tpu.memory_space<hbm>>) target(%arg15 : memref<128x16xbf16, #tpu.memory_space<vmem>>) offsets(%dma_start3A_225 : memref<128xi32, #tpu.memory_space<vmem>>) semaphore(%arg20 : memref<!tpu.dma_semaphore, #tpu.memory_space<semaphore_mem>>)
        } else {
        }
        %add3A_184 = arith.constant 1 : i32
        %add3A_185 = arith.addi %mul3A_110, %add3A_184 : i32
        %add3A_186 = arith.constant 4 : i32
        %add3A_187 = arith.addi %add3A_185, %add3A_186 : i32
        %lt3A_188 = arith.constant 392 : i32
        %lt3A_189 = arith.cmpi slt, %add3A_187, %lt3A_188 : i32
        %add3A_190 = arith.constant 1 : i32
        %add3A_191 = arith.addi %mul3A_110, %add3A_190 : i32
        %convert_element_type3A_192 = arith.extui %lt3A_189 : i1 to i32
        %cond3A_193 = arith.constant 0 : i32
        %cond3A_194 = arith.cmpi ne, %convert_element_type3A_192, %cond3A_193 : i32
        scf.if %cond3A_194 {
          %dma_wait3A_217 = arith.constant 0 : i32
          %dma_wait3A_218 = tpu.memref_slice %arg14[%add3A_191, %dma_wait3A_217] : memref<392x128xi32, #tpu.memory_space<vmem>> -> memref<1x128xi32, #tpu.memory_space<vmem>>
          %dma_wait3A_219 = tpu.memref_squeeze %dma_wait3A_218 : memref<1x128xi32, #tpu.memory_space<vmem>> -> memref<128xi32, #tpu.memory_space<vmem>>
          %dma_wait3A_220 = arith.constant 0 : i32
          %dma_wait3A_221 = arith.constant 0 : i32
          %dma_wait3A_222 = tpu.memref_slice %arg19[%dma_wait3A_220, %dma_wait3A_221] : memref<50048x16xbf16, #tpu.memory_space<vmem_shared>> -> memref<50048x16xbf16, #tpu.memory_space<vmem_shared>>
          tpu.wait_indirect_dma semaphore(%arg21 : memref<!tpu.dma_semaphore, #tpu.memory_space<semaphore_mem>>) src(%arg16 : memref<128x16xbf16, #tpu.memory_space<vmem>>) dst(%dma_wait3A_222 : memref<50048x16xbf16, #tpu.memory_space<vmem_shared>>)
          %dma_start3A_223 = arith.constant 0 : i32
          %dma_start3A_224 = tpu.memref_slice %arg13[%add3A_187, %dma_start3A_223] : memref<392x128xi32, #tpu.memory_space<vmem>> -> memref<1x128xi32, #tpu.memory_space<vmem>>
          %dma_start3A_225 = tpu.memref_squeeze %dma_start3A_224 : memref<1x128xi32, #tpu.memory_space<vmem>> -> memref<128xi32, #tpu.memory_space<vmem>>
          %dma_start3A_226 = arith.constant 0 : i32
          %dma_start3A_227 = arith.constant 0 : i32
          %dma_start3A_228 = tpu.memref_slice %arg2[%dma_start3A_226, %dma_start3A_227] : memref<50000x16xbf16, #tpu.memory_space<hbm>> -> memref<50000x16xbf16, #tpu.memory_space<hbm>>
          tpu.enqueue_indirect_dma source(%dma_start3A_228 : memref<50000x16xbf16, #tpu.memory_space<hbm>>) target(%arg16 : memref<128x16xbf16, #tpu.memory_space<vmem>>) offsets(%dma_start3A_225 : memref<128xi32, #tpu.memory_space<vmem>>) semaphore(%arg21 : memref<!tpu.dma_semaphore, #tpu.memory_space<semaphore_mem>>)
        } else {
        }
        %add3A_195 = arith.constant 2 : i32
        %add3A_196 = arith.addi %mul3A_110, %add3A_195 : i32
        %add3A_197 = arith.constant 4 : i32
        %add3A_198 = arith.addi %add3A_196, %add3A_197 : i32
        %lt3A_199 = arith.constant 392 : i32
        %lt3A_200 = arith.cmpi slt, %add3A_198, %lt3A_199 : i32
        %add3A_201 = arith.constant 2 : i32
        %add3A_202 = arith.addi %mul3A_110, %add3A_201 : i32
        %convert_element_type3A_203 = arith.extui %lt3A_200 : i1 to i32
        %cond3A_204 = arith.constant 0 : i32
        %cond3A_205 = arith.cmpi ne, %convert_element_type3A_203, %cond3A_204 : i32
        scf.if %cond3A_205 {
          %dma_wait3A_217 = arith.constant 0 : i32
          %dma_wait3A_218 = tpu.memref_slice %arg14[%add3A_202, %dma_wait3A_217] : memref<392x128xi32, #tpu.memory_space<vmem>> -> memref<1x128xi32, #tpu.memory_space<vmem>>
          %dma_wait3A_219 = tpu.memref_squeeze %dma_wait3A_218 : memref<1x128xi32, #tpu.memory_space<vmem>> -> memref<128xi32, #tpu.memory_space<vmem>>
          %dma_wait3A_220 = arith.constant 0 : i32
          %dma_wait3A_221 = arith.constant 0 : i32
          %dma_wait3A_222 = tpu.memref_slice %arg19[%dma_wait3A_220, %dma_wait3A_221] : memref<50048x16xbf16, #tpu.memory_space<vmem_shared>> -> memref<50048x16xbf16, #tpu.memory_space<vmem_shared>>
          tpu.wait_indirect_dma semaphore(%arg22 : memref<!tpu.dma_semaphore, #tpu.memory_space<semaphore_mem>>) src(%arg17 : memref<128x16xbf16, #tpu.memory_space<vmem>>) dst(%dma_wait3A_222 : memref<50048x16xbf16, #tpu.memory_space<vmem_shared>>)
          %dma_start3A_223 = arith.constant 0 : i32
          %dma_start3A_224 = tpu.memref_slice %arg13[%add3A_198, %dma_start3A_223] : memref<392x128xi32, #tpu.memory_space<vmem>> -> memref<1x128xi32, #tpu.memory_space<vmem>>
          %dma_start3A_225 = tpu.memref_squeeze %dma_start3A_224 : memref<1x128xi32, #tpu.memory_space<vmem>> -> memref<128xi32, #tpu.memory_space<vmem>>
          %dma_start3A_226 = arith.constant 0 : i32
          %dma_start3A_227 = arith.constant 0 : i32
          %dma_start3A_228 = tpu.memref_slice %arg2[%dma_start3A_226, %dma_start3A_227] : memref<50000x16xbf16, #tpu.memory_space<hbm>> -> memref<50000x16xbf16, #tpu.memory_space<hbm>>
          tpu.enqueue_indirect_dma source(%dma_start3A_228 : memref<50000x16xbf16, #tpu.memory_space<hbm>>) target(%arg17 : memref<128x16xbf16, #tpu.memory_space<vmem>>) offsets(%dma_start3A_225 : memref<128xi32, #tpu.memory_space<vmem>>) semaphore(%arg22 : memref<!tpu.dma_semaphore, #tpu.memory_space<semaphore_mem>>)
        } else {
        }
        %add3A_206 = arith.constant 3 : i32
        %add3A_207 = arith.addi %mul3A_110, %add3A_206 : i32
        %add3A_208 = arith.constant 4 : i32
        %add3A_209 = arith.addi %add3A_207, %add3A_208 : i32
        %lt3A_210 = arith.constant 392 : i32
        %lt3A_211 = arith.cmpi slt, %add3A_209, %lt3A_210 : i32
        %add3A_212 = arith.constant 3 : i32
        %add3A_213 = arith.addi %mul3A_110, %add3A_212 : i32
        %convert_element_type3A_214 = arith.extui %lt3A_211 : i1 to i32
        %cond3A_215 = arith.constant 0 : i32
        %cond3A_216 = arith.cmpi ne, %convert_element_type3A_214, %cond3A_215 : i32
        scf.if %cond3A_216 {
          %dma_wait3A_217 = arith.constant 0 : i32
          %dma_wait3A_218 = tpu.memref_slice %arg14[%add3A_213, %dma_wait3A_217] : memref<392x128xi32, #tpu.memory_space<vmem>> -> memref<1x128xi32, #tpu.memory_space<vmem>>
          %dma_wait3A_219 = tpu.memref_squeeze %dma_wait3A_218 : memref<1x128xi32, #tpu.memory_space<vmem>> -> memref<128xi32, #tpu.memory_space<vmem>>
          %dma_wait3A_220 = arith.constant 0 : i32
          %dma_wait3A_221 = arith.constant 0 : i32
          %dma_wait3A_222 = tpu.memref_slice %arg19[%dma_wait3A_220, %dma_wait3A_221] : memref<50048x16xbf16, #tpu.memory_space<vmem_shared>> -> memref<50048x16xbf16, #tpu.memory_space<vmem_shared>>
          tpu.wait_indirect_dma semaphore(%arg23 : memref<!tpu.dma_semaphore, #tpu.memory_space<semaphore_mem>>) src(%arg18 : memref<128x16xbf16, #tpu.memory_space<vmem>>) dst(%dma_wait3A_222 : memref<50048x16xbf16, #tpu.memory_space<vmem_shared>>)
          %dma_start3A_223 = arith.constant 0 : i32
          %dma_start3A_224 = tpu.memref_slice %arg13[%add3A_209, %dma_start3A_223] : memref<392x128xi32, #tpu.memory_space<vmem>> -> memref<1x128xi32, #tpu.memory_space<vmem>>
          %dma_start3A_225 = tpu.memref_squeeze %dma_start3A_224 : memref<1x128xi32, #tpu.memory_space<vmem>> -> memref<128xi32, #tpu.memory_space<vmem>>
          %dma_start3A_226 = arith.constant 0 : i32
          %dma_start3A_227 = arith.constant 0 : i32
          %dma_start3A_228 = tpu.memref_slice %arg2[%dma_start3A_226, %dma_start3A_227] : memref<50000x16xbf16, #tpu.memory_space<hbm>> -> memref<50000x16xbf16, #tpu.memory_space<hbm>>
          tpu.enqueue_indirect_dma source(%dma_start3A_228 : memref<50000x16xbf16, #tpu.memory_space<hbm>>) target(%arg18 : memref<128x16xbf16, #tpu.memory_space<vmem>>) offsets(%dma_start3A_225 : memref<128xi32, #tpu.memory_space<vmem>>) semaphore(%arg23 : memref<!tpu.dma_semaphore, #tpu.memory_space<semaphore_mem>>)
        } else {
        }
      }
      %scan3A_80 = arith.constant 98 : i32
      %dma_wait3A = arith.constant 388 : i32
      %dma_wait3A_81 = arith.constant 0 : i32
      %dma_wait3A_82 = tpu.memref_slice %arg14[%dma_wait3A, %dma_wait3A_81] : memref<392x128xi32, #tpu.memory_space<vmem>> -> memref<1x128xi32, #tpu.memory_space<vmem>>
      %dma_wait3A_83 = tpu.memref_squeeze %dma_wait3A_82 : memref<1x128xi32, #tpu.memory_space<vmem>> -> memref<128xi32, #tpu.memory_space<vmem>>
      %dma_wait3A_84 = arith.constant 0 : i32
      %dma_wait3A_85 = arith.constant 0 : i32
      %dma_wait3A_86 = tpu.memref_slice %arg19[%dma_wait3A_84, %dma_wait3A_85] : memref<50048x16xbf16, #tpu.memory_space<vmem_shared>> -> memref<50048x16xbf16, #tpu.memory_space<vmem_shared>>
      tpu.wait_indirect_dma semaphore(%arg20 : memref<!tpu.dma_semaphore, #tpu.memory_space<semaphore_mem>>) src(%arg15 : memref<128x16xbf16, #tpu.memory_space<vmem>>) dst(%dma_wait3A_86 : memref<50048x16xbf16, #tpu.memory_space<vmem_shared>>)
      %dma_wait3A_87 = arith.constant 389 : i32
      %dma_wait3A_88 = arith.constant 0 : i32
      %dma_wait3A_89 = tpu.memref_slice %arg14[%dma_wait3A_87, %dma_wait3A_88] : memref<392x128xi32, #tpu.memory_space<vmem>> -> memref<1x128xi32, #tpu.memory_space<vmem>>
      %dma_wait3A_90 = tpu.memref_squeeze %dma_wait3A_89 : memref<1x128xi32, #tpu.memory_space<vmem>> -> memref<128xi32, #tpu.memory_space<vmem>>
      %dma_wait3A_91 = arith.constant 0 : i32
      %dma_wait3A_92 = arith.constant 0 : i32
      %dma_wait3A_93 = tpu.memref_slice %arg19[%dma_wait3A_91, %dma_wait3A_92] : memref<50048x16xbf16, #tpu.memory_space<vmem_shared>> -> memref<50048x16xbf16, #tpu.memory_space<vmem_shared>>
      tpu.wait_indirect_dma semaphore(%arg21 : memref<!tpu.dma_semaphore, #tpu.memory_space<semaphore_mem>>) src(%arg16 : memref<128x16xbf16, #tpu.memory_space<vmem>>) dst(%dma_wait3A_93 : memref<50048x16xbf16, #tpu.memory_space<vmem_shared>>)
      %dma_wait3A_94 = arith.constant 390 : i32
      %dma_wait3A_95 = arith.constant 0 : i32
      %dma_wait3A_96 = tpu.memref_slice %arg14[%dma_wait3A_94, %dma_wait3A_95] : memref<392x128xi32, #tpu.memory_space<vmem>> -> memref<1x128xi32, #tpu.memory_space<vmem>>
      %dma_wait3A_97 = tpu.memref_squeeze %dma_wait3A_96 : memref<1x128xi32, #tpu.memory_space<vmem>> -> memref<128xi32, #tpu.memory_space<vmem>>
      %dma_wait3A_98 = arith.constant 0 : i32
      %dma_wait3A_99 = arith.constant 0 : i32
      %dma_wait3A_100 = tpu.memref_slice %arg19[%dma_wait3A_98, %dma_wait3A_99] : memref<50048x16xbf16, #tpu.memory_space<vmem_shared>> -> memref<50048x16xbf16, #tpu.memory_space<vmem_shared>>
      tpu.wait_indirect_dma semaphore(%arg22 : memref<!tpu.dma_semaphore, #tpu.memory_space<semaphore_mem>>) src(%arg17 : memref<128x16xbf16, #tpu.memory_space<vmem>>) dst(%dma_wait3A_100 : memref<50048x16xbf16, #tpu.memory_space<vmem_shared>>)
      %dma_wait3A_101 = arith.constant 391 : i32
      %dma_wait3A_102 = arith.constant 0 : i32
      %dma_wait3A_103 = tpu.memref_slice %arg14[%dma_wait3A_101, %dma_wait3A_102] : memref<392x128xi32, #tpu.memory_space<vmem>> -> memref<1x128xi32, #tpu.memory_space<vmem>>
      %dma_wait3A_104 = tpu.memref_squeeze %dma_wait3A_103 : memref<1x128xi32, #tpu.memory_space<vmem>> -> memref<128xi32, #tpu.memory_space<vmem>>
      %dma_wait3A_105 = arith.constant 0 : i32
      %dma_wait3A_106 = arith.constant 0 : i32
      %dma_wait3A_107 = tpu.memref_slice %arg19[%dma_wait3A_105, %dma_wait3A_106] : memref<50048x16xbf16, #tpu.memory_space<vmem_shared>> -> memref<50048x16xbf16, #tpu.memory_space<vmem_shared>>
      tpu.wait_indirect_dma semaphore(%arg23 : memref<!tpu.dma_semaphore, #tpu.memory_space<semaphore_mem>>) src(%arg18 : memref<128x16xbf16, #tpu.memory_space<vmem>>) dst(%dma_wait3A_107 : memref<50048x16xbf16, #tpu.memory_space<vmem_shared>>)
    } else {
    }
    %eq3A_7 = arith.constant 1 : i32
    %eq3A_8 = arith.cmpi eq, %arg0, %eq3A_7 : i32
    %convert_element_type3A_9 = arith.extui %eq3A_8 : i1 to i32
    %cond3A_10 = arith.constant 0 : i32
    %cond3A_11 = arith.cmpi ne, %convert_element_type3A_9, %cond3A_10 : i32
    scf.if %cond3A_11 {
      %dma_start3A = arith.constant 0 : i32
      %dma_start3A_49 = arith.constant 0 : i32
      %dma_start3A_50 = tpu.memref_slice %arg13[%dma_start3A, %dma_start3A_49] : memref<392x128xi32, #tpu.memory_space<vmem>> -> memref<1x128xi32, #tpu.memory_space<vmem>>
      %dma_start3A_51 = tpu.memref_squeeze %dma_start3A_50 : memref<1x128xi32, #tpu.memory_space<vmem>> -> memref<128xi32, #tpu.memory_space<vmem>>
      %dma_start3A_52 = arith.constant 0 : i32
      %dma_start3A_53 = arith.constant 0 : i32
      %dma_start3A_54 = tpu.memref_slice %arg3[%dma_start3A_52, %dma_start3A_53] : memref<50000x16xbf16, #tpu.memory_space<hbm>> -> memref<50000x16xbf16, #tpu.memory_space<hbm>>
      tpu.enqueue_indirect_dma source(%dma_start3A_54 : memref<50000x16xbf16, #tpu.memory_space<hbm>>) target(%arg15 : memref<128x16xbf16, #tpu.memory_space<vmem>>) offsets(%dma_start3A_51 : memref<128xi32, #tpu.memory_space<vmem>>) semaphore(%arg20 : memref<!tpu.dma_semaphore, #tpu.memory_space<semaphore_mem>>)
      %dma_start3A_55 = arith.constant 1 : i32
      %dma_start3A_56 = arith.constant 0 : i32
      %dma_start3A_57 = tpu.memref_slice %arg13[%dma_start3A_55, %dma_start3A_56] : memref<392x128xi32, #tpu.memory_space<vmem>> -> memref<1x128xi32, #tpu.memory_space<vmem>>
      %dma_start3A_58 = tpu.memref_squeeze %dma_start3A_57 : memref<1x128xi32, #tpu.memory_space<vmem>> -> memref<128xi32, #tpu.memory_space<vmem>>
      %dma_start3A_59 = arith.constant 0 : i32
      %dma_start3A_60 = arith.constant 0 : i32
      %dma_start3A_61 = tpu.memref_slice %arg3[%dma_start3A_59, %dma_start3A_60] : memref<50000x16xbf16, #tpu.memory_space<hbm>> -> memref<50000x16xbf16, #tpu.memory_space<hbm>>
      tpu.enqueue_indirect_dma source(%dma_start3A_61 : memref<50000x16xbf16, #tpu.memory_space<hbm>>) target(%arg16 : memref<128x16xbf16, #tpu.memory_space<vmem>>) offsets(%dma_start3A_58 : memref<128xi32, #tpu.memory_space<vmem>>) semaphore(%arg21 : memref<!tpu.dma_semaphore, #tpu.memory_space<semaphore_mem>>)
      %dma_start3A_62 = arith.constant 2 : i32
      %dma_start3A_63 = arith.constant 0 : i32
      %dma_start3A_64 = tpu.memref_slice %arg13[%dma_start3A_62, %dma_start3A_63] : memref<392x128xi32, #tpu.memory_space<vmem>> -> memref<1x128xi32, #tpu.memory_space<vmem>>
      %dma_start3A_65 = tpu.memref_squeeze %dma_start3A_64 : memref<1x128xi32, #tpu.memory_space<vmem>> -> memref<128xi32, #tpu.memory_space<vmem>>
      %dma_start3A_66 = arith.constant 0 : i32
      %dma_start3A_67 = arith.constant 0 : i32
      %dma_start3A_68 = tpu.memref_slice %arg3[%dma_start3A_66, %dma_start3A_67] : memref<50000x16xbf16, #tpu.memory_space<hbm>> -> memref<50000x16xbf16, #tpu.memory_space<hbm>>
      tpu.enqueue_indirect_dma source(%dma_start3A_68 : memref<50000x16xbf16, #tpu.memory_space<hbm>>) target(%arg17 : memref<128x16xbf16, #tpu.memory_space<vmem>>) offsets(%dma_start3A_65 : memref<128xi32, #tpu.memory_space<vmem>>) semaphore(%arg22 : memref<!tpu.dma_semaphore, #tpu.memory_space<semaphore_mem>>)
      %dma_start3A_69 = arith.constant 3 : i32
      %dma_start3A_70 = arith.constant 0 : i32
      %dma_start3A_71 = tpu.memref_slice %arg13[%dma_start3A_69, %dma_start3A_70] : memref<392x128xi32, #tpu.memory_space<vmem>> -> memref<1x128xi32, #tpu.memory_space<vmem>>
      %dma_start3A_72 = tpu.memref_squeeze %dma_start3A_71 : memref<1x128xi32, #tpu.memory_space<vmem>> -> memref<128xi32, #tpu.memory_space<vmem>>
      %dma_start3A_73 = arith.constant 0 : i32
      %dma_start3A_74 = arith.constant 0 : i32
      %dma_start3A_75 = tpu.memref_slice %arg3[%dma_start3A_73, %dma_start3A_74] : memref<50000x16xbf16, #tpu.memory_space<hbm>> -> memref<50000x16xbf16, #tpu.memory_space<hbm>>
      tpu.enqueue_indirect_dma source(%dma_start3A_75 : memref<50000x16xbf16, #tpu.memory_space<hbm>>) target(%arg18 : memref<128x16xbf16, #tpu.memory_space<vmem>>) offsets(%dma_start3A_72 : memref<128xi32, #tpu.memory_space<vmem>>) semaphore(%arg23 : memref<!tpu.dma_semaphore, #tpu.memory_space<semaphore_mem>>)
      %scan3A = arith.constant 0 : i32
      %scan3A_76 = arith.constant 0 : i32
      %scan3A_77 = arith.constant 98 : i32
      %scan3A_78 = arith.addi %scan3A_76, %scan3A_77 : i32
      %scan3A_79 = arith.constant 1 : i32
      scf.for %scan3A_108 = %scan3A_76 to %scan3A_78 step %scan3A_79  : i32 {
        %mul3A_109 = arith.constant 4 : i32
        %mul3A_110 = arith.muli %mul3A_109, %scan3A_108 : i32
        %add3A = arith.constant 0 : i32
        %add3A_111 = arith.addi %mul3A_110, %add3A : i32
        %dma_wait3A_112 = arith.constant 0 : i32
        %dma_wait3A_113 = tpu.memref_slice %arg13[%add3A_111, %dma_wait3A_112] : memref<392x128xi32, #tpu.memory_space<vmem>> -> memref<1x128xi32, #tpu.memory_space<vmem>>
        %dma_wait3A_114 = tpu.memref_squeeze %dma_wait3A_113 : memref<1x128xi32, #tpu.memory_space<vmem>> -> memref<128xi32, #tpu.memory_space<vmem>>
        %dma_wait3A_115 = arith.constant 0 : i32
        %dma_wait3A_116 = arith.constant 0 : i32
        %dma_wait3A_117 = tpu.memref_slice %arg3[%dma_wait3A_115, %dma_wait3A_116] : memref<50000x16xbf16, #tpu.memory_space<hbm>> -> memref<50000x16xbf16, #tpu.memory_space<hbm>>
        tpu.wait_indirect_dma semaphore(%arg20 : memref<!tpu.dma_semaphore, #tpu.memory_space<semaphore_mem>>) src(%dma_wait3A_117 : memref<50000x16xbf16, #tpu.memory_space<hbm>>) dst(%arg15 : memref<128x16xbf16, #tpu.memory_space<vmem>>)
        %add3A_118 = arith.constant 0 : i32
        %add3A_119 = arith.addi %mul3A_110, %add3A_118 : i32
        %dma_start3A_120 = arith.constant 0 : i32
        %dma_start3A_121 = tpu.memref_slice %arg14[%add3A_119, %dma_start3A_120] : memref<392x128xi32, #tpu.memory_space<vmem>> -> memref<1x128xi32, #tpu.memory_space<vmem>>
        %dma_start3A_122 = tpu.memref_squeeze %dma_start3A_121 : memref<1x128xi32, #tpu.memory_space<vmem>> -> memref<128xi32, #tpu.memory_space<vmem>>
        %dma_start3A_123 = arith.constant 0 : i32
        %dma_start3A_124 = arith.constant 0 : i32
        %dma_start3A_125 = tpu.memref_slice %arg19[%dma_start3A_123, %dma_start3A_124] : memref<50048x16xbf16, #tpu.memory_space<vmem_shared>> -> memref<50048x16xbf16, #tpu.memory_space<vmem_shared>>
        tpu.enqueue_indirect_dma source(%arg15 : memref<128x16xbf16, #tpu.memory_space<vmem>>) target(%dma_start3A_125 : memref<50048x16xbf16, #tpu.memory_space<vmem_shared>>) offsets(%dma_start3A_122 : memref<128xi32, #tpu.memory_space<vmem>>) semaphore(%arg20 : memref<!tpu.dma_semaphore, #tpu.memory_space<semaphore_mem>>) {add = true}
        %add3A_126 = arith.constant 1 : i32
        %add3A_127 = arith.addi %mul3A_110, %add3A_126 : i32
        %dma_wait3A_128 = arith.constant 0 : i32
        %dma_wait3A_129 = tpu.memref_slice %arg13[%add3A_127, %dma_wait3A_128] : memref<392x128xi32, #tpu.memory_space<vmem>> -> memref<1x128xi32, #tpu.memory_space<vmem>>
        %dma_wait3A_130 = tpu.memref_squeeze %dma_wait3A_129 : memref<1x128xi32, #tpu.memory_space<vmem>> -> memref<128xi32, #tpu.memory_space<vmem>>
        %dma_wait3A_131 = arith.constant 0 : i32
        %dma_wait3A_132 = arith.constant 0 : i32
        %dma_wait3A_133 = tpu.memref_slice %arg3[%dma_wait3A_131, %dma_wait3A_132] : memref<50000x16xbf16, #tpu.memory_space<hbm>> -> memref<50000x16xbf16, #tpu.memory_space<hbm>>
        tpu.wait_indirect_dma semaphore(%arg21 : memref<!tpu.dma_semaphore, #tpu.memory_space<semaphore_mem>>) src(%dma_wait3A_133 : memref<50000x16xbf16, #tpu.memory_space<hbm>>) dst(%arg16 : memref<128x16xbf16, #tpu.memory_space<vmem>>)
        %add3A_134 = arith.constant 1 : i32
        %add3A_135 = arith.addi %mul3A_110, %add3A_134 : i32
        %dma_start3A_136 = arith.constant 0 : i32
        %dma_start3A_137 = tpu.memref_slice %arg14[%add3A_135, %dma_start3A_136] : memref<392x128xi32, #tpu.memory_space<vmem>> -> memref<1x128xi32, #tpu.memory_space<vmem>>
        %dma_start3A_138 = tpu.memref_squeeze %dma_start3A_137 : memref<1x128xi32, #tpu.memory_space<vmem>> -> memref<128xi32, #tpu.memory_space<vmem>>
        %dma_start3A_139 = arith.constant 0 : i32
        %dma_start3A_140 = arith.constant 0 : i32
        %dma_start3A_141 = tpu.memref_slice %arg19[%dma_start3A_139, %dma_start3A_140] : memref<50048x16xbf16, #tpu.memory_space<vmem_shared>> -> memref<50048x16xbf16, #tpu.memory_space<vmem_shared>>
        tpu.enqueue_indirect_dma source(%arg16 : memref<128x16xbf16, #tpu.memory_space<vmem>>) target(%dma_start3A_141 : memref<50048x16xbf16, #tpu.memory_space<vmem_shared>>) offsets(%dma_start3A_138 : memref<128xi32, #tpu.memory_space<vmem>>) semaphore(%arg21 : memref<!tpu.dma_semaphore, #tpu.memory_space<semaphore_mem>>) {add = true}
        %add3A_142 = arith.constant 2 : i32
        %add3A_143 = arith.addi %mul3A_110, %add3A_142 : i32
        %dma_wait3A_144 = arith.constant 0 : i32
        %dma_wait3A_145 = tpu.memref_slice %arg13[%add3A_143, %dma_wait3A_144] : memref<392x128xi32, #tpu.memory_space<vmem>> -> memref<1x128xi32, #tpu.memory_space<vmem>>
        %dma_wait3A_146 = tpu.memref_squeeze %dma_wait3A_145 : memref<1x128xi32, #tpu.memory_space<vmem>> -> memref<128xi32, #tpu.memory_space<vmem>>
        %dma_wait3A_147 = arith.constant 0 : i32
        %dma_wait3A_148 = arith.constant 0 : i32
        %dma_wait3A_149 = tpu.memref_slice %arg3[%dma_wait3A_147, %dma_wait3A_148] : memref<50000x16xbf16, #tpu.memory_space<hbm>> -> memref<50000x16xbf16, #tpu.memory_space<hbm>>
        tpu.wait_indirect_dma semaphore(%arg22 : memref<!tpu.dma_semaphore, #tpu.memory_space<semaphore_mem>>) src(%dma_wait3A_149 : memref<50000x16xbf16, #tpu.memory_space<hbm>>) dst(%arg17 : memref<128x16xbf16, #tpu.memory_space<vmem>>)
        %add3A_150 = arith.constant 2 : i32
        %add3A_151 = arith.addi %mul3A_110, %add3A_150 : i32
        %dma_start3A_152 = arith.constant 0 : i32
        %dma_start3A_153 = tpu.memref_slice %arg14[%add3A_151, %dma_start3A_152] : memref<392x128xi32, #tpu.memory_space<vmem>> -> memref<1x128xi32, #tpu.memory_space<vmem>>
        %dma_start3A_154 = tpu.memref_squeeze %dma_start3A_153 : memref<1x128xi32, #tpu.memory_space<vmem>> -> memref<128xi32, #tpu.memory_space<vmem>>
        %dma_start3A_155 = arith.constant 0 : i32
        %dma_start3A_156 = arith.constant 0 : i32
        %dma_start3A_157 = tpu.memref_slice %arg19[%dma_start3A_155, %dma_start3A_156] : memref<50048x16xbf16, #tpu.memory_space<vmem_shared>> -> memref<50048x16xbf16, #tpu.memory_space<vmem_shared>>
        tpu.enqueue_indirect_dma source(%arg17 : memref<128x16xbf16, #tpu.memory_space<vmem>>) target(%dma_start3A_157 : memref<50048x16xbf16, #tpu.memory_space<vmem_shared>>) offsets(%dma_start3A_154 : memref<128xi32, #tpu.memory_space<vmem>>) semaphore(%arg22 : memref<!tpu.dma_semaphore, #tpu.memory_space<semaphore_mem>>) {add = true}
        %add3A_158 = arith.constant 3 : i32
        %add3A_159 = arith.addi %mul3A_110, %add3A_158 : i32
        %dma_wait3A_160 = arith.constant 0 : i32
        %dma_wait3A_161 = tpu.memref_slice %arg13[%add3A_159, %dma_wait3A_160] : memref<392x128xi32, #tpu.memory_space<vmem>> -> memref<1x128xi32, #tpu.memory_space<vmem>>
        %dma_wait3A_162 = tpu.memref_squeeze %dma_wait3A_161 : memref<1x128xi32, #tpu.memory_space<vmem>> -> memref<128xi32, #tpu.memory_space<vmem>>
        %dma_wait3A_163 = arith.constant 0 : i32
        %dma_wait3A_164 = arith.constant 0 : i32
        %dma_wait3A_165 = tpu.memref_slice %arg3[%dma_wait3A_163, %dma_wait3A_164] : memref<50000x16xbf16, #tpu.memory_space<hbm>> -> memref<50000x16xbf16, #tpu.memory_space<hbm>>
        tpu.wait_indirect_dma semaphore(%arg23 : memref<!tpu.dma_semaphore, #tpu.memory_space<semaphore_mem>>) src(%dma_wait3A_165 : memref<50000x16xbf16, #tpu.memory_space<hbm>>) dst(%arg18 : memref<128x16xbf16, #tpu.memory_space<vmem>>)
        %add3A_166 = arith.constant 3 : i32
        %add3A_167 = arith.addi %mul3A_110, %add3A_166 : i32
        %dma_start3A_168 = arith.constant 0 : i32
        %dma_start3A_169 = tpu.memref_slice %arg14[%add3A_167, %dma_start3A_168] : memref<392x128xi32, #tpu.memory_space<vmem>> -> memref<1x128xi32, #tpu.memory_space<vmem>>
        %dma_start3A_170 = tpu.memref_squeeze %dma_start3A_169 : memref<1x128xi32, #tpu.memory_space<vmem>> -> memref<128xi32, #tpu.memory_space<vmem>>
        %dma_start3A_171 = arith.constant 0 : i32
        %dma_start3A_172 = arith.constant 0 : i32
        %dma_start3A_173 = tpu.memref_slice %arg19[%dma_start3A_171, %dma_start3A_172] : memref<50048x16xbf16, #tpu.memory_space<vmem_shared>> -> memref<50048x16xbf16, #tpu.memory_space<vmem_shared>>
        tpu.enqueue_indirect_dma source(%arg18 : memref<128x16xbf16, #tpu.memory_space<vmem>>) target(%dma_start3A_173 : memref<50048x16xbf16, #tpu.memory_space<vmem_shared>>) offsets(%dma_start3A_170 : memref<128xi32, #tpu.memory_space<vmem>>) semaphore(%arg23 : memref<!tpu.dma_semaphore, #tpu.memory_space<semaphore_mem>>) {add = true}
        %add3A_174 = arith.constant 0 : i32
        %add3A_175 = arith.addi %mul3A_110, %add3A_174 : i32
        %add3A_176 = arith.constant 4 : i32
        %add3A_177 = arith.addi %add3A_175, %add3A_176 : i32
        %lt3A = arith.constant 392 : i32
        %lt3A_178 = arith.cmpi slt, %add3A_177, %lt3A : i32
        %add3A_179 = arith.constant 0 : i32
        %add3A_180 = arith.addi %mul3A_110, %add3A_179 : i32
        %convert_element_type3A_181 = arith.extui %lt3A_178 : i1 to i32
        %cond3A_182 = arith.constant 0 : i32
        %cond3A_183 = arith.cmpi ne, %convert_element_type3A_181, %cond3A_182 : i32
        scf.if %cond3A_183 {
          %dma_wait3A_217 = arith.constant 0 : i32
          %dma_wait3A_218 = tpu.memref_slice %arg14[%add3A_180, %dma_wait3A_217] : memref<392x128xi32, #tpu.memory_space<vmem>> -> memref<1x128xi32, #tpu.memory_space<vmem>>
          %dma_wait3A_219 = tpu.memref_squeeze %dma_wait3A_218 : memref<1x128xi32, #tpu.memory_space<vmem>> -> memref<128xi32, #tpu.memory_space<vmem>>
          %dma_wait3A_220 = arith.constant 0 : i32
          %dma_wait3A_221 = arith.constant 0 : i32
          %dma_wait3A_222 = tpu.memref_slice %arg19[%dma_wait3A_220, %dma_wait3A_221] : memref<50048x16xbf16, #tpu.memory_space<vmem_shared>> -> memref<50048x16xbf16, #tpu.memory_space<vmem_shared>>
          tpu.wait_indirect_dma semaphore(%arg20 : memref<!tpu.dma_semaphore, #tpu.memory_space<semaphore_mem>>) src(%arg15 : memref<128x16xbf16, #tpu.memory_space<vmem>>) dst(%dma_wait3A_222 : memref<50048x16xbf16, #tpu.memory_space<vmem_shared>>)
          %dma_start3A_223 = arith.constant 0 : i32
          %dma_start3A_224 = tpu.memref_slice %arg13[%add3A_177, %dma_start3A_223] : memref<392x128xi32, #tpu.memory_space<vmem>> -> memref<1x128xi32, #tpu.memory_space<vmem>>
          %dma_start3A_225 = tpu.memref_squeeze %dma_start3A_224 : memref<1x128xi32, #tpu.memory_space<vmem>> -> memref<128xi32, #tpu.memory_space<vmem>>
          %dma_start3A_226 = arith.constant 0 : i32
          %dma_start3A_227 = arith.constant 0 : i32
          %dma_start3A_228 = tpu.memref_slice %arg3[%dma_start3A_226, %dma_start3A_227] : memref<50000x16xbf16, #tpu.memory_space<hbm>> -> memref<50000x16xbf16, #tpu.memory_space<hbm>>
          tpu.enqueue_indirect_dma source(%dma_start3A_228 : memref<50000x16xbf16, #tpu.memory_space<hbm>>) target(%arg15 : memref<128x16xbf16, #tpu.memory_space<vmem>>) offsets(%dma_start3A_225 : memref<128xi32, #tpu.memory_space<vmem>>) semaphore(%arg20 : memref<!tpu.dma_semaphore, #tpu.memory_space<semaphore_mem>>)
        } else {
        }
        %add3A_184 = arith.constant 1 : i32
        %add3A_185 = arith.addi %mul3A_110, %add3A_184 : i32
        %add3A_186 = arith.constant 4 : i32
        %add3A_187 = arith.addi %add3A_185, %add3A_186 : i32
        %lt3A_188 = arith.constant 392 : i32
        %lt3A_189 = arith.cmpi slt, %add3A_187, %lt3A_188 : i32
        %add3A_190 = arith.constant 1 : i32
        %add3A_191 = arith.addi %mul3A_110, %add3A_190 : i32
        %convert_element_type3A_192 = arith.extui %lt3A_189 : i1 to i32
        %cond3A_193 = arith.constant 0 : i32
        %cond3A_194 = arith.cmpi ne, %convert_element_type3A_192, %cond3A_193 : i32
        scf.if %cond3A_194 {
          %dma_wait3A_217 = arith.constant 0 : i32
          %dma_wait3A_218 = tpu.memref_slice %arg14[%add3A_191, %dma_wait3A_217] : memref<392x128xi32, #tpu.memory_space<vmem>> -> memref<1x128xi32, #tpu.memory_space<vmem>>
          %dma_wait3A_219 = tpu.memref_squeeze %dma_wait3A_218 : memref<1x128xi32, #tpu.memory_space<vmem>> -> memref<128xi32, #tpu.memory_space<vmem>>
          %dma_wait3A_220 = arith.constant 0 : i32
          %dma_wait3A_221 = arith.constant 0 : i32
          %dma_wait3A_222 = tpu.memref_slice %arg19[%dma_wait3A_220, %dma_wait3A_221] : memref<50048x16xbf16, #tpu.memory_space<vmem_shared>> -> memref<50048x16xbf16, #tpu.memory_space<vmem_shared>>
          tpu.wait_indirect_dma semaphore(%arg21 : memref<!tpu.dma_semaphore, #tpu.memory_space<semaphore_mem>>) src(%arg16 : memref<128x16xbf16, #tpu.memory_space<vmem>>) dst(%dma_wait3A_222 : memref<50048x16xbf16, #tpu.memory_space<vmem_shared>>)
          %dma_start3A_223 = arith.constant 0 : i32
          %dma_start3A_224 = tpu.memref_slice %arg13[%add3A_187, %dma_start3A_223] : memref<392x128xi32, #tpu.memory_space<vmem>> -> memref<1x128xi32, #tpu.memory_space<vmem>>
          %dma_start3A_225 = tpu.memref_squeeze %dma_start3A_224 : memref<1x128xi32, #tpu.memory_space<vmem>> -> memref<128xi32, #tpu.memory_space<vmem>>
          %dma_start3A_226 = arith.constant 0 : i32
          %dma_start3A_227 = arith.constant 0 : i32
          %dma_start3A_228 = tpu.memref_slice %arg3[%dma_start3A_226, %dma_start3A_227] : memref<50000x16xbf16, #tpu.memory_space<hbm>> -> memref<50000x16xbf16, #tpu.memory_space<hbm>>
          tpu.enqueue_indirect_dma source(%dma_start3A_228 : memref<50000x16xbf16, #tpu.memory_space<hbm>>) target(%arg16 : memref<128x16xbf16, #tpu.memory_space<vmem>>) offsets(%dma_start3A_225 : memref<128xi32, #tpu.memory_space<vmem>>) semaphore(%arg21 : memref<!tpu.dma_semaphore, #tpu.memory_space<semaphore_mem>>)
        } else {
        }
        %add3A_195 = arith.constant 2 : i32
        %add3A_196 = arith.addi %mul3A_110, %add3A_195 : i32
        %add3A_197 = arith.constant 4 : i32
        %add3A_198 = arith.addi %add3A_196, %add3A_197 : i32
        %lt3A_199 = arith.constant 392 : i32
        %lt3A_200 = arith.cmpi slt, %add3A_198, %lt3A_199 : i32
        %add3A_201 = arith.constant 2 : i32
        %add3A_202 = arith.addi %mul3A_110, %add3A_201 : i32
        %convert_element_type3A_203 = arith.extui %lt3A_200 : i1 to i32
        %cond3A_204 = arith.constant 0 : i32
        %cond3A_205 = arith.cmpi ne, %convert_element_type3A_203, %cond3A_204 : i32
        scf.if %cond3A_205 {
          %dma_wait3A_217 = arith.constant 0 : i32
          %dma_wait3A_218 = tpu.memref_slice %arg14[%add3A_202, %dma_wait3A_217] : memref<392x128xi32, #tpu.memory_space<vmem>> -> memref<1x128xi32, #tpu.memory_space<vmem>>
          %dma_wait3A_219 = tpu.memref_squeeze %dma_wait3A_218 : memref<1x128xi32, #tpu.memory_space<vmem>> -> memref<128xi32, #tpu.memory_space<vmem>>
          %dma_wait3A_220 = arith.constant 0 : i32
          %dma_wait3A_221 = arith.constant 0 : i32
          %dma_wait3A_222 = tpu.memref_slice %arg19[%dma_wait3A_220, %dma_wait3A_221] : memref<50048x16xbf16, #tpu.memory_space<vmem_shared>> -> memref<50048x16xbf16, #tpu.memory_space<vmem_shared>>
          tpu.wait_indirect_dma semaphore(%arg22 : memref<!tpu.dma_semaphore, #tpu.memory_space<semaphore_mem>>) src(%arg17 : memref<128x16xbf16, #tpu.memory_space<vmem>>) dst(%dma_wait3A_222 : memref<50048x16xbf16, #tpu.memory_space<vmem_shared>>)
          %dma_start3A_223 = arith.constant 0 : i32
          %dma_start3A_224 = tpu.memref_slice %arg13[%add3A_198, %dma_start3A_223] : memref<392x128xi32, #tpu.memory_space<vmem>> -> memref<1x128xi32, #tpu.memory_space<vmem>>
          %dma_start3A_225 = tpu.memref_squeeze %dma_start3A_224 : memref<1x128xi32, #tpu.memory_space<vmem>> -> memref<128xi32, #tpu.memory_space<vmem>>
          %dma_start3A_226 = arith.constant 0 : i32
          %dma_start3A_227 = arith.constant 0 : i32
          %dma_start3A_228 = tpu.memref_slice %arg3[%dma_start3A_226, %dma_start3A_227] : memref<50000x16xbf16, #tpu.memory_space<hbm>> -> memref<50000x16xbf16, #tpu.memory_space<hbm>>
          tpu.enqueue_indirect_dma source(%dma_start3A_228 : memref<50000x16xbf16, #tpu.memory_space<hbm>>) target(%arg17 : memref<128x16xbf16, #tpu.memory_space<vmem>>) offsets(%dma_start3A_225 : memref<128xi32, #tpu.memory_space<vmem>>) semaphore(%arg22 : memref<!tpu.dma_semaphore, #tpu.memory_space<semaphore_mem>>)
        } else {
        }
        %add3A_206 = arith.constant 3 : i32
        %add3A_207 = arith.addi %mul3A_110, %add3A_206 : i32
        %add3A_208 = arith.constant 4 : i32
        %add3A_209 = arith.addi %add3A_207, %add3A_208 : i32
        %lt3A_210 = arith.constant 392 : i32
        %lt3A_211 = arith.cmpi slt, %add3A_209, %lt3A_210 : i32
        %add3A_212 = arith.constant 3 : i32
        %add3A_213 = arith.addi %mul3A_110, %add3A_212 : i32
        %convert_element_type3A_214 = arith.extui %lt3A_211 : i1 to i32
        %cond3A_215 = arith.constant 0 : i32
        %cond3A_216 = arith.cmpi ne, %convert_element_type3A_214, %cond3A_215 : i32
        scf.if %cond3A_216 {
          %dma_wait3A_217 = arith.constant 0 : i32
          %dma_wait3A_218 = tpu.memref_slice %arg14[%add3A_213, %dma_wait3A_217] : memref<392x128xi32, #tpu.memory_space<vmem>> -> memref<1x128xi32, #tpu.memory_space<vmem>>
          %dma_wait3A_219 = tpu.memref_squeeze %dma_wait3A_218 : memref<1x128xi32, #tpu.memory_space<vmem>> -> memref<128xi32, #tpu.memory_space<vmem>>
          %dma_wait3A_220 = arith.constant 0 : i32
          %dma_wait3A_221 = arith.constant 0 : i32
          %dma_wait3A_222 = tpu.memref_slice %arg19[%dma_wait3A_220, %dma_wait3A_221] : memref<50048x16xbf16, #tpu.memory_space<vmem_shared>> -> memref<50048x16xbf16, #tpu.memory_space<vmem_shared>>
          tpu.wait_indirect_dma semaphore(%arg23 : memref<!tpu.dma_semaphore, #tpu.memory_space<semaphore_mem>>) src(%arg18 : memref<128x16xbf16, #tpu.memory_space<vmem>>) dst(%dma_wait3A_222 : memref<50048x16xbf16, #tpu.memory_space<vmem_shared>>)
          %dma_start3A_223 = arith.constant 0 : i32
          %dma_start3A_224 = tpu.memref_slice %arg13[%add3A_209, %dma_start3A_223] : memref<392x128xi32, #tpu.memory_space<vmem>> -> memref<1x128xi32, #tpu.memory_space<vmem>>
          %dma_start3A_225 = tpu.memref_squeeze %dma_start3A_224 : memref<1x128xi32, #tpu.memory_space<vmem>> -> memref<128xi32, #tpu.memory_space<vmem>>
          %dma_start3A_226 = arith.constant 0 : i32
          %dma_start3A_227 = arith.constant 0 : i32
          %dma_start3A_228 = tpu.memref_slice %arg3[%dma_start3A_226, %dma_start3A_227] : memref<50000x16xbf16, #tpu.memory_space<hbm>> -> memref<50000x16xbf16, #tpu.memory_space<hbm>>
          tpu.enqueue_indirect_dma source(%dma_start3A_228 : memref<50000x16xbf16, #tpu.memory_space<hbm>>) target(%arg18 : memref<128x16xbf16, #tpu.memory_space<vmem>>) offsets(%dma_start3A_225 : memref<128xi32, #tpu.memory_space<vmem>>) semaphore(%arg23 : memref<!tpu.dma_semaphore, #tpu.memory_space<semaphore_mem>>)
        } else {
        }
      }
      %scan3A_80 = arith.constant 98 : i32
      %dma_wait3A = arith.constant 388 : i32
      %dma_wait3A_81 = arith.constant 0 : i32
      %dma_wait3A_82 = tpu.memref_slice %arg14[%dma_wait3A, %dma_wait3A_81] : memref<392x128xi32, #tpu.memory_space<vmem>> -> memref<1x128xi32, #tpu.memory_space<vmem>>
      %dma_wait3A_83 = tpu.memref_squeeze %dma_wait3A_82 : memref<1x128xi32, #tpu.memory_space<vmem>> -> memref<128xi32, #tpu.memory_space<vmem>>
      %dma_wait3A_84 = arith.constant 0 : i32
      %dma_wait3A_85 = arith.constant 0 : i32
      %dma_wait3A_86 = tpu.memref_slice %arg19[%dma_wait3A_84, %dma_wait3A_85] : memref<50048x16xbf16, #tpu.memory_space<vmem_shared>> -> memref<50048x16xbf16, #tpu.memory_space<vmem_shared>>
      tpu.wait_indirect_dma semaphore(%arg20 : memref<!tpu.dma_semaphore, #tpu.memory_space<semaphore_mem>>) src(%arg15 : memref<128x16xbf16, #tpu.memory_space<vmem>>) dst(%dma_wait3A_86 : memref<50048x16xbf16, #tpu.memory_space<vmem_shared>>)
      %dma_wait3A_87 = arith.constant 389 : i32
      %dma_wait3A_88 = arith.constant 0 : i32
      %dma_wait3A_89 = tpu.memref_slice %arg14[%dma_wait3A_87, %dma_wait3A_88] : memref<392x128xi32, #tpu.memory_space<vmem>> -> memref<1x128xi32, #tpu.memory_space<vmem>>
      %dma_wait3A_90 = tpu.memref_squeeze %dma_wait3A_89 : memref<1x128xi32, #tpu.memory_space<vmem>> -> memref<128xi32, #tpu.memory_space<vmem>>
      %dma_wait3A_91 = arith.constant 0 : i32
      %dma_wait3A_92 = arith.constant 0 : i32
      %dma_wait3A_93 = tpu.memref_slice %arg19[%dma_wait3A_91, %dma_wait3A_92] : memref<50048x16xbf16, #tpu.memory_space<vmem_shared>> -> memref<50048x16xbf16, #tpu.memory_space<vmem_shared>>
      tpu.wait_indirect_dma semaphore(%arg21 : memref<!tpu.dma_semaphore, #tpu.memory_space<semaphore_mem>>) src(%arg16 : memref<128x16xbf16, #tpu.memory_space<vmem>>) dst(%dma_wait3A_93 : memref<50048x16xbf16, #tpu.memory_space<vmem_shared>>)
      %dma_wait3A_94 = arith.constant 390 : i32
      %dma_wait3A_95 = arith.constant 0 : i32
      %dma_wait3A_96 = tpu.memref_slice %arg14[%dma_wait3A_94, %dma_wait3A_95] : memref<392x128xi32, #tpu.memory_space<vmem>> -> memref<1x128xi32, #tpu.memory_space<vmem>>
      %dma_wait3A_97 = tpu.memref_squeeze %dma_wait3A_96 : memref<1x128xi32, #tpu.memory_space<vmem>> -> memref<128xi32, #tpu.memory_space<vmem>>
      %dma_wait3A_98 = arith.constant 0 : i32
      %dma_wait3A_99 = arith.constant 0 : i32
      %dma_wait3A_100 = tpu.memref_slice %arg19[%dma_wait3A_98, %dma_wait3A_99] : memref<50048x16xbf16, #tpu.memory_space<vmem_shared>> -> memref<50048x16xbf16, #tpu.memory_space<vmem_shared>>
      tpu.wait_indirect_dma semaphore(%arg22 : memref<!tpu.dma_semaphore, #tpu.memory_space<semaphore_mem>>) src(%arg17 : memref<128x16xbf16, #tpu.memory_space<vmem>>) dst(%dma_wait3A_100 : memref<50048x16xbf16, #tpu.memory_space<vmem_shared>>)
      %dma_wait3A_101 = arith.constant 391 : i32
      %dma_wait3A_102 = arith.constant 0 : i32
      %dma_wait3A_103 = tpu.memref_slice %arg14[%dma_wait3A_101, %dma_wait3A_102] : memref<392x128xi32, #tpu.memory_space<vmem>> -> memref<1x128xi32, #tpu.memory_space<vmem>>
      %dma_wait3A_104 = tpu.memref_squeeze %dma_wait3A_103 : memref<1x128xi32, #tpu.memory_space<vmem>> -> memref<128xi32, #tpu.memory_space<vmem>>
      %dma_wait3A_105 = arith.constant 0 : i32
      %dma_wait3A_106 = arith.constant 0 : i32
      %dma_wait3A_107 = tpu.memref_slice %arg19[%dma_wait3A_105, %dma_wait3A_106] : memref<50048x16xbf16, #tpu.memory_space<vmem_shared>> -> memref<50048x16xbf16, #tpu.memory_space<vmem_shared>>
      tpu.wait_indirect_dma semaphore(%arg23 : memref<!tpu.dma_semaphore, #tpu.memory_space<semaphore_mem>>) src(%arg18 : memref<128x16xbf16, #tpu.memory_space<vmem>>) dst(%dma_wait3A_107 : memref<50048x16xbf16, #tpu.memory_space<vmem_shared>>)
    } else {
    }
    %barrier3A_12 = arith.constant 0 : index
    tpu.barrier barrier_id(%barrier3A_12)
    %eq3A_13 = arith.constant 0 : i32
    %eq3A_14 = arith.cmpi eq, %arg0, %eq3A_13 : i32
    %convert_element_type3A_15 = arith.extui %eq3A_14 : i1 to i32
    %cond3A_16 = arith.constant 0 : i32
    %cond3A_17 = arith.cmpi ne, %convert_element_type3A_15, %cond3A_16 : i32
    scf.if %cond3A_17 {
      %lt3A = arith.constant 15 : i32
      %lt3A_49 = arith.cmpi slt, %arg1, %lt3A : i32
      %convert_element_type3A_50 = arith.extui %lt3A_49 : i1 to i32
      %cond3A_51 = arith.constant 0 : i32
      %cond3A_52 = arith.cmpi ne, %convert_element_type3A_50, %cond3A_51 : i32
      scf.if %cond3A_52 {
        %mul3A_58 = arith.constant 3128 : i32
        %mul3A_59 = arith.muli %arg1, %mul3A_58 : i32
        %mul3A_60 = arith.constant 3128 : i32
        %mul3A_61 = arith.muli %arg1, %mul3A_60 : i32
        "tpu.region"() ({
          %run_scoped3A = tpu.sem_alloc : memref<!tpu.dma_semaphore, #tpu.memory_space<semaphore_mem>>
          %dma_start3A = arith.constant 0 : i32
          %dma_start3A_62 = tpu.memref_slice %arg9[%mul3A_61, %dma_start3A] : memref<50000x16xbf16, #tpu.memory_space<hbm>> -> memref<3128x16xbf16, #tpu.memory_space<hbm>>
          %dma_start3A_63 = arith.constant 0 : i32
          %dma_start3A_64 = tpu.memref_slice %arg19[%mul3A_59, %dma_start3A_63] : memref<50048x16xbf16, #tpu.memory_space<vmem_shared>> -> memref<3128x16xbf16, #tpu.memory_space<vmem_shared>>
          tpu.enqueue_dma source(%dma_start3A_64 : memref<3128x16xbf16, #tpu.memory_space<vmem_shared>>) target(%dma_start3A_62 : memref<3128x16xbf16, #tpu.memory_space<hbm>>) target_semaphore(%run_scoped3A : memref<!tpu.dma_semaphore, #tpu.memory_space<semaphore_mem>>)
          %dma_wait3A = arith.constant 0 : i32
          %dma_wait3A_65 = tpu.memref_slice %arg9[%mul3A_61, %dma_wait3A] : memref<50000x16xbf16, #tpu.memory_space<hbm>> -> memref<3128x16xbf16, #tpu.memory_space<hbm>>
          %dma_wait3A_66 = arith.constant 0 : i32
          %dma_wait3A_67 = tpu.memref_slice %arg19[%mul3A_59, %dma_wait3A_66] : memref<50048x16xbf16, #tpu.memory_space<vmem_shared>> -> memref<3128x16xbf16, #tpu.memory_space<vmem_shared>>
          tpu.wait_dma2 semaphore(%run_scoped3A : memref<!tpu.dma_semaphore, #tpu.memory_space<semaphore_mem>>) src(%dma_wait3A_67 : memref<3128x16xbf16, #tpu.memory_space<vmem_shared>>) dst(%dma_wait3A_65 : memref<3128x16xbf16, #tpu.memory_space<hbm>>)
          tpu.yield
        }) : () -> ()
      } else {
      }
      %eq3A_53 = arith.constant 15 : i32
      %eq3A_54 = arith.cmpi eq, %arg1, %eq3A_53 : i32
      %convert_element_type3A_55 = arith.extui %eq3A_54 : i1 to i32
      %cond3A_56 = arith.constant 0 : i32
      %cond3A_57 = arith.cmpi ne, %convert_element_type3A_55, %cond3A_56 : i32
      scf.if %cond3A_57 {
        "tpu.region"() ({
          %run_scoped3A = tpu.sem_alloc : memref<!tpu.dma_semaphore, #tpu.memory_space<semaphore_mem>>
          %dma_start3A = arith.constant 46920 : i32
          %dma_start3A_58 = arith.constant 0 : i32
          %dma_start3A_59 = tpu.memref_slice %arg9[%dma_start3A, %dma_start3A_58] : memref<50000x16xbf16, #tpu.memory_space<hbm>> -> memref<3080x16xbf16, #tpu.memory_space<hbm>>
          %dma_start3A_60 = arith.constant 46920 : i32
          %dma_start3A_61 = arith.constant 0 : i32
          %dma_start3A_62 = tpu.memref_slice %arg19[%dma_start3A_60, %dma_start3A_61] : memref<50048x16xbf16, #tpu.memory_space<vmem_shared>> -> memref<3080x16xbf16, #tpu.memory_space<vmem_shared>>
          tpu.enqueue_dma source(%dma_start3A_62 : memref<3080x16xbf16, #tpu.memory_space<vmem_shared>>) target(%dma_start3A_59 : memref<3080x16xbf16, #tpu.memory_space<hbm>>) target_semaphore(%run_scoped3A : memref<!tpu.dma_semaphore, #tpu.memory_space<semaphore_mem>>)
          %dma_wait3A = arith.constant 46920 : i32
          %dma_wait3A_63 = arith.constant 0 : i32
          %dma_wait3A_64 = tpu.memref_slice %arg9[%dma_wait3A, %dma_wait3A_63] : memref<50000x16xbf16, #tpu.memory_space<hbm>> -> memref<3080x16xbf16, #tpu.memory_space<hbm>>
          %dma_wait3A_65 = arith.constant 46920 : i32
          %dma_wait3A_66 = arith.constant 0 : i32
          %dma_wait3A_67 = tpu.memref_slice %arg19[%dma_wait3A_65, %dma_wait3A_66] : memref<50048x16xbf16, #tpu.memory_space<vmem_shared>> -> memref<3080x16xbf16, #tpu.memory_space<vmem_shared>>
          tpu.wait_dma2 semaphore(%run_scoped3A : memref<!tpu.dma_semaphore, #tpu.memory_space<semaphore_mem>>) src(%dma_wait3A_67 : memref<3080x16xbf16, #tpu.memory_space<vmem_shared>>) dst(%dma_wait3A_64 : memref<3080x16xbf16, #tpu.memory_space<hbm>>)
          tpu.yield
        }) : () -> ()
      } else {
      }
    } else {
    }
    %eq3A_18 = arith.constant 1 : i32
    %eq3A_19 = arith.cmpi eq, %arg0, %eq3A_18 : i32
    %convert_element_type3A_20 = arith.extui %eq3A_19 : i1 to i32
    %cond3A_21 = arith.constant 0 : i32
    %cond3A_22 = arith.cmpi ne, %convert_element_type3A_20, %cond3A_21 : i32
    scf.if %cond3A_22 {
      %lt3A = arith.constant 15 : i32
      %lt3A_49 = arith.cmpi slt, %arg1, %lt3A : i32
      %convert_element_type3A_50 = arith.extui %lt3A_49 : i1 to i32
      %cond3A_51 = arith.constant 0 : i32
      %cond3A_52 = arith.cmpi ne, %convert_element_type3A_50, %cond3A_51 : i32
      scf.if %cond3A_52 {
        %mul3A_58 = arith.constant 3128 : i32
        %mul3A_59 = arith.muli %arg1, %mul3A_58 : i32
        %mul3A_60 = arith.constant 3128 : i32
        %mul3A_61 = arith.muli %arg1, %mul3A_60 : i32
        "tpu.region"() ({
          %run_scoped3A = tpu.sem_alloc : memref<!tpu.dma_semaphore, #tpu.memory_space<semaphore_mem>>
          %dma_start3A = arith.constant 0 : i32
          %dma_start3A_62 = tpu.memref_slice %arg10[%mul3A_61, %dma_start3A] : memref<50000x16xbf16, #tpu.memory_space<hbm>> -> memref<3128x16xbf16, #tpu.memory_space<hbm>>
          %dma_start3A_63 = arith.constant 0 : i32
          %dma_start3A_64 = tpu.memref_slice %arg19[%mul3A_59, %dma_start3A_63] : memref<50048x16xbf16, #tpu.memory_space<vmem_shared>> -> memref<3128x16xbf16, #tpu.memory_space<vmem_shared>>
          tpu.enqueue_dma source(%dma_start3A_64 : memref<3128x16xbf16, #tpu.memory_space<vmem_shared>>) target(%dma_start3A_62 : memref<3128x16xbf16, #tpu.memory_space<hbm>>) target_semaphore(%run_scoped3A : memref<!tpu.dma_semaphore, #tpu.memory_space<semaphore_mem>>)
          %dma_wait3A = arith.constant 0 : i32
          %dma_wait3A_65 = tpu.memref_slice %arg10[%mul3A_61, %dma_wait3A] : memref<50000x16xbf16, #tpu.memory_space<hbm>> -> memref<3128x16xbf16, #tpu.memory_space<hbm>>
          %dma_wait3A_66 = arith.constant 0 : i32
          %dma_wait3A_67 = tpu.memref_slice %arg19[%mul3A_59, %dma_wait3A_66] : memref<50048x16xbf16, #tpu.memory_space<vmem_shared>> -> memref<3128x16xbf16, #tpu.memory_space<vmem_shared>>
          tpu.wait_dma2 semaphore(%run_scoped3A : memref<!tpu.dma_semaphore, #tpu.memory_space<semaphore_mem>>) src(%dma_wait3A_67 : memref<3128x16xbf16, #tpu.memory_space<vmem_shared>>) dst(%dma_wait3A_65 : memref<3128x16xbf16, #tpu.memory_space<hbm>>)
          tpu.yield
        }) : () -> ()
      } else {
      }
      %eq3A_53 = arith.constant 15 : i32
      %eq3A_54 = arith.cmpi eq, %arg1, %eq3A_53 : i32
      %convert_element_type3A_55 = arith.extui %eq3A_54 : i1 to i32
      %cond3A_56 = arith.constant 0 : i32
      %cond3A_57 = arith.cmpi ne, %convert_element_type3A_55, %cond3A_56 : i32
      scf.if %cond3A_57 {
        "tpu.region"() ({
          %run_scoped3A = tpu.sem_alloc : memref<!tpu.dma_semaphore, #tpu.memory_space<semaphore_mem>>
          %dma_start3A = arith.constant 46920 : i32
          %dma_start3A_58 = arith.constant 0 : i32
          %dma_start3A_59 = tpu.memref_slice %arg10[%dma_start3A, %dma_start3A_58] : memref<50000x16xbf16, #tpu.memory_space<hbm>> -> memref<3080x16xbf16, #tpu.memory_space<hbm>>
          %dma_start3A_60 = arith.constant 46920 : i32
          %dma_start3A_61 = arith.constant 0 : i32
          %dma_start3A_62 = tpu.memref_slice %arg19[%dma_start3A_60, %dma_start3A_61] : memref<50048x16xbf16, #tpu.memory_space<vmem_shared>> -> memref<3080x16xbf16, #tpu.memory_space<vmem_shared>>
          tpu.enqueue_dma source(%dma_start3A_62 : memref<3080x16xbf16, #tpu.memory_space<vmem_shared>>) target(%dma_start3A_59 : memref<3080x16xbf16, #tpu.memory_space<hbm>>) target_semaphore(%run_scoped3A : memref<!tpu.dma_semaphore, #tpu.memory_space<semaphore_mem>>)
          %dma_wait3A = arith.constant 46920 : i32
          %dma_wait3A_63 = arith.constant 0 : i32
          %dma_wait3A_64 = tpu.memref_slice %arg10[%dma_wait3A, %dma_wait3A_63] : memref<50000x16xbf16, #tpu.memory_space<hbm>> -> memref<3080x16xbf16, #tpu.memory_space<hbm>>
          %dma_wait3A_65 = arith.constant 46920 : i32
          %dma_wait3A_66 = arith.constant 0 : i32
          %dma_wait3A_67 = tpu.memref_slice %arg19[%dma_wait3A_65, %dma_wait3A_66] : memref<50048x16xbf16, #tpu.memory_space<vmem_shared>> -> memref<3080x16xbf16, #tpu.memory_space<vmem_shared>>
          tpu.wait_dma2 semaphore(%run_scoped3A : memref<!tpu.dma_semaphore, #tpu.memory_space<semaphore_mem>>) src(%dma_wait3A_67 : memref<3080x16xbf16, #tpu.memory_space<vmem_shared>>) dst(%dma_wait3A_64 : memref<3080x16xbf16, #tpu.memory_space<hbm>>)
          tpu.yield
        }) : () -> ()
      } else {
      }
    } else {
    }
    %barrier3A_23 = arith.constant 0 : index
    tpu.barrier barrier_id(%barrier3A_23)
    %mul3A_24 = arith.constant 3128 : i32
    %mul3A_25 = arith.muli %arg1, %mul3A_24 : i32
    "tpu.region"() ({
      %run_scoped3A = tpu.sem_alloc : memref<!tpu.dma_semaphore, #tpu.memory_space<semaphore_mem>>
      %dma_start3A = arith.constant 0 : i32
      %dma_start3A_49 = tpu.memref_slice %arg19[%mul3A_25, %dma_start3A] : memref<50048x16xbf16, #tpu.memory_space<vmem_shared>> -> memref<3128x16xbf16, #tpu.memory_space<vmem_shared>>
      tpu.enqueue_dma source(%arg8 : memref<3128x16xbf16, #tpu.memory_space<hbm>>) target(%dma_start3A_49 : memref<3128x16xbf16, #tpu.memory_space<vmem_shared>>) target_semaphore(%run_scoped3A : memref<!tpu.dma_semaphore, #tpu.memory_space<semaphore_mem>>)
      %dma_wait3A = arith.constant 0 : i32
      %dma_wait3A_50 = tpu.memref_slice %arg19[%mul3A_25, %dma_wait3A] : memref<50048x16xbf16, #tpu.memory_space<vmem_shared>> -> memref<3128x16xbf16, #tpu.memory_space<vmem_shared>>
      tpu.wait_dma2 semaphore(%run_scoped3A : memref<!tpu.dma_semaphore, #tpu.memory_space<semaphore_mem>>) src(%arg8 : memref<3128x16xbf16, #tpu.memory_space<hbm>>) dst(%dma_wait3A_50 : memref<3128x16xbf16, #tpu.memory_space<vmem_shared>>)
      tpu.yield
    }) : () -> ()
    %barrier3A_26 = arith.constant 0 : index
    tpu.barrier barrier_id(%barrier3A_26)
    %eq3A_27 = arith.constant 0 : i32
    %eq3A_28 = arith.cmpi eq, %arg0, %eq3A_27 : i32
    %convert_element_type3A_29 = arith.extui %eq3A_28 : i1 to i32
    %cond3A_30 = arith.constant 0 : i32
    %cond3A_31 = arith.cmpi ne, %convert_element_type3A_29, %cond3A_30 : i32
    scf.if %cond3A_31 {
      %dma_start3A = arith.constant 0 : i32
      %dma_start3A_49 = arith.constant 0 : i32
      %dma_start3A_50 = tpu.memref_slice %arg13[%dma_start3A, %dma_start3A_49] : memref<392x128xi32, #tpu.memory_space<vmem>> -> memref<1x128xi32, #tpu.memory_space<vmem>>
      %dma_start3A_51 = tpu.memref_squeeze %dma_start3A_50 : memref<1x128xi32, #tpu.memory_space<vmem>> -> memref<128xi32, #tpu.memory_space<vmem>>
      %dma_start3A_52 = arith.constant 0 : i32
      %dma_start3A_53 = arith.constant 0 : i32
      %dma_start3A_54 = tpu.memref_slice %arg4[%dma_start3A_52, %dma_start3A_53] : memref<50000x16xbf16, #tpu.memory_space<hbm>> -> memref<50000x16xbf16, #tpu.memory_space<hbm>>
      tpu.enqueue_indirect_dma source(%dma_start3A_54 : memref<50000x16xbf16, #tpu.memory_space<hbm>>) target(%arg15 : memref<128x16xbf16, #tpu.memory_space<vmem>>) offsets(%dma_start3A_51 : memref<128xi32, #tpu.memory_space<vmem>>) semaphore(%arg20 : memref<!tpu.dma_semaphore, #tpu.memory_space<semaphore_mem>>)
      %dma_start3A_55 = arith.constant 1 : i32
      %dma_start3A_56 = arith.constant 0 : i32
      %dma_start3A_57 = tpu.memref_slice %arg13[%dma_start3A_55, %dma_start3A_56] : memref<392x128xi32, #tpu.memory_space<vmem>> -> memref<1x128xi32, #tpu.memory_space<vmem>>
      %dma_start3A_58 = tpu.memref_squeeze %dma_start3A_57 : memref<1x128xi32, #tpu.memory_space<vmem>> -> memref<128xi32, #tpu.memory_space<vmem>>
      %dma_start3A_59 = arith.constant 0 : i32
      %dma_start3A_60 = arith.constant 0 : i32
      %dma_start3A_61 = tpu.memref_slice %arg4[%dma_start3A_59, %dma_start3A_60] : memref<50000x16xbf16, #tpu.memory_space<hbm>> -> memref<50000x16xbf16, #tpu.memory_space<hbm>>
      tpu.enqueue_indirect_dma source(%dma_start3A_61 : memref<50000x16xbf16, #tpu.memory_space<hbm>>) target(%arg16 : memref<128x16xbf16, #tpu.memory_space<vmem>>) offsets(%dma_start3A_58 : memref<128xi32, #tpu.memory_space<vmem>>) semaphore(%arg21 : memref<!tpu.dma_semaphore, #tpu.memory_space<semaphore_mem>>)
      %dma_start3A_62 = arith.constant 2 : i32
      %dma_start3A_63 = arith.constant 0 : i32
      %dma_start3A_64 = tpu.memref_slice %arg13[%dma_start3A_62, %dma_start3A_63] : memref<392x128xi32, #tpu.memory_space<vmem>> -> memref<1x128xi32, #tpu.memory_space<vmem>>
      %dma_start3A_65 = tpu.memref_squeeze %dma_start3A_64 : memref<1x128xi32, #tpu.memory_space<vmem>> -> memref<128xi32, #tpu.memory_space<vmem>>
      %dma_start3A_66 = arith.constant 0 : i32
      %dma_start3A_67 = arith.constant 0 : i32
      %dma_start3A_68 = tpu.memref_slice %arg4[%dma_start3A_66, %dma_start3A_67] : memref<50000x16xbf16, #tpu.memory_space<hbm>> -> memref<50000x16xbf16, #tpu.memory_space<hbm>>
      tpu.enqueue_indirect_dma source(%dma_start3A_68 : memref<50000x16xbf16, #tpu.memory_space<hbm>>) target(%arg17 : memref<128x16xbf16, #tpu.memory_space<vmem>>) offsets(%dma_start3A_65 : memref<128xi32, #tpu.memory_space<vmem>>) semaphore(%arg22 : memref<!tpu.dma_semaphore, #tpu.memory_space<semaphore_mem>>)
      %dma_start3A_69 = arith.constant 3 : i32
      %dma_start3A_70 = arith.constant 0 : i32
      %dma_start3A_71 = tpu.memref_slice %arg13[%dma_start3A_69, %dma_start3A_70] : memref<392x128xi32, #tpu.memory_space<vmem>> -> memref<1x128xi32, #tpu.memory_space<vmem>>
      %dma_start3A_72 = tpu.memref_squeeze %dma_start3A_71 : memref<1x128xi32, #tpu.memory_space<vmem>> -> memref<128xi32, #tpu.memory_space<vmem>>
      %dma_start3A_73 = arith.constant 0 : i32
      %dma_start3A_74 = arith.constant 0 : i32
      %dma_start3A_75 = tpu.memref_slice %arg4[%dma_start3A_73, %dma_start3A_74] : memref<50000x16xbf16, #tpu.memory_space<hbm>> -> memref<50000x16xbf16, #tpu.memory_space<hbm>>
      tpu.enqueue_indirect_dma source(%dma_start3A_75 : memref<50000x16xbf16, #tpu.memory_space<hbm>>) target(%arg18 : memref<128x16xbf16, #tpu.memory_space<vmem>>) offsets(%dma_start3A_72 : memref<128xi32, #tpu.memory_space<vmem>>) semaphore(%arg23 : memref<!tpu.dma_semaphore, #tpu.memory_space<semaphore_mem>>)
      %scan3A = arith.constant 0 : i32
      %scan3A_76 = arith.constant 0 : i32
      %scan3A_77 = arith.constant 98 : i32
      %scan3A_78 = arith.addi %scan3A_76, %scan3A_77 : i32
      %scan3A_79 = arith.constant 1 : i32
      scf.for %scan3A_108 = %scan3A_76 to %scan3A_78 step %scan3A_79  : i32 {
        %mul3A_109 = arith.constant 4 : i32
        %mul3A_110 = arith.muli %mul3A_109, %scan3A_108 : i32
        %add3A = arith.constant 0 : i32
        %add3A_111 = arith.addi %mul3A_110, %add3A : i32
        %dma_wait3A_112 = arith.constant 0 : i32
        %dma_wait3A_113 = tpu.memref_slice %arg13[%add3A_111, %dma_wait3A_112] : memref<392x128xi32, #tpu.memory_space<vmem>> -> memref<1x128xi32, #tpu.memory_space<vmem>>
        %dma_wait3A_114 = tpu.memref_squeeze %dma_wait3A_113 : memref<1x128xi32, #tpu.memory_space<vmem>> -> memref<128xi32, #tpu.memory_space<vmem>>
        %dma_wait3A_115 = arith.constant 0 : i32
        %dma_wait3A_116 = arith.constant 0 : i32
        %dma_wait3A_117 = tpu.memref_slice %arg4[%dma_wait3A_115, %dma_wait3A_116] : memref<50000x16xbf16, #tpu.memory_space<hbm>> -> memref<50000x16xbf16, #tpu.memory_space<hbm>>
        tpu.wait_indirect_dma semaphore(%arg20 : memref<!tpu.dma_semaphore, #tpu.memory_space<semaphore_mem>>) src(%dma_wait3A_117 : memref<50000x16xbf16, #tpu.memory_space<hbm>>) dst(%arg15 : memref<128x16xbf16, #tpu.memory_space<vmem>>)
        %add3A_118 = arith.constant 0 : i32
        %add3A_119 = arith.addi %mul3A_110, %add3A_118 : i32
        %dma_start3A_120 = arith.constant 0 : i32
        %dma_start3A_121 = tpu.memref_slice %arg14[%add3A_119, %dma_start3A_120] : memref<392x128xi32, #tpu.memory_space<vmem>> -> memref<1x128xi32, #tpu.memory_space<vmem>>
        %dma_start3A_122 = tpu.memref_squeeze %dma_start3A_121 : memref<1x128xi32, #tpu.memory_space<vmem>> -> memref<128xi32, #tpu.memory_space<vmem>>
        %dma_start3A_123 = arith.constant 0 : i32
        %dma_start3A_124 = arith.constant 0 : i32
        %dma_start3A_125 = tpu.memref_slice %arg19[%dma_start3A_123, %dma_start3A_124] : memref<50048x16xbf16, #tpu.memory_space<vmem_shared>> -> memref<50048x16xbf16, #tpu.memory_space<vmem_shared>>
        tpu.enqueue_indirect_dma source(%arg15 : memref<128x16xbf16, #tpu.memory_space<vmem>>) target(%dma_start3A_125 : memref<50048x16xbf16, #tpu.memory_space<vmem_shared>>) offsets(%dma_start3A_122 : memref<128xi32, #tpu.memory_space<vmem>>) semaphore(%arg20 : memref<!tpu.dma_semaphore, #tpu.memory_space<semaphore_mem>>) {add = true}
        %add3A_126 = arith.constant 1 : i32
        %add3A_127 = arith.addi %mul3A_110, %add3A_126 : i32
        %dma_wait3A_128 = arith.constant 0 : i32
        %dma_wait3A_129 = tpu.memref_slice %arg13[%add3A_127, %dma_wait3A_128] : memref<392x128xi32, #tpu.memory_space<vmem>> -> memref<1x128xi32, #tpu.memory_space<vmem>>
        %dma_wait3A_130 = tpu.memref_squeeze %dma_wait3A_129 : memref<1x128xi32, #tpu.memory_space<vmem>> -> memref<128xi32, #tpu.memory_space<vmem>>
        %dma_wait3A_131 = arith.constant 0 : i32
        %dma_wait3A_132 = arith.constant 0 : i32
        %dma_wait3A_133 = tpu.memref_slice %arg4[%dma_wait3A_131, %dma_wait3A_132] : memref<50000x16xbf16, #tpu.memory_space<hbm>> -> memref<50000x16xbf16, #tpu.memory_space<hbm>>
        tpu.wait_indirect_dma semaphore(%arg21 : memref<!tpu.dma_semaphore, #tpu.memory_space<semaphore_mem>>) src(%dma_wait3A_133 : memref<50000x16xbf16, #tpu.memory_space<hbm>>) dst(%arg16 : memref<128x16xbf16, #tpu.memory_space<vmem>>)
        %add3A_134 = arith.constant 1 : i32
        %add3A_135 = arith.addi %mul3A_110, %add3A_134 : i32
        %dma_start3A_136 = arith.constant 0 : i32
        %dma_start3A_137 = tpu.memref_slice %arg14[%add3A_135, %dma_start3A_136] : memref<392x128xi32, #tpu.memory_space<vmem>> -> memref<1x128xi32, #tpu.memory_space<vmem>>
        %dma_start3A_138 = tpu.memref_squeeze %dma_start3A_137 : memref<1x128xi32, #tpu.memory_space<vmem>> -> memref<128xi32, #tpu.memory_space<vmem>>
        %dma_start3A_139 = arith.constant 0 : i32
        %dma_start3A_140 = arith.constant 0 : i32
        %dma_start3A_141 = tpu.memref_slice %arg19[%dma_start3A_139, %dma_start3A_140] : memref<50048x16xbf16, #tpu.memory_space<vmem_shared>> -> memref<50048x16xbf16, #tpu.memory_space<vmem_shared>>
        tpu.enqueue_indirect_dma source(%arg16 : memref<128x16xbf16, #tpu.memory_space<vmem>>) target(%dma_start3A_141 : memref<50048x16xbf16, #tpu.memory_space<vmem_shared>>) offsets(%dma_start3A_138 : memref<128xi32, #tpu.memory_space<vmem>>) semaphore(%arg21 : memref<!tpu.dma_semaphore, #tpu.memory_space<semaphore_mem>>) {add = true}
        %add3A_142 = arith.constant 2 : i32
        %add3A_143 = arith.addi %mul3A_110, %add3A_142 : i32
        %dma_wait3A_144 = arith.constant 0 : i32
        %dma_wait3A_145 = tpu.memref_slice %arg13[%add3A_143, %dma_wait3A_144] : memref<392x128xi32, #tpu.memory_space<vmem>> -> memref<1x128xi32, #tpu.memory_space<vmem>>
        %dma_wait3A_146 = tpu.memref_squeeze %dma_wait3A_145 : memref<1x128xi32, #tpu.memory_space<vmem>> -> memref<128xi32, #tpu.memory_space<vmem>>
        %dma_wait3A_147 = arith.constant 0 : i32
        %dma_wait3A_148 = arith.constant 0 : i32
        %dma_wait3A_149 = tpu.memref_slice %arg4[%dma_wait3A_147, %dma_wait3A_148] : memref<50000x16xbf16, #tpu.memory_space<hbm>> -> memref<50000x16xbf16, #tpu.memory_space<hbm>>
        tpu.wait_indirect_dma semaphore(%arg22 : memref<!tpu.dma_semaphore, #tpu.memory_space<semaphore_mem>>) src(%dma_wait3A_149 : memref<50000x16xbf16, #tpu.memory_space<hbm>>) dst(%arg17 : memref<128x16xbf16, #tpu.memory_space<vmem>>)
        %add3A_150 = arith.constant 2 : i32
        %add3A_151 = arith.addi %mul3A_110, %add3A_150 : i32
        %dma_start3A_152 = arith.constant 0 : i32
        %dma_start3A_153 = tpu.memref_slice %arg14[%add3A_151, %dma_start3A_152] : memref<392x128xi32, #tpu.memory_space<vmem>> -> memref<1x128xi32, #tpu.memory_space<vmem>>
        %dma_start3A_154 = tpu.memref_squeeze %dma_start3A_153 : memref<1x128xi32, #tpu.memory_space<vmem>> -> memref<128xi32, #tpu.memory_space<vmem>>
        %dma_start3A_155 = arith.constant 0 : i32
        %dma_start3A_156 = arith.constant 0 : i32
        %dma_start3A_157 = tpu.memref_slice %arg19[%dma_start3A_155, %dma_start3A_156] : memref<50048x16xbf16, #tpu.memory_space<vmem_shared>> -> memref<50048x16xbf16, #tpu.memory_space<vmem_shared>>
        tpu.enqueue_indirect_dma source(%arg17 : memref<128x16xbf16, #tpu.memory_space<vmem>>) target(%dma_start3A_157 : memref<50048x16xbf16, #tpu.memory_space<vmem_shared>>) offsets(%dma_start3A_154 : memref<128xi32, #tpu.memory_space<vmem>>) semaphore(%arg22 : memref<!tpu.dma_semaphore, #tpu.memory_space<semaphore_mem>>) {add = true}
        %add3A_158 = arith.constant 3 : i32
        %add3A_159 = arith.addi %mul3A_110, %add3A_158 : i32
        %dma_wait3A_160 = arith.constant 0 : i32
        %dma_wait3A_161 = tpu.memref_slice %arg13[%add3A_159, %dma_wait3A_160] : memref<392x128xi32, #tpu.memory_space<vmem>> -> memref<1x128xi32, #tpu.memory_space<vmem>>
        %dma_wait3A_162 = tpu.memref_squeeze %dma_wait3A_161 : memref<1x128xi32, #tpu.memory_space<vmem>> -> memref<128xi32, #tpu.memory_space<vmem>>
        %dma_wait3A_163 = arith.constant 0 : i32
        %dma_wait3A_164 = arith.constant 0 : i32
        %dma_wait3A_165 = tpu.memref_slice %arg4[%dma_wait3A_163, %dma_wait3A_164] : memref<50000x16xbf16, #tpu.memory_space<hbm>> -> memref<50000x16xbf16, #tpu.memory_space<hbm>>
        tpu.wait_indirect_dma semaphore(%arg23 : memref<!tpu.dma_semaphore, #tpu.memory_space<semaphore_mem>>) src(%dma_wait3A_165 : memref<50000x16xbf16, #tpu.memory_space<hbm>>) dst(%arg18 : memref<128x16xbf16, #tpu.memory_space<vmem>>)
        %add3A_166 = arith.constant 3 : i32
        %add3A_167 = arith.addi %mul3A_110, %add3A_166 : i32
        %dma_start3A_168 = arith.constant 0 : i32
        %dma_start3A_169 = tpu.memref_slice %arg14[%add3A_167, %dma_start3A_168] : memref<392x128xi32, #tpu.memory_space<vmem>> -> memref<1x128xi32, #tpu.memory_space<vmem>>
        %dma_start3A_170 = tpu.memref_squeeze %dma_start3A_169 : memref<1x128xi32, #tpu.memory_space<vmem>> -> memref<128xi32, #tpu.memory_space<vmem>>
        %dma_start3A_171 = arith.constant 0 : i32
        %dma_start3A_172 = arith.constant 0 : i32
        %dma_start3A_173 = tpu.memref_slice %arg19[%dma_start3A_171, %dma_start3A_172] : memref<50048x16xbf16, #tpu.memory_space<vmem_shared>> -> memref<50048x16xbf16, #tpu.memory_space<vmem_shared>>
        tpu.enqueue_indirect_dma source(%arg18 : memref<128x16xbf16, #tpu.memory_space<vmem>>) target(%dma_start3A_173 : memref<50048x16xbf16, #tpu.memory_space<vmem_shared>>) offsets(%dma_start3A_170 : memref<128xi32, #tpu.memory_space<vmem>>) semaphore(%arg23 : memref<!tpu.dma_semaphore, #tpu.memory_space<semaphore_mem>>) {add = true}
        %add3A_174 = arith.constant 0 : i32
        %add3A_175 = arith.addi %mul3A_110, %add3A_174 : i32
        %add3A_176 = arith.constant 4 : i32
        %add3A_177 = arith.addi %add3A_175, %add3A_176 : i32
        %lt3A = arith.constant 392 : i32
        %lt3A_178 = arith.cmpi slt, %add3A_177, %lt3A : i32
        %add3A_179 = arith.constant 0 : i32
        %add3A_180 = arith.addi %mul3A_110, %add3A_179 : i32
        %convert_element_type3A_181 = arith.extui %lt3A_178 : i1 to i32
        %cond3A_182 = arith.constant 0 : i32
        %cond3A_183 = arith.cmpi ne, %convert_element_type3A_181, %cond3A_182 : i32
        scf.if %cond3A_183 {
          %dma_wait3A_217 = arith.constant 0 : i32
          %dma_wait3A_218 = tpu.memref_slice %arg14[%add3A_180, %dma_wait3A_217] : memref<392x128xi32, #tpu.memory_space<vmem>> -> memref<1x128xi32, #tpu.memory_space<vmem>>
          %dma_wait3A_219 = tpu.memref_squeeze %dma_wait3A_218 : memref<1x128xi32, #tpu.memory_space<vmem>> -> memref<128xi32, #tpu.memory_space<vmem>>
          %dma_wait3A_220 = arith.constant 0 : i32
          %dma_wait3A_221 = arith.constant 0 : i32
          %dma_wait3A_222 = tpu.memref_slice %arg19[%dma_wait3A_220, %dma_wait3A_221] : memref<50048x16xbf16, #tpu.memory_space<vmem_shared>> -> memref<50048x16xbf16, #tpu.memory_space<vmem_shared>>
          tpu.wait_indirect_dma semaphore(%arg20 : memref<!tpu.dma_semaphore, #tpu.memory_space<semaphore_mem>>) src(%arg15 : memref<128x16xbf16, #tpu.memory_space<vmem>>) dst(%dma_wait3A_222 : memref<50048x16xbf16, #tpu.memory_space<vmem_shared>>)
          %dma_start3A_223 = arith.constant 0 : i32
          %dma_start3A_224 = tpu.memref_slice %arg13[%add3A_177, %dma_start3A_223] : memref<392x128xi32, #tpu.memory_space<vmem>> -> memref<1x128xi32, #tpu.memory_space<vmem>>
          %dma_start3A_225 = tpu.memref_squeeze %dma_start3A_224 : memref<1x128xi32, #tpu.memory_space<vmem>> -> memref<128xi32, #tpu.memory_space<vmem>>
          %dma_start3A_226 = arith.constant 0 : i32
          %dma_start3A_227 = arith.constant 0 : i32
          %dma_start3A_228 = tpu.memref_slice %arg4[%dma_start3A_226, %dma_start3A_227] : memref<50000x16xbf16, #tpu.memory_space<hbm>> -> memref<50000x16xbf16, #tpu.memory_space<hbm>>
          tpu.enqueue_indirect_dma source(%dma_start3A_228 : memref<50000x16xbf16, #tpu.memory_space<hbm>>) target(%arg15 : memref<128x16xbf16, #tpu.memory_space<vmem>>) offsets(%dma_start3A_225 : memref<128xi32, #tpu.memory_space<vmem>>) semaphore(%arg20 : memref<!tpu.dma_semaphore, #tpu.memory_space<semaphore_mem>>)
        } else {
        }
        %add3A_184 = arith.constant 1 : i32
        %add3A_185 = arith.addi %mul3A_110, %add3A_184 : i32
        %add3A_186 = arith.constant 4 : i32
        %add3A_187 = arith.addi %add3A_185, %add3A_186 : i32
        %lt3A_188 = arith.constant 392 : i32
        %lt3A_189 = arith.cmpi slt, %add3A_187, %lt3A_188 : i32
        %add3A_190 = arith.constant 1 : i32
        %add3A_191 = arith.addi %mul3A_110, %add3A_190 : i32
        %convert_element_type3A_192 = arith.extui %lt3A_189 : i1 to i32
        %cond3A_193 = arith.constant 0 : i32
        %cond3A_194 = arith.cmpi ne, %convert_element_type3A_192, %cond3A_193 : i32
        scf.if %cond3A_194 {
          %dma_wait3A_217 = arith.constant 0 : i32
          %dma_wait3A_218 = tpu.memref_slice %arg14[%add3A_191, %dma_wait3A_217] : memref<392x128xi32, #tpu.memory_space<vmem>> -> memref<1x128xi32, #tpu.memory_space<vmem>>
          %dma_wait3A_219 = tpu.memref_squeeze %dma_wait3A_218 : memref<1x128xi32, #tpu.memory_space<vmem>> -> memref<128xi32, #tpu.memory_space<vmem>>
          %dma_wait3A_220 = arith.constant 0 : i32
          %dma_wait3A_221 = arith.constant 0 : i32
          %dma_wait3A_222 = tpu.memref_slice %arg19[%dma_wait3A_220, %dma_wait3A_221] : memref<50048x16xbf16, #tpu.memory_space<vmem_shared>> -> memref<50048x16xbf16, #tpu.memory_space<vmem_shared>>
          tpu.wait_indirect_dma semaphore(%arg21 : memref<!tpu.dma_semaphore, #tpu.memory_space<semaphore_mem>>) src(%arg16 : memref<128x16xbf16, #tpu.memory_space<vmem>>) dst(%dma_wait3A_222 : memref<50048x16xbf16, #tpu.memory_space<vmem_shared>>)
          %dma_start3A_223 = arith.constant 0 : i32
          %dma_start3A_224 = tpu.memref_slice %arg13[%add3A_187, %dma_start3A_223] : memref<392x128xi32, #tpu.memory_space<vmem>> -> memref<1x128xi32, #tpu.memory_space<vmem>>
          %dma_start3A_225 = tpu.memref_squeeze %dma_start3A_224 : memref<1x128xi32, #tpu.memory_space<vmem>> -> memref<128xi32, #tpu.memory_space<vmem>>
          %dma_start3A_226 = arith.constant 0 : i32
          %dma_start3A_227 = arith.constant 0 : i32
          %dma_start3A_228 = tpu.memref_slice %arg4[%dma_start3A_226, %dma_start3A_227] : memref<50000x16xbf16, #tpu.memory_space<hbm>> -> memref<50000x16xbf16, #tpu.memory_space<hbm>>
          tpu.enqueue_indirect_dma source(%dma_start3A_228 : memref<50000x16xbf16, #tpu.memory_space<hbm>>) target(%arg16 : memref<128x16xbf16, #tpu.memory_space<vmem>>) offsets(%dma_start3A_225 : memref<128xi32, #tpu.memory_space<vmem>>) semaphore(%arg21 : memref<!tpu.dma_semaphore, #tpu.memory_space<semaphore_mem>>)
        } else {
        }
        %add3A_195 = arith.constant 2 : i32
        %add3A_196 = arith.addi %mul3A_110, %add3A_195 : i32
        %add3A_197 = arith.constant 4 : i32
        %add3A_198 = arith.addi %add3A_196, %add3A_197 : i32
        %lt3A_199 = arith.constant 392 : i32
        %lt3A_200 = arith.cmpi slt, %add3A_198, %lt3A_199 : i32
        %add3A_201 = arith.constant 2 : i32
        %add3A_202 = arith.addi %mul3A_110, %add3A_201 : i32
        %convert_element_type3A_203 = arith.extui %lt3A_200 : i1 to i32
        %cond3A_204 = arith.constant 0 : i32
        %cond3A_205 = arith.cmpi ne, %convert_element_type3A_203, %cond3A_204 : i32
        scf.if %cond3A_205 {
          %dma_wait3A_217 = arith.constant 0 : i32
          %dma_wait3A_218 = tpu.memref_slice %arg14[%add3A_202, %dma_wait3A_217] : memref<392x128xi32, #tpu.memory_space<vmem>> -> memref<1x128xi32, #tpu.memory_space<vmem>>
          %dma_wait3A_219 = tpu.memref_squeeze %dma_wait3A_218 : memref<1x128xi32, #tpu.memory_space<vmem>> -> memref<128xi32, #tpu.memory_space<vmem>>
          %dma_wait3A_220 = arith.constant 0 : i32
          %dma_wait3A_221 = arith.constant 0 : i32
          %dma_wait3A_222 = tpu.memref_slice %arg19[%dma_wait3A_220, %dma_wait3A_221] : memref<50048x16xbf16, #tpu.memory_space<vmem_shared>> -> memref<50048x16xbf16, #tpu.memory_space<vmem_shared>>
          tpu.wait_indirect_dma semaphore(%arg22 : memref<!tpu.dma_semaphore, #tpu.memory_space<semaphore_mem>>) src(%arg17 : memref<128x16xbf16, #tpu.memory_space<vmem>>) dst(%dma_wait3A_222 : memref<50048x16xbf16, #tpu.memory_space<vmem_shared>>)
          %dma_start3A_223 = arith.constant 0 : i32
          %dma_start3A_224 = tpu.memref_slice %arg13[%add3A_198, %dma_start3A_223] : memref<392x128xi32, #tpu.memory_space<vmem>> -> memref<1x128xi32, #tpu.memory_space<vmem>>
          %dma_start3A_225 = tpu.memref_squeeze %dma_start3A_224 : memref<1x128xi32, #tpu.memory_space<vmem>> -> memref<128xi32, #tpu.memory_space<vmem>>
          %dma_start3A_226 = arith.constant 0 : i32
          %dma_start3A_227 = arith.constant 0 : i32
          %dma_start3A_228 = tpu.memref_slice %arg4[%dma_start3A_226, %dma_start3A_227] : memref<50000x16xbf16, #tpu.memory_space<hbm>> -> memref<50000x16xbf16, #tpu.memory_space<hbm>>
          tpu.enqueue_indirect_dma source(%dma_start3A_228 : memref<50000x16xbf16, #tpu.memory_space<hbm>>) target(%arg17 : memref<128x16xbf16, #tpu.memory_space<vmem>>) offsets(%dma_start3A_225 : memref<128xi32, #tpu.memory_space<vmem>>) semaphore(%arg22 : memref<!tpu.dma_semaphore, #tpu.memory_space<semaphore_mem>>)
        } else {
        }
        %add3A_206 = arith.constant 3 : i32
        %add3A_207 = arith.addi %mul3A_110, %add3A_206 : i32
        %add3A_208 = arith.constant 4 : i32
        %add3A_209 = arith.addi %add3A_207, %add3A_208 : i32
        %lt3A_210 = arith.constant 392 : i32
        %lt3A_211 = arith.cmpi slt, %add3A_209, %lt3A_210 : i32
        %add3A_212 = arith.constant 3 : i32
        %add3A_213 = arith.addi %mul3A_110, %add3A_212 : i32
        %convert_element_type3A_214 = arith.extui %lt3A_211 : i1 to i32
        %cond3A_215 = arith.constant 0 : i32
        %cond3A_216 = arith.cmpi ne, %convert_element_type3A_214, %cond3A_215 : i32
        scf.if %cond3A_216 {
          %dma_wait3A_217 = arith.constant 0 : i32
          %dma_wait3A_218 = tpu.memref_slice %arg14[%add3A_213, %dma_wait3A_217] : memref<392x128xi32, #tpu.memory_space<vmem>> -> memref<1x128xi32, #tpu.memory_space<vmem>>
          %dma_wait3A_219 = tpu.memref_squeeze %dma_wait3A_218 : memref<1x128xi32, #tpu.memory_space<vmem>> -> memref<128xi32, #tpu.memory_space<vmem>>
          %dma_wait3A_220 = arith.constant 0 : i32
          %dma_wait3A_221 = arith.constant 0 : i32
          %dma_wait3A_222 = tpu.memref_slice %arg19[%dma_wait3A_220, %dma_wait3A_221] : memref<50048x16xbf16, #tpu.memory_space<vmem_shared>> -> memref<50048x16xbf16, #tpu.memory_space<vmem_shared>>
          tpu.wait_indirect_dma semaphore(%arg23 : memref<!tpu.dma_semaphore, #tpu.memory_space<semaphore_mem>>) src(%arg18 : memref<128x16xbf16, #tpu.memory_space<vmem>>) dst(%dma_wait3A_222 : memref<50048x16xbf16, #tpu.memory_space<vmem_shared>>)
          %dma_start3A_223 = arith.constant 0 : i32
          %dma_start3A_224 = tpu.memref_slice %arg13[%add3A_209, %dma_start3A_223] : memref<392x128xi32, #tpu.memory_space<vmem>> -> memref<1x128xi32, #tpu.memory_space<vmem>>
          %dma_start3A_225 = tpu.memref_squeeze %dma_start3A_224 : memref<1x128xi32, #tpu.memory_space<vmem>> -> memref<128xi32, #tpu.memory_space<vmem>>
          %dma_start3A_226 = arith.constant 0 : i32
          %dma_start3A_227 = arith.constant 0 : i32
          %dma_start3A_228 = tpu.memref_slice %arg4[%dma_start3A_226, %dma_start3A_227] : memref<50000x16xbf16, #tpu.memory_space<hbm>> -> memref<50000x16xbf16, #tpu.memory_space<hbm>>
          tpu.enqueue_indirect_dma source(%dma_start3A_228 : memref<50000x16xbf16, #tpu.memory_space<hbm>>) target(%arg18 : memref<128x16xbf16, #tpu.memory_space<vmem>>) offsets(%dma_start3A_225 : memref<128xi32, #tpu.memory_space<vmem>>) semaphore(%arg23 : memref<!tpu.dma_semaphore, #tpu.memory_space<semaphore_mem>>)
        } else {
        }
      }
      %scan3A_80 = arith.constant 98 : i32
      %dma_wait3A = arith.constant 388 : i32
      %dma_wait3A_81 = arith.constant 0 : i32
      %dma_wait3A_82 = tpu.memref_slice %arg14[%dma_wait3A, %dma_wait3A_81] : memref<392x128xi32, #tpu.memory_space<vmem>> -> memref<1x128xi32, #tpu.memory_space<vmem>>
      %dma_wait3A_83 = tpu.memref_squeeze %dma_wait3A_82 : memref<1x128xi32, #tpu.memory_space<vmem>> -> memref<128xi32, #tpu.memory_space<vmem>>
      %dma_wait3A_84 = arith.constant 0 : i32
      %dma_wait3A_85 = arith.constant 0 : i32
      %dma_wait3A_86 = tpu.memref_slice %arg19[%dma_wait3A_84, %dma_wait3A_85] : memref<50048x16xbf16, #tpu.memory_space<vmem_shared>> -> memref<50048x16xbf16, #tpu.memory_space<vmem_shared>>
      tpu.wait_indirect_dma semaphore(%arg20 : memref<!tpu.dma_semaphore, #tpu.memory_space<semaphore_mem>>) src(%arg15 : memref<128x16xbf16, #tpu.memory_space<vmem>>) dst(%dma_wait3A_86 : memref<50048x16xbf16, #tpu.memory_space<vmem_shared>>)
      %dma_wait3A_87 = arith.constant 389 : i32
      %dma_wait3A_88 = arith.constant 0 : i32
      %dma_wait3A_89 = tpu.memref_slice %arg14[%dma_wait3A_87, %dma_wait3A_88] : memref<392x128xi32, #tpu.memory_space<vmem>> -> memref<1x128xi32, #tpu.memory_space<vmem>>
      %dma_wait3A_90 = tpu.memref_squeeze %dma_wait3A_89 : memref<1x128xi32, #tpu.memory_space<vmem>> -> memref<128xi32, #tpu.memory_space<vmem>>
      %dma_wait3A_91 = arith.constant 0 : i32
      %dma_wait3A_92 = arith.constant 0 : i32
      %dma_wait3A_93 = tpu.memref_slice %arg19[%dma_wait3A_91, %dma_wait3A_92] : memref<50048x16xbf16, #tpu.memory_space<vmem_shared>> -> memref<50048x16xbf16, #tpu.memory_space<vmem_shared>>
      tpu.wait_indirect_dma semaphore(%arg21 : memref<!tpu.dma_semaphore, #tpu.memory_space<semaphore_mem>>) src(%arg16 : memref<128x16xbf16, #tpu.memory_space<vmem>>) dst(%dma_wait3A_93 : memref<50048x16xbf16, #tpu.memory_space<vmem_shared>>)
      %dma_wait3A_94 = arith.constant 390 : i32
      %dma_wait3A_95 = arith.constant 0 : i32
      %dma_wait3A_96 = tpu.memref_slice %arg14[%dma_wait3A_94, %dma_wait3A_95] : memref<392x128xi32, #tpu.memory_space<vmem>> -> memref<1x128xi32, #tpu.memory_space<vmem>>
      %dma_wait3A_97 = tpu.memref_squeeze %dma_wait3A_96 : memref<1x128xi32, #tpu.memory_space<vmem>> -> memref<128xi32, #tpu.memory_space<vmem>>
      %dma_wait3A_98 = arith.constant 0 : i32
      %dma_wait3A_99 = arith.constant 0 : i32
      %dma_wait3A_100 = tpu.memref_slice %arg19[%dma_wait3A_98, %dma_wait3A_99] : memref<50048x16xbf16, #tpu.memory_space<vmem_shared>> -> memref<50048x16xbf16, #tpu.memory_space<vmem_shared>>
      tpu.wait_indirect_dma semaphore(%arg22 : memref<!tpu.dma_semaphore, #tpu.memory_space<semaphore_mem>>) src(%arg17 : memref<128x16xbf16, #tpu.memory_space<vmem>>) dst(%dma_wait3A_100 : memref<50048x16xbf16, #tpu.memory_space<vmem_shared>>)
      %dma_wait3A_101 = arith.constant 391 : i32
      %dma_wait3A_102 = arith.constant 0 : i32
      %dma_wait3A_103 = tpu.memref_slice %arg14[%dma_wait3A_101, %dma_wait3A_102] : memref<392x128xi32, #tpu.memory_space<vmem>> -> memref<1x128xi32, #tpu.memory_space<vmem>>
      %dma_wait3A_104 = tpu.memref_squeeze %dma_wait3A_103 : memref<1x128xi32, #tpu.memory_space<vmem>> -> memref<128xi32, #tpu.memory_space<vmem>>
      %dma_wait3A_105 = arith.constant 0 : i32
      %dma_wait3A_106 = arith.constant 0 : i32
      %dma_wait3A_107 = tpu.memref_slice %arg19[%dma_wait3A_105, %dma_wait3A_106] : memref<50048x16xbf16, #tpu.memory_space<vmem_shared>> -> memref<50048x16xbf16, #tpu.memory_space<vmem_shared>>
      tpu.wait_indirect_dma semaphore(%arg23 : memref<!tpu.dma_semaphore, #tpu.memory_space<semaphore_mem>>) src(%arg18 : memref<128x16xbf16, #tpu.memory_space<vmem>>) dst(%dma_wait3A_107 : memref<50048x16xbf16, #tpu.memory_space<vmem_shared>>)
    } else {
    }
    %eq3A_32 = arith.constant 1 : i32
    %eq3A_33 = arith.cmpi eq, %arg0, %eq3A_32 : i32
    %convert_element_type3A_34 = arith.extui %eq3A_33 : i1 to i32
    %cond3A_35 = arith.constant 0 : i32
    %cond3A_36 = arith.cmpi ne, %convert_element_type3A_34, %cond3A_35 : i32
    scf.if %cond3A_36 {
      %dma_start3A = arith.constant 0 : i32
      %dma_start3A_49 = arith.constant 0 : i32
      %dma_start3A_50 = tpu.memref_slice %arg13[%dma_start3A, %dma_start3A_49] : memref<392x128xi32, #tpu.memory_space<vmem>> -> memref<1x128xi32, #tpu.memory_space<vmem>>
      %dma_start3A_51 = tpu.memref_squeeze %dma_start3A_50 : memref<1x128xi32, #tpu.memory_space<vmem>> -> memref<128xi32, #tpu.memory_space<vmem>>
      %dma_start3A_52 = arith.constant 0 : i32
      %dma_start3A_53 = arith.constant 0 : i32
      %dma_start3A_54 = tpu.memref_slice %arg5[%dma_start3A_52, %dma_start3A_53] : memref<50000x16xbf16, #tpu.memory_space<hbm>> -> memref<50000x16xbf16, #tpu.memory_space<hbm>>
      tpu.enqueue_indirect_dma source(%dma_start3A_54 : memref<50000x16xbf16, #tpu.memory_space<hbm>>) target(%arg15 : memref<128x16xbf16, #tpu.memory_space<vmem>>) offsets(%dma_start3A_51 : memref<128xi32, #tpu.memory_space<vmem>>) semaphore(%arg20 : memref<!tpu.dma_semaphore, #tpu.memory_space<semaphore_mem>>)
      %dma_start3A_55 = arith.constant 1 : i32
      %dma_start3A_56 = arith.constant 0 : i32
      %dma_start3A_57 = tpu.memref_slice %arg13[%dma_start3A_55, %dma_start3A_56] : memref<392x128xi32, #tpu.memory_space<vmem>> -> memref<1x128xi32, #tpu.memory_space<vmem>>
      %dma_start3A_58 = tpu.memref_squeeze %dma_start3A_57 : memref<1x128xi32, #tpu.memory_space<vmem>> -> memref<128xi32, #tpu.memory_space<vmem>>
      %dma_start3A_59 = arith.constant 0 : i32
      %dma_start3A_60 = arith.constant 0 : i32
      %dma_start3A_61 = tpu.memref_slice %arg5[%dma_start3A_59, %dma_start3A_60] : memref<50000x16xbf16, #tpu.memory_space<hbm>> -> memref<50000x16xbf16, #tpu.memory_space<hbm>>
      tpu.enqueue_indirect_dma source(%dma_start3A_61 : memref<50000x16xbf16, #tpu.memory_space<hbm>>) target(%arg16 : memref<128x16xbf16, #tpu.memory_space<vmem>>) offsets(%dma_start3A_58 : memref<128xi32, #tpu.memory_space<vmem>>) semaphore(%arg21 : memref<!tpu.dma_semaphore, #tpu.memory_space<semaphore_mem>>)
      %dma_start3A_62 = arith.constant 2 : i32
      %dma_start3A_63 = arith.constant 0 : i32
      %dma_start3A_64 = tpu.memref_slice %arg13[%dma_start3A_62, %dma_start3A_63] : memref<392x128xi32, #tpu.memory_space<vmem>> -> memref<1x128xi32, #tpu.memory_space<vmem>>
      %dma_start3A_65 = tpu.memref_squeeze %dma_start3A_64 : memref<1x128xi32, #tpu.memory_space<vmem>> -> memref<128xi32, #tpu.memory_space<vmem>>
      %dma_start3A_66 = arith.constant 0 : i32
      %dma_start3A_67 = arith.constant 0 : i32
      %dma_start3A_68 = tpu.memref_slice %arg5[%dma_start3A_66, %dma_start3A_67] : memref<50000x16xbf16, #tpu.memory_space<hbm>> -> memref<50000x16xbf16, #tpu.memory_space<hbm>>
      tpu.enqueue_indirect_dma source(%dma_start3A_68 : memref<50000x16xbf16, #tpu.memory_space<hbm>>) target(%arg17 : memref<128x16xbf16, #tpu.memory_space<vmem>>) offsets(%dma_start3A_65 : memref<128xi32, #tpu.memory_space<vmem>>) semaphore(%arg22 : memref<!tpu.dma_semaphore, #tpu.memory_space<semaphore_mem>>)
      %dma_start3A_69 = arith.constant 3 : i32
      %dma_start3A_70 = arith.constant 0 : i32
      %dma_start3A_71 = tpu.memref_slice %arg13[%dma_start3A_69, %dma_start3A_70] : memref<392x128xi32, #tpu.memory_space<vmem>> -> memref<1x128xi32, #tpu.memory_space<vmem>>
      %dma_start3A_72 = tpu.memref_squeeze %dma_start3A_71 : memref<1x128xi32, #tpu.memory_space<vmem>> -> memref<128xi32, #tpu.memory_space<vmem>>
      %dma_start3A_73 = arith.constant 0 : i32
      %dma_start3A_74 = arith.constant 0 : i32
      %dma_start3A_75 = tpu.memref_slice %arg5[%dma_start3A_73, %dma_start3A_74] : memref<50000x16xbf16, #tpu.memory_space<hbm>> -> memref<50000x16xbf16, #tpu.memory_space<hbm>>
      tpu.enqueue_indirect_dma source(%dma_start3A_75 : memref<50000x16xbf16, #tpu.memory_space<hbm>>) target(%arg18 : memref<128x16xbf16, #tpu.memory_space<vmem>>) offsets(%dma_start3A_72 : memref<128xi32, #tpu.memory_space<vmem>>) semaphore(%arg23 : memref<!tpu.dma_semaphore, #tpu.memory_space<semaphore_mem>>)
      %scan3A = arith.constant 0 : i32
      %scan3A_76 = arith.constant 0 : i32
      %scan3A_77 = arith.constant 98 : i32
      %scan3A_78 = arith.addi %scan3A_76, %scan3A_77 : i32
      %scan3A_79 = arith.constant 1 : i32
      scf.for %scan3A_108 = %scan3A_76 to %scan3A_78 step %scan3A_79  : i32 {
        %mul3A_109 = arith.constant 4 : i32
        %mul3A_110 = arith.muli %mul3A_109, %scan3A_108 : i32
        %add3A = arith.constant 0 : i32
        %add3A_111 = arith.addi %mul3A_110, %add3A : i32
        %dma_wait3A_112 = arith.constant 0 : i32
        %dma_wait3A_113 = tpu.memref_slice %arg13[%add3A_111, %dma_wait3A_112] : memref<392x128xi32, #tpu.memory_space<vmem>> -> memref<1x128xi32, #tpu.memory_space<vmem>>
        %dma_wait3A_114 = tpu.memref_squeeze %dma_wait3A_113 : memref<1x128xi32, #tpu.memory_space<vmem>> -> memref<128xi32, #tpu.memory_space<vmem>>
        %dma_wait3A_115 = arith.constant 0 : i32
        %dma_wait3A_116 = arith.constant 0 : i32
        %dma_wait3A_117 = tpu.memref_slice %arg5[%dma_wait3A_115, %dma_wait3A_116] : memref<50000x16xbf16, #tpu.memory_space<hbm>> -> memref<50000x16xbf16, #tpu.memory_space<hbm>>
        tpu.wait_indirect_dma semaphore(%arg20 : memref<!tpu.dma_semaphore, #tpu.memory_space<semaphore_mem>>) src(%dma_wait3A_117 : memref<50000x16xbf16, #tpu.memory_space<hbm>>) dst(%arg15 : memref<128x16xbf16, #tpu.memory_space<vmem>>)
        %add3A_118 = arith.constant 0 : i32
        %add3A_119 = arith.addi %mul3A_110, %add3A_118 : i32
        %dma_start3A_120 = arith.constant 0 : i32
        %dma_start3A_121 = tpu.memref_slice %arg14[%add3A_119, %dma_start3A_120] : memref<392x128xi32, #tpu.memory_space<vmem>> -> memref<1x128xi32, #tpu.memory_space<vmem>>
        %dma_start3A_122 = tpu.memref_squeeze %dma_start3A_121 : memref<1x128xi32, #tpu.memory_space<vmem>> -> memref<128xi32, #tpu.memory_space<vmem>>
        %dma_start3A_123 = arith.constant 0 : i32
        %dma_start3A_124 = arith.constant 0 : i32
        %dma_start3A_125 = tpu.memref_slice %arg19[%dma_start3A_123, %dma_start3A_124] : memref<50048x16xbf16, #tpu.memory_space<vmem_shared>> -> memref<50048x16xbf16, #tpu.memory_space<vmem_shared>>
        tpu.enqueue_indirect_dma source(%arg15 : memref<128x16xbf16, #tpu.memory_space<vmem>>) target(%dma_start3A_125 : memref<50048x16xbf16, #tpu.memory_space<vmem_shared>>) offsets(%dma_start3A_122 : memref<128xi32, #tpu.memory_space<vmem>>) semaphore(%arg20 : memref<!tpu.dma_semaphore, #tpu.memory_space<semaphore_mem>>) {add = true}
        %add3A_126 = arith.constant 1 : i32
        %add3A_127 = arith.addi %mul3A_110, %add3A_126 : i32
        %dma_wait3A_128 = arith.constant 0 : i32
        %dma_wait3A_129 = tpu.memref_slice %arg13[%add3A_127, %dma_wait3A_128] : memref<392x128xi32, #tpu.memory_space<vmem>> -> memref<1x128xi32, #tpu.memory_space<vmem>>
        %dma_wait3A_130 = tpu.memref_squeeze %dma_wait3A_129 : memref<1x128xi32, #tpu.memory_space<vmem>> -> memref<128xi32, #tpu.memory_space<vmem>>
        %dma_wait3A_131 = arith.constant 0 : i32
        %dma_wait3A_132 = arith.constant 0 : i32
        %dma_wait3A_133 = tpu.memref_slice %arg5[%dma_wait3A_131, %dma_wait3A_132] : memref<50000x16xbf16, #tpu.memory_space<hbm>> -> memref<50000x16xbf16, #tpu.memory_space<hbm>>
        tpu.wait_indirect_dma semaphore(%arg21 : memref<!tpu.dma_semaphore, #tpu.memory_space<semaphore_mem>>) src(%dma_wait3A_133 : memref<50000x16xbf16, #tpu.memory_space<hbm>>) dst(%arg16 : memref<128x16xbf16, #tpu.memory_space<vmem>>)
        %add3A_134 = arith.constant 1 : i32
        %add3A_135 = arith.addi %mul3A_110, %add3A_134 : i32
        %dma_start3A_136 = arith.constant 0 : i32
        %dma_start3A_137 = tpu.memref_slice %arg14[%add3A_135, %dma_start3A_136] : memref<392x128xi32, #tpu.memory_space<vmem>> -> memref<1x128xi32, #tpu.memory_space<vmem>>
        %dma_start3A_138 = tpu.memref_squeeze %dma_start3A_137 : memref<1x128xi32, #tpu.memory_space<vmem>> -> memref<128xi32, #tpu.memory_space<vmem>>
        %dma_start3A_139 = arith.constant 0 : i32
        %dma_start3A_140 = arith.constant 0 : i32
        %dma_start3A_141 = tpu.memref_slice %arg19[%dma_start3A_139, %dma_start3A_140] : memref<50048x16xbf16, #tpu.memory_space<vmem_shared>> -> memref<50048x16xbf16, #tpu.memory_space<vmem_shared>>
        tpu.enqueue_indirect_dma source(%arg16 : memref<128x16xbf16, #tpu.memory_space<vmem>>) target(%dma_start3A_141 : memref<50048x16xbf16, #tpu.memory_space<vmem_shared>>) offsets(%dma_start3A_138 : memref<128xi32, #tpu.memory_space<vmem>>) semaphore(%arg21 : memref<!tpu.dma_semaphore, #tpu.memory_space<semaphore_mem>>) {add = true}
        %add3A_142 = arith.constant 2 : i32
        %add3A_143 = arith.addi %mul3A_110, %add3A_142 : i32
        %dma_wait3A_144 = arith.constant 0 : i32
        %dma_wait3A_145 = tpu.memref_slice %arg13[%add3A_143, %dma_wait3A_144] : memref<392x128xi32, #tpu.memory_space<vmem>> -> memref<1x128xi32, #tpu.memory_space<vmem>>
        %dma_wait3A_146 = tpu.memref_squeeze %dma_wait3A_145 : memref<1x128xi32, #tpu.memory_space<vmem>> -> memref<128xi32, #tpu.memory_space<vmem>>
        %dma_wait3A_147 = arith.constant 0 : i32
        %dma_wait3A_148 = arith.constant 0 : i32
        %dma_wait3A_149 = tpu.memref_slice %arg5[%dma_wait3A_147, %dma_wait3A_148] : memref<50000x16xbf16, #tpu.memory_space<hbm>> -> memref<50000x16xbf16, #tpu.memory_space<hbm>>
        tpu.wait_indirect_dma semaphore(%arg22 : memref<!tpu.dma_semaphore, #tpu.memory_space<semaphore_mem>>) src(%dma_wait3A_149 : memref<50000x16xbf16, #tpu.memory_space<hbm>>) dst(%arg17 : memref<128x16xbf16, #tpu.memory_space<vmem>>)
        %add3A_150 = arith.constant 2 : i32
        %add3A_151 = arith.addi %mul3A_110, %add3A_150 : i32
        %dma_start3A_152 = arith.constant 0 : i32
        %dma_start3A_153 = tpu.memref_slice %arg14[%add3A_151, %dma_start3A_152] : memref<392x128xi32, #tpu.memory_space<vmem>> -> memref<1x128xi32, #tpu.memory_space<vmem>>
        %dma_start3A_154 = tpu.memref_squeeze %dma_start3A_153 : memref<1x128xi32, #tpu.memory_space<vmem>> -> memref<128xi32, #tpu.memory_space<vmem>>
        %dma_start3A_155 = arith.constant 0 : i32
        %dma_start3A_156 = arith.constant 0 : i32
        %dma_start3A_157 = tpu.memref_slice %arg19[%dma_start3A_155, %dma_start3A_156] : memref<50048x16xbf16, #tpu.memory_space<vmem_shared>> -> memref<50048x16xbf16, #tpu.memory_space<vmem_shared>>
        tpu.enqueue_indirect_dma source(%arg17 : memref<128x16xbf16, #tpu.memory_space<vmem>>) target(%dma_start3A_157 : memref<50048x16xbf16, #tpu.memory_space<vmem_shared>>) offsets(%dma_start3A_154 : memref<128xi32, #tpu.memory_space<vmem>>) semaphore(%arg22 : memref<!tpu.dma_semaphore, #tpu.memory_space<semaphore_mem>>) {add = true}
        %add3A_158 = arith.constant 3 : i32
        %add3A_159 = arith.addi %mul3A_110, %add3A_158 : i32
        %dma_wait3A_160 = arith.constant 0 : i32
        %dma_wait3A_161 = tpu.memref_slice %arg13[%add3A_159, %dma_wait3A_160] : memref<392x128xi32, #tpu.memory_space<vmem>> -> memref<1x128xi32, #tpu.memory_space<vmem>>
        %dma_wait3A_162 = tpu.memref_squeeze %dma_wait3A_161 : memref<1x128xi32, #tpu.memory_space<vmem>> -> memref<128xi32, #tpu.memory_space<vmem>>
        %dma_wait3A_163 = arith.constant 0 : i32
        %dma_wait3A_164 = arith.constant 0 : i32
        %dma_wait3A_165 = tpu.memref_slice %arg5[%dma_wait3A_163, %dma_wait3A_164] : memref<50000x16xbf16, #tpu.memory_space<hbm>> -> memref<50000x16xbf16, #tpu.memory_space<hbm>>
        tpu.wait_indirect_dma semaphore(%arg23 : memref<!tpu.dma_semaphore, #tpu.memory_space<semaphore_mem>>) src(%dma_wait3A_165 : memref<50000x16xbf16, #tpu.memory_space<hbm>>) dst(%arg18 : memref<128x16xbf16, #tpu.memory_space<vmem>>)
        %add3A_166 = arith.constant 3 : i32
        %add3A_167 = arith.addi %mul3A_110, %add3A_166 : i32
        %dma_start3A_168 = arith.constant 0 : i32
        %dma_start3A_169 = tpu.memref_slice %arg14[%add3A_167, %dma_start3A_168] : memref<392x128xi32, #tpu.memory_space<vmem>> -> memref<1x128xi32, #tpu.memory_space<vmem>>
        %dma_start3A_170 = tpu.memref_squeeze %dma_start3A_169 : memref<1x128xi32, #tpu.memory_space<vmem>> -> memref<128xi32, #tpu.memory_space<vmem>>
        %dma_start3A_171 = arith.constant 0 : i32
        %dma_start3A_172 = arith.constant 0 : i32
        %dma_start3A_173 = tpu.memref_slice %arg19[%dma_start3A_171, %dma_start3A_172] : memref<50048x16xbf16, #tpu.memory_space<vmem_shared>> -> memref<50048x16xbf16, #tpu.memory_space<vmem_shared>>
        tpu.enqueue_indirect_dma source(%arg18 : memref<128x16xbf16, #tpu.memory_space<vmem>>) target(%dma_start3A_173 : memref<50048x16xbf16, #tpu.memory_space<vmem_shared>>) offsets(%dma_start3A_170 : memref<128xi32, #tpu.memory_space<vmem>>) semaphore(%arg23 : memref<!tpu.dma_semaphore, #tpu.memory_space<semaphore_mem>>) {add = true}
        %add3A_174 = arith.constant 0 : i32
        %add3A_175 = arith.addi %mul3A_110, %add3A_174 : i32
        %add3A_176 = arith.constant 4 : i32
        %add3A_177 = arith.addi %add3A_175, %add3A_176 : i32
        %lt3A = arith.constant 392 : i32
        %lt3A_178 = arith.cmpi slt, %add3A_177, %lt3A : i32
        %add3A_179 = arith.constant 0 : i32
        %add3A_180 = arith.addi %mul3A_110, %add3A_179 : i32
        %convert_element_type3A_181 = arith.extui %lt3A_178 : i1 to i32
        %cond3A_182 = arith.constant 0 : i32
        %cond3A_183 = arith.cmpi ne, %convert_element_type3A_181, %cond3A_182 : i32
        scf.if %cond3A_183 {
          %dma_wait3A_217 = arith.constant 0 : i32
          %dma_wait3A_218 = tpu.memref_slice %arg14[%add3A_180, %dma_wait3A_217] : memref<392x128xi32, #tpu.memory_space<vmem>> -> memref<1x128xi32, #tpu.memory_space<vmem>>
          %dma_wait3A_219 = tpu.memref_squeeze %dma_wait3A_218 : memref<1x128xi32, #tpu.memory_space<vmem>> -> memref<128xi32, #tpu.memory_space<vmem>>
          %dma_wait3A_220 = arith.constant 0 : i32
          %dma_wait3A_221 = arith.constant 0 : i32
          %dma_wait3A_222 = tpu.memref_slice %arg19[%dma_wait3A_220, %dma_wait3A_221] : memref<50048x16xbf16, #tpu.memory_space<vmem_shared>> -> memref<50048x16xbf16, #tpu.memory_space<vmem_shared>>
          tpu.wait_indirect_dma semaphore(%arg20 : memref<!tpu.dma_semaphore, #tpu.memory_space<semaphore_mem>>) src(%arg15 : memref<128x16xbf16, #tpu.memory_space<vmem>>) dst(%dma_wait3A_222 : memref<50048x16xbf16, #tpu.memory_space<vmem_shared>>)
          %dma_start3A_223 = arith.constant 0 : i32
          %dma_start3A_224 = tpu.memref_slice %arg13[%add3A_177, %dma_start3A_223] : memref<392x128xi32, #tpu.memory_space<vmem>> -> memref<1x128xi32, #tpu.memory_space<vmem>>
          %dma_start3A_225 = tpu.memref_squeeze %dma_start3A_224 : memref<1x128xi32, #tpu.memory_space<vmem>> -> memref<128xi32, #tpu.memory_space<vmem>>
          %dma_start3A_226 = arith.constant 0 : i32
          %dma_start3A_227 = arith.constant 0 : i32
          %dma_start3A_228 = tpu.memref_slice %arg5[%dma_start3A_226, %dma_start3A_227] : memref<50000x16xbf16, #tpu.memory_space<hbm>> -> memref<50000x16xbf16, #tpu.memory_space<hbm>>
          tpu.enqueue_indirect_dma source(%dma_start3A_228 : memref<50000x16xbf16, #tpu.memory_space<hbm>>) target(%arg15 : memref<128x16xbf16, #tpu.memory_space<vmem>>) offsets(%dma_start3A_225 : memref<128xi32, #tpu.memory_space<vmem>>) semaphore(%arg20 : memref<!tpu.dma_semaphore, #tpu.memory_space<semaphore_mem>>)
        } else {
        }
        %add3A_184 = arith.constant 1 : i32
        %add3A_185 = arith.addi %mul3A_110, %add3A_184 : i32
        %add3A_186 = arith.constant 4 : i32
        %add3A_187 = arith.addi %add3A_185, %add3A_186 : i32
        %lt3A_188 = arith.constant 392 : i32
        %lt3A_189 = arith.cmpi slt, %add3A_187, %lt3A_188 : i32
        %add3A_190 = arith.constant 1 : i32
        %add3A_191 = arith.addi %mul3A_110, %add3A_190 : i32
        %convert_element_type3A_192 = arith.extui %lt3A_189 : i1 to i32
        %cond3A_193 = arith.constant 0 : i32
        %cond3A_194 = arith.cmpi ne, %convert_element_type3A_192, %cond3A_193 : i32
        scf.if %cond3A_194 {
          %dma_wait3A_217 = arith.constant 0 : i32
          %dma_wait3A_218 = tpu.memref_slice %arg14[%add3A_191, %dma_wait3A_217] : memref<392x128xi32, #tpu.memory_space<vmem>> -> memref<1x128xi32, #tpu.memory_space<vmem>>
          %dma_wait3A_219 = tpu.memref_squeeze %dma_wait3A_218 : memref<1x128xi32, #tpu.memory_space<vmem>> -> memref<128xi32, #tpu.memory_space<vmem>>
          %dma_wait3A_220 = arith.constant 0 : i32
          %dma_wait3A_221 = arith.constant 0 : i32
          %dma_wait3A_222 = tpu.memref_slice %arg19[%dma_wait3A_220, %dma_wait3A_221] : memref<50048x16xbf16, #tpu.memory_space<vmem_shared>> -> memref<50048x16xbf16, #tpu.memory_space<vmem_shared>>
          tpu.wait_indirect_dma semaphore(%arg21 : memref<!tpu.dma_semaphore, #tpu.memory_space<semaphore_mem>>) src(%arg16 : memref<128x16xbf16, #tpu.memory_space<vmem>>) dst(%dma_wait3A_222 : memref<50048x16xbf16, #tpu.memory_space<vmem_shared>>)
          %dma_start3A_223 = arith.constant 0 : i32
          %dma_start3A_224 = tpu.memref_slice %arg13[%add3A_187, %dma_start3A_223] : memref<392x128xi32, #tpu.memory_space<vmem>> -> memref<1x128xi32, #tpu.memory_space<vmem>>
          %dma_start3A_225 = tpu.memref_squeeze %dma_start3A_224 : memref<1x128xi32, #tpu.memory_space<vmem>> -> memref<128xi32, #tpu.memory_space<vmem>>
          %dma_start3A_226 = arith.constant 0 : i32
          %dma_start3A_227 = arith.constant 0 : i32
          %dma_start3A_228 = tpu.memref_slice %arg5[%dma_start3A_226, %dma_start3A_227] : memref<50000x16xbf16, #tpu.memory_space<hbm>> -> memref<50000x16xbf16, #tpu.memory_space<hbm>>
          tpu.enqueue_indirect_dma source(%dma_start3A_228 : memref<50000x16xbf16, #tpu.memory_space<hbm>>) target(%arg16 : memref<128x16xbf16, #tpu.memory_space<vmem>>) offsets(%dma_start3A_225 : memref<128xi32, #tpu.memory_space<vmem>>) semaphore(%arg21 : memref<!tpu.dma_semaphore, #tpu.memory_space<semaphore_mem>>)
        } else {
        }
        %add3A_195 = arith.constant 2 : i32
        %add3A_196 = arith.addi %mul3A_110, %add3A_195 : i32
        %add3A_197 = arith.constant 4 : i32
        %add3A_198 = arith.addi %add3A_196, %add3A_197 : i32
        %lt3A_199 = arith.constant 392 : i32
        %lt3A_200 = arith.cmpi slt, %add3A_198, %lt3A_199 : i32
        %add3A_201 = arith.constant 2 : i32
        %add3A_202 = arith.addi %mul3A_110, %add3A_201 : i32
        %convert_element_type3A_203 = arith.extui %lt3A_200 : i1 to i32
        %cond3A_204 = arith.constant 0 : i32
        %cond3A_205 = arith.cmpi ne, %convert_element_type3A_203, %cond3A_204 : i32
        scf.if %cond3A_205 {
          %dma_wait3A_217 = arith.constant 0 : i32
          %dma_wait3A_218 = tpu.memref_slice %arg14[%add3A_202, %dma_wait3A_217] : memref<392x128xi32, #tpu.memory_space<vmem>> -> memref<1x128xi32, #tpu.memory_space<vmem>>
          %dma_wait3A_219 = tpu.memref_squeeze %dma_wait3A_218 : memref<1x128xi32, #tpu.memory_space<vmem>> -> memref<128xi32, #tpu.memory_space<vmem>>
          %dma_wait3A_220 = arith.constant 0 : i32
          %dma_wait3A_221 = arith.constant 0 : i32
          %dma_wait3A_222 = tpu.memref_slice %arg19[%dma_wait3A_220, %dma_wait3A_221] : memref<50048x16xbf16, #tpu.memory_space<vmem_shared>> -> memref<50048x16xbf16, #tpu.memory_space<vmem_shared>>
          tpu.wait_indirect_dma semaphore(%arg22 : memref<!tpu.dma_semaphore, #tpu.memory_space<semaphore_mem>>) src(%arg17 : memref<128x16xbf16, #tpu.memory_space<vmem>>) dst(%dma_wait3A_222 : memref<50048x16xbf16, #tpu.memory_space<vmem_shared>>)
          %dma_start3A_223 = arith.constant 0 : i32
          %dma_start3A_224 = tpu.memref_slice %arg13[%add3A_198, %dma_start3A_223] : memref<392x128xi32, #tpu.memory_space<vmem>> -> memref<1x128xi32, #tpu.memory_space<vmem>>
          %dma_start3A_225 = tpu.memref_squeeze %dma_start3A_224 : memref<1x128xi32, #tpu.memory_space<vmem>> -> memref<128xi32, #tpu.memory_space<vmem>>
          %dma_start3A_226 = arith.constant 0 : i32
          %dma_start3A_227 = arith.constant 0 : i32
          %dma_start3A_228 = tpu.memref_slice %arg5[%dma_start3A_226, %dma_start3A_227] : memref<50000x16xbf16, #tpu.memory_space<hbm>> -> memref<50000x16xbf16, #tpu.memory_space<hbm>>
          tpu.enqueue_indirect_dma source(%dma_start3A_228 : memref<50000x16xbf16, #tpu.memory_space<hbm>>) target(%arg17 : memref<128x16xbf16, #tpu.memory_space<vmem>>) offsets(%dma_start3A_225 : memref<128xi32, #tpu.memory_space<vmem>>) semaphore(%arg22 : memref<!tpu.dma_semaphore, #tpu.memory_space<semaphore_mem>>)
        } else {
        }
        %add3A_206 = arith.constant 3 : i32
        %add3A_207 = arith.addi %mul3A_110, %add3A_206 : i32
        %add3A_208 = arith.constant 4 : i32
        %add3A_209 = arith.addi %add3A_207, %add3A_208 : i32
        %lt3A_210 = arith.constant 392 : i32
        %lt3A_211 = arith.cmpi slt, %add3A_209, %lt3A_210 : i32
        %add3A_212 = arith.constant 3 : i32
        %add3A_213 = arith.addi %mul3A_110, %add3A_212 : i32
        %convert_element_type3A_214 = arith.extui %lt3A_211 : i1 to i32
        %cond3A_215 = arith.constant 0 : i32
        %cond3A_216 = arith.cmpi ne, %convert_element_type3A_214, %cond3A_215 : i32
        scf.if %cond3A_216 {
          %dma_wait3A_217 = arith.constant 0 : i32
          %dma_wait3A_218 = tpu.memref_slice %arg14[%add3A_213, %dma_wait3A_217] : memref<392x128xi32, #tpu.memory_space<vmem>> -> memref<1x128xi32, #tpu.memory_space<vmem>>
          %dma_wait3A_219 = tpu.memref_squeeze %dma_wait3A_218 : memref<1x128xi32, #tpu.memory_space<vmem>> -> memref<128xi32, #tpu.memory_space<vmem>>
          %dma_wait3A_220 = arith.constant 0 : i32
          %dma_wait3A_221 = arith.constant 0 : i32
          %dma_wait3A_222 = tpu.memref_slice %arg19[%dma_wait3A_220, %dma_wait3A_221] : memref<50048x16xbf16, #tpu.memory_space<vmem_shared>> -> memref<50048x16xbf16, #tpu.memory_space<vmem_shared>>
          tpu.wait_indirect_dma semaphore(%arg23 : memref<!tpu.dma_semaphore, #tpu.memory_space<semaphore_mem>>) src(%arg18 : memref<128x16xbf16, #tpu.memory_space<vmem>>) dst(%dma_wait3A_222 : memref<50048x16xbf16, #tpu.memory_space<vmem_shared>>)
          %dma_start3A_223 = arith.constant 0 : i32
          %dma_start3A_224 = tpu.memref_slice %arg13[%add3A_209, %dma_start3A_223] : memref<392x128xi32, #tpu.memory_space<vmem>> -> memref<1x128xi32, #tpu.memory_space<vmem>>
          %dma_start3A_225 = tpu.memref_squeeze %dma_start3A_224 : memref<1x128xi32, #tpu.memory_space<vmem>> -> memref<128xi32, #tpu.memory_space<vmem>>
          %dma_start3A_226 = arith.constant 0 : i32
          %dma_start3A_227 = arith.constant 0 : i32
          %dma_start3A_228 = tpu.memref_slice %arg5[%dma_start3A_226, %dma_start3A_227] : memref<50000x16xbf16, #tpu.memory_space<hbm>> -> memref<50000x16xbf16, #tpu.memory_space<hbm>>
          tpu.enqueue_indirect_dma source(%dma_start3A_228 : memref<50000x16xbf16, #tpu.memory_space<hbm>>) target(%arg18 : memref<128x16xbf16, #tpu.memory_space<vmem>>) offsets(%dma_start3A_225 : memref<128xi32, #tpu.memory_space<vmem>>) semaphore(%arg23 : memref<!tpu.dma_semaphore, #tpu.memory_space<semaphore_mem>>)
        } else {
        }
      }
      %scan3A_80 = arith.constant 98 : i32
      %dma_wait3A = arith.constant 388 : i32
      %dma_wait3A_81 = arith.constant 0 : i32
      %dma_wait3A_82 = tpu.memref_slice %arg14[%dma_wait3A, %dma_wait3A_81] : memref<392x128xi32, #tpu.memory_space<vmem>> -> memref<1x128xi32, #tpu.memory_space<vmem>>
      %dma_wait3A_83 = tpu.memref_squeeze %dma_wait3A_82 : memref<1x128xi32, #tpu.memory_space<vmem>> -> memref<128xi32, #tpu.memory_space<vmem>>
      %dma_wait3A_84 = arith.constant 0 : i32
      %dma_wait3A_85 = arith.constant 0 : i32
      %dma_wait3A_86 = tpu.memref_slice %arg19[%dma_wait3A_84, %dma_wait3A_85] : memref<50048x16xbf16, #tpu.memory_space<vmem_shared>> -> memref<50048x16xbf16, #tpu.memory_space<vmem_shared>>
      tpu.wait_indirect_dma semaphore(%arg20 : memref<!tpu.dma_semaphore, #tpu.memory_space<semaphore_mem>>) src(%arg15 : memref<128x16xbf16, #tpu.memory_space<vmem>>) dst(%dma_wait3A_86 : memref<50048x16xbf16, #tpu.memory_space<vmem_shared>>)
      %dma_wait3A_87 = arith.constant 389 : i32
      %dma_wait3A_88 = arith.constant 0 : i32
      %dma_wait3A_89 = tpu.memref_slice %arg14[%dma_wait3A_87, %dma_wait3A_88] : memref<392x128xi32, #tpu.memory_space<vmem>> -> memref<1x128xi32, #tpu.memory_space<vmem>>
      %dma_wait3A_90 = tpu.memref_squeeze %dma_wait3A_89 : memref<1x128xi32, #tpu.memory_space<vmem>> -> memref<128xi32, #tpu.memory_space<vmem>>
      %dma_wait3A_91 = arith.constant 0 : i32
      %dma_wait3A_92 = arith.constant 0 : i32
      %dma_wait3A_93 = tpu.memref_slice %arg19[%dma_wait3A_91, %dma_wait3A_92] : memref<50048x16xbf16, #tpu.memory_space<vmem_shared>> -> memref<50048x16xbf16, #tpu.memory_space<vmem_shared>>
      tpu.wait_indirect_dma semaphore(%arg21 : memref<!tpu.dma_semaphore, #tpu.memory_space<semaphore_mem>>) src(%arg16 : memref<128x16xbf16, #tpu.memory_space<vmem>>) dst(%dma_wait3A_93 : memref<50048x16xbf16, #tpu.memory_space<vmem_shared>>)
      %dma_wait3A_94 = arith.constant 390 : i32
      %dma_wait3A_95 = arith.constant 0 : i32
      %dma_wait3A_96 = tpu.memref_slice %arg14[%dma_wait3A_94, %dma_wait3A_95] : memref<392x128xi32, #tpu.memory_space<vmem>> -> memref<1x128xi32, #tpu.memory_space<vmem>>
      %dma_wait3A_97 = tpu.memref_squeeze %dma_wait3A_96 : memref<1x128xi32, #tpu.memory_space<vmem>> -> memref<128xi32, #tpu.memory_space<vmem>>
      %dma_wait3A_98 = arith.constant 0 : i32
      %dma_wait3A_99 = arith.constant 0 : i32
      %dma_wait3A_100 = tpu.memref_slice %arg19[%dma_wait3A_98, %dma_wait3A_99] : memref<50048x16xbf16, #tpu.memory_space<vmem_shared>> -> memref<50048x16xbf16, #tpu.memory_space<vmem_shared>>
      tpu.wait_indirect_dma semaphore(%arg22 : memref<!tpu.dma_semaphore, #tpu.memory_space<semaphore_mem>>) src(%arg17 : memref<128x16xbf16, #tpu.memory_space<vmem>>) dst(%dma_wait3A_100 : memref<50048x16xbf16, #tpu.memory_space<vmem_shared>>)
      %dma_wait3A_101 = arith.constant 391 : i32
      %dma_wait3A_102 = arith.constant 0 : i32
      %dma_wait3A_103 = tpu.memref_slice %arg14[%dma_wait3A_101, %dma_wait3A_102] : memref<392x128xi32, #tpu.memory_space<vmem>> -> memref<1x128xi32, #tpu.memory_space<vmem>>
      %dma_wait3A_104 = tpu.memref_squeeze %dma_wait3A_103 : memref<1x128xi32, #tpu.memory_space<vmem>> -> memref<128xi32, #tpu.memory_space<vmem>>
      %dma_wait3A_105 = arith.constant 0 : i32
      %dma_wait3A_106 = arith.constant 0 : i32
      %dma_wait3A_107 = tpu.memref_slice %arg19[%dma_wait3A_105, %dma_wait3A_106] : memref<50048x16xbf16, #tpu.memory_space<vmem_shared>> -> memref<50048x16xbf16, #tpu.memory_space<vmem_shared>>
      tpu.wait_indirect_dma semaphore(%arg23 : memref<!tpu.dma_semaphore, #tpu.memory_space<semaphore_mem>>) src(%arg18 : memref<128x16xbf16, #tpu.memory_space<vmem>>) dst(%dma_wait3A_107 : memref<50048x16xbf16, #tpu.memory_space<vmem_shared>>)
    } else {
    }
    %barrier3A_37 = arith.constant 0 : index
    tpu.barrier barrier_id(%barrier3A_37)
    %eq3A_38 = arith.constant 0 : i32
    %eq3A_39 = arith.cmpi eq, %arg0, %eq3A_38 : i32
    %convert_element_type3A_40 = arith.extui %eq3A_39 : i1 to i32
    %cond3A_41 = arith.constant 0 : i32
    %cond3A_42 = arith.cmpi ne, %convert_element_type3A_40, %cond3A_41 : i32
    scf.if %cond3A_42 {
      %lt3A = arith.constant 15 : i32
      %lt3A_49 = arith.cmpi slt, %arg1, %lt3A : i32
      %convert_element_type3A_50 = arith.extui %lt3A_49 : i1 to i32
      %cond3A_51 = arith.constant 0 : i32
      %cond3A_52 = arith.cmpi ne, %convert_element_type3A_50, %cond3A_51 : i32
      scf.if %cond3A_52 {
        %mul3A_58 = arith.constant 3128 : i32
        %mul3A_59 = arith.muli %arg1, %mul3A_58 : i32
        %mul3A_60 = arith.constant 3128 : i32
        %mul3A_61 = arith.muli %arg1, %mul3A_60 : i32
        "tpu.region"() ({
          %run_scoped3A = tpu.sem_alloc : memref<!tpu.dma_semaphore, #tpu.memory_space<semaphore_mem>>
          %dma_start3A = arith.constant 0 : i32
          %dma_start3A_62 = tpu.memref_slice %arg11[%mul3A_61, %dma_start3A] : memref<50000x16xbf16, #tpu.memory_space<hbm>> -> memref<3128x16xbf16, #tpu.memory_space<hbm>>
          %dma_start3A_63 = arith.constant 0 : i32
          %dma_start3A_64 = tpu.memref_slice %arg19[%mul3A_59, %dma_start3A_63] : memref<50048x16xbf16, #tpu.memory_space<vmem_shared>> -> memref<3128x16xbf16, #tpu.memory_space<vmem_shared>>
          tpu.enqueue_dma source(%dma_start3A_64 : memref<3128x16xbf16, #tpu.memory_space<vmem_shared>>) target(%dma_start3A_62 : memref<3128x16xbf16, #tpu.memory_space<hbm>>) target_semaphore(%run_scoped3A : memref<!tpu.dma_semaphore, #tpu.memory_space<semaphore_mem>>)
          %dma_wait3A = arith.constant 0 : i32
          %dma_wait3A_65 = tpu.memref_slice %arg11[%mul3A_61, %dma_wait3A] : memref<50000x16xbf16, #tpu.memory_space<hbm>> -> memref<3128x16xbf16, #tpu.memory_space<hbm>>
          %dma_wait3A_66 = arith.constant 0 : i32
          %dma_wait3A_67 = tpu.memref_slice %arg19[%mul3A_59, %dma_wait3A_66] : memref<50048x16xbf16, #tpu.memory_space<vmem_shared>> -> memref<3128x16xbf16, #tpu.memory_space<vmem_shared>>
          tpu.wait_dma2 semaphore(%run_scoped3A : memref<!tpu.dma_semaphore, #tpu.memory_space<semaphore_mem>>) src(%dma_wait3A_67 : memref<3128x16xbf16, #tpu.memory_space<vmem_shared>>) dst(%dma_wait3A_65 : memref<3128x16xbf16, #tpu.memory_space<hbm>>)
          tpu.yield
        }) : () -> ()
      } else {
      }
      %eq3A_53 = arith.constant 15 : i32
      %eq3A_54 = arith.cmpi eq, %arg1, %eq3A_53 : i32
      %convert_element_type3A_55 = arith.extui %eq3A_54 : i1 to i32
      %cond3A_56 = arith.constant 0 : i32
      %cond3A_57 = arith.cmpi ne, %convert_element_type3A_55, %cond3A_56 : i32
      scf.if %cond3A_57 {
        "tpu.region"() ({
          %run_scoped3A = tpu.sem_alloc : memref<!tpu.dma_semaphore, #tpu.memory_space<semaphore_mem>>
          %dma_start3A = arith.constant 46920 : i32
          %dma_start3A_58 = arith.constant 0 : i32
          %dma_start3A_59 = tpu.memref_slice %arg11[%dma_start3A, %dma_start3A_58] : memref<50000x16xbf16, #tpu.memory_space<hbm>> -> memref<3080x16xbf16, #tpu.memory_space<hbm>>
          %dma_start3A_60 = arith.constant 46920 : i32
          %dma_start3A_61 = arith.constant 0 : i32
          %dma_start3A_62 = tpu.memref_slice %arg19[%dma_start3A_60, %dma_start3A_61] : memref<50048x16xbf16, #tpu.memory_space<vmem_shared>> -> memref<3080x16xbf16, #tpu.memory_space<vmem_shared>>
          tpu.enqueue_dma source(%dma_start3A_62 : memref<3080x16xbf16, #tpu.memory_space<vmem_shared>>) target(%dma_start3A_59 : memref<3080x16xbf16, #tpu.memory_space<hbm>>) target_semaphore(%run_scoped3A : memref<!tpu.dma_semaphore, #tpu.memory_space<semaphore_mem>>)
          %dma_wait3A = arith.constant 46920 : i32
          %dma_wait3A_63 = arith.constant 0 : i32
          %dma_wait3A_64 = tpu.memref_slice %arg11[%dma_wait3A, %dma_wait3A_63] : memref<50000x16xbf16, #tpu.memory_space<hbm>> -> memref<3080x16xbf16, #tpu.memory_space<hbm>>
          %dma_wait3A_65 = arith.constant 46920 : i32
          %dma_wait3A_66 = arith.constant 0 : i32
          %dma_wait3A_67 = tpu.memref_slice %arg19[%dma_wait3A_65, %dma_wait3A_66] : memref<50048x16xbf16, #tpu.memory_space<vmem_shared>> -> memref<3080x16xbf16, #tpu.memory_space<vmem_shared>>
          tpu.wait_dma2 semaphore(%run_scoped3A : memref<!tpu.dma_semaphore, #tpu.memory_space<semaphore_mem>>) src(%dma_wait3A_67 : memref<3080x16xbf16, #tpu.memory_space<vmem_shared>>) dst(%dma_wait3A_64 : memref<3080x16xbf16, #tpu.memory_space<hbm>>)
          tpu.yield
        }) : () -> ()
      } else {
      }
    } else {
    }
    %eq3A_43 = arith.constant 1 : i32
    %eq3A_44 = arith.cmpi eq, %arg0, %eq3A_43 : i32
    %convert_element_type3A_45 = arith.extui %eq3A_44 : i1 to i32
    %cond3A_46 = arith.constant 0 : i32
    %cond3A_47 = arith.cmpi ne, %convert_element_type3A_45, %cond3A_46 : i32
    scf.if %cond3A_47 {
      %lt3A = arith.constant 15 : i32
      %lt3A_49 = arith.cmpi slt, %arg1, %lt3A : i32
      %convert_element_type3A_50 = arith.extui %lt3A_49 : i1 to i32
      %cond3A_51 = arith.constant 0 : i32
      %cond3A_52 = arith.cmpi ne, %convert_element_type3A_50, %cond3A_51 : i32
      scf.if %cond3A_52 {
        %mul3A_58 = arith.constant 3128 : i32
        %mul3A_59 = arith.muli %arg1, %mul3A_58 : i32
        %mul3A_60 = arith.constant 3128 : i32
        %mul3A_61 = arith.muli %arg1, %mul3A_60 : i32
        "tpu.region"() ({
          %run_scoped3A = tpu.sem_alloc : memref<!tpu.dma_semaphore, #tpu.memory_space<semaphore_mem>>
          %dma_start3A = arith.constant 0 : i32
          %dma_start3A_62 = tpu.memref_slice %arg12[%mul3A_61, %dma_start3A] : memref<50000x16xbf16, #tpu.memory_space<hbm>> -> memref<3128x16xbf16, #tpu.memory_space<hbm>>
          %dma_start3A_63 = arith.constant 0 : i32
          %dma_start3A_64 = tpu.memref_slice %arg19[%mul3A_59, %dma_start3A_63] : memref<50048x16xbf16, #tpu.memory_space<vmem_shared>> -> memref<3128x16xbf16, #tpu.memory_space<vmem_shared>>
          tpu.enqueue_dma source(%dma_start3A_64 : memref<3128x16xbf16, #tpu.memory_space<vmem_shared>>) target(%dma_start3A_62 : memref<3128x16xbf16, #tpu.memory_space<hbm>>) target_semaphore(%run_scoped3A : memref<!tpu.dma_semaphore, #tpu.memory_space<semaphore_mem>>)
          %dma_wait3A = arith.constant 0 : i32
          %dma_wait3A_65 = tpu.memref_slice %arg12[%mul3A_61, %dma_wait3A] : memref<50000x16xbf16, #tpu.memory_space<hbm>> -> memref<3128x16xbf16, #tpu.memory_space<hbm>>
          %dma_wait3A_66 = arith.constant 0 : i32
          %dma_wait3A_67 = tpu.memref_slice %arg19[%mul3A_59, %dma_wait3A_66] : memref<50048x16xbf16, #tpu.memory_space<vmem_shared>> -> memref<3128x16xbf16, #tpu.memory_space<vmem_shared>>
          tpu.wait_dma2 semaphore(%run_scoped3A : memref<!tpu.dma_semaphore, #tpu.memory_space<semaphore_mem>>) src(%dma_wait3A_67 : memref<3128x16xbf16, #tpu.memory_space<vmem_shared>>) dst(%dma_wait3A_65 : memref<3128x16xbf16, #tpu.memory_space<hbm>>)
          tpu.yield
        }) : () -> ()
      } else {
      }
      %eq3A_53 = arith.constant 15 : i32
      %eq3A_54 = arith.cmpi eq, %arg1, %eq3A_53 : i32
      %convert_element_type3A_55 = arith.extui %eq3A_54 : i1 to i32
      %cond3A_56 = arith.constant 0 : i32
      %cond3A_57 = arith.cmpi ne, %convert_element_type3A_55, %cond3A_56 : i32
      scf.if %cond3A_57 {
        "tpu.region"() ({
          %run_scoped3A = tpu.sem_alloc : memref<!tpu.dma_semaphore, #tpu.memory_space<semaphore_mem>>
          %dma_start3A = arith.constant 46920 : i32
          %dma_start3A_58 = arith.constant 0 : i32
          %dma_start3A_59 = tpu.memref_slice %arg12[%dma_start3A, %dma_start3A_58] : memref<50000x16xbf16, #tpu.memory_space<hbm>> -> memref<3080x16xbf16, #tpu.memory_space<hbm>>
          %dma_start3A_60 = arith.constant 46920 : i32
          %dma_start3A_61 = arith.constant 0 : i32
          %dma_start3A_62 = tpu.memref_slice %arg19[%dma_start3A_60, %dma_start3A_61] : memref<50048x16xbf16, #tpu.memory_space<vmem_shared>> -> memref<3080x16xbf16, #tpu.memory_space<vmem_shared>>
          tpu.enqueue_dma source(%dma_start3A_62 : memref<3080x16xbf16, #tpu.memory_space<vmem_shared>>) target(%dma_start3A_59 : memref<3080x16xbf16, #tpu.memory_space<hbm>>) target_semaphore(%run_scoped3A : memref<!tpu.dma_semaphore, #tpu.memory_space<semaphore_mem>>)
          %dma_wait3A = arith.constant 46920 : i32
          %dma_wait3A_63 = arith.constant 0 : i32
          %dma_wait3A_64 = tpu.memref_slice %arg12[%dma_wait3A, %dma_wait3A_63] : memref<50000x16xbf16, #tpu.memory_space<hbm>> -> memref<3080x16xbf16, #tpu.memory_space<hbm>>
          %dma_wait3A_65 = arith.constant 46920 : i32
          %dma_wait3A_66 = arith.constant 0 : i32
          %dma_wait3A_67 = tpu.memref_slice %arg19[%dma_wait3A_65, %dma_wait3A_66] : memref<50048x16xbf16, #tpu.memory_space<vmem_shared>> -> memref<3080x16xbf16, #tpu.memory_space<vmem_shared>>
          tpu.wait_dma2 semaphore(%run_scoped3A : memref<!tpu.dma_semaphore, #tpu.memory_space<semaphore_mem>>) src(%dma_wait3A_67 : memref<3080x16xbf16, #tpu.memory_space<vmem_shared>>) dst(%dma_wait3A_64 : memref<3080x16xbf16, #tpu.memory_space<hbm>>)
          tpu.yield
        }) : () -> ()
      } else {
      }
    } else {
    }
    %barrier3A_48 = arith.constant 0 : index
    tpu.barrier barrier_id(%barrier3A_48)
    return
  }
}

module attributes {stable_mosaic.version = 14 : i64} {
  func.func @_enc_body(%arg0: i32, %arg1: memref<2000x1xi32, #tpu.memory_space<vmem>>, %arg2: memref<2000x300xf32, #tpu.memory_space<vmem>>, %arg3: memref<2000x300xf32, #tpu.memory_space<vmem>>, %arg4: memref<2000x16xf32, #tpu.memory_space<vmem>>, %arg5: memref<150x64xf32, #tpu.memory_space<vmem>>, %arg6: memref<300x64xf32, #tpu.memory_space<vmem>>, %arg7: memref<1x64xf32, #tpu.memory_space<vmem>>, %arg8: memref<64x64xf32, #tpu.memory_space<vmem>>, %arg9: memref<64x64xf32, #tpu.memory_space<vmem>>, %arg10: memref<1x64xf32, #tpu.memory_space<vmem>>, %arg11: memref<300x64xf32, #tpu.memory_space<vmem>>, %arg12: memref<1x64xf32, #tpu.memory_space<vmem>>, %arg13: memref<64x32xf32, #tpu.memory_space<vmem>>, %arg14: memref<64x32xf32, #tpu.memory_space<vmem>>, %arg15: memref<1x32xf32, #tpu.memory_space<vmem>>, %arg16: memref<64x32xf32, #tpu.memory_space<vmem>>, %arg17: memref<64x32xf32, #tpu.memory_space<vmem>>, %arg18: memref<1x32xf32, #tpu.memory_space<vmem>>, %arg19: memref<16x32xf32, #tpu.memory_space<vmem>>, %arg20: memref<1x32xf32, #tpu.memory_space<vmem>>, %arg21: memref<16x32xf32, #tpu.memory_space<vmem>>, %arg22: memref<1x32xf32, #tpu.memory_space<vmem>>, %arg23: memref<2000x32xf32, #tpu.memory_space<vmem>>, %arg24: memref<2000x32xf32, #tpu.memory_space<vmem>>) attributes {dimension_semantics = [#tpu.dimension_semantics<parallel>], iteration_bounds = array<i64: 25>, scalar_prefetch = 0 : i64, scratch_operands = 0 : i64, tpu.core_type = #tpu.core_type<tc>, window_params = [{transform_indices = @transform_0, window_bounds = array<i64: 2000, 1>}, {transform_indices = @transform_1, window_bounds = array<i64: 2000, 300>}, {transform_indices = @transform_2, window_bounds = array<i64: 2000, 300>}, {transform_indices = @transform_3, window_bounds = array<i64: 2000, 16>}, {pipeline_mode = #tpu.pipeline_mode<synchronous>, transform_indices = @transform_4, window_bounds = array<i64: 150, 64>}, {pipeline_mode = #tpu.pipeline_mode<synchronous>, transform_indices = @transform_5, window_bounds = array<i64: 300, 64>}, {pipeline_mode = #tpu.pipeline_mode<synchronous>, transform_indices = @transform_6, window_bounds = array<i64: 1, 64>}, {pipeline_mode = #tpu.pipeline_mode<synchronous>, transform_indices = @transform_7, window_bounds = array<i64: 64, 64>}, {pipeline_mode = #tpu.pipeline_mode<synchronous>, transform_indices = @transform_8, window_bounds = array<i64: 64, 64>}, {pipeline_mode = #tpu.pipeline_mode<synchronous>, transform_indices = @transform_9, window_bounds = array<i64: 1, 64>}, {pipeline_mode = #tpu.pipeline_mode<synchronous>, transform_indices = @transform_10, window_bounds = array<i64: 300, 64>}, {pipeline_mode = #tpu.pipeline_mode<synchronous>, transform_indices = @transform_11, window_bounds = array<i64: 1, 64>}, {pipeline_mode = #tpu.pipeline_mode<synchronous>, transform_indices = @transform_12, window_bounds = array<i64: 64, 32>}, {pipeline_mode = #tpu.pipeline_mode<synchronous>, transform_indices = @transform_13, window_bounds = array<i64: 64, 32>}, {pipeline_mode = #tpu.pipeline_mode<synchronous>, transform_indices = @transform_14, window_bounds = array<i64: 1, 32>}, {pipeline_mode = #tpu.pipeline_mode<synchronous>, transform_indices = @transform_15, window_bounds = array<i64: 64, 32>}, {pipeline_mode = #tpu.pipeline_mode<synchronous>, transform_indices = @transform_16, window_bounds = array<i64: 64, 32>}, {pipeline_mode = #tpu.pipeline_mode<synchronous>, transform_indices = @transform_17, window_bounds = array<i64: 1, 32>}, {pipeline_mode = #tpu.pipeline_mode<synchronous>, transform_indices = @transform_18, window_bounds = array<i64: 16, 32>}, {pipeline_mode = #tpu.pipeline_mode<synchronous>, transform_indices = @transform_19, window_bounds = array<i64: 1, 32>}, {pipeline_mode = #tpu.pipeline_mode<synchronous>, transform_indices = @transform_20, window_bounds = array<i64: 16, 32>}, {pipeline_mode = #tpu.pipeline_mode<synchronous>, transform_indices = @transform_21, window_bounds = array<i64: 1, 32>}, {transform_indices = @transform_22, window_bounds = array<i64: 2000, 32>}, {transform_indices = @transform_23, window_bounds = array<i64: 2000, 32>}]} {
    %iota3A = tpu.iota {dimensions = array<i32: 1>} : vector<2000x150xi32>
    %get3A = arith.constant 0 : index
    %get3A_0 = arith.constant 0 : index
    %get3A_1 = vector.load %arg1[%get3A, %get3A_0] : memref<2000x1xi32, #tpu.memory_space<vmem>>, vector<2000x1xi32>
    %eq3A = vector.broadcast %get3A_1 : vector<2000x1xi32> to vector<2000x150xi32>
    %eq3A_2 = arith.cmpi eq, %iota3A, %eq3A : vector<2000x150xi32>
    %convert_element_type3A = arith.extui %eq3A_2 : vector<2000x150xi1> to vector<2000x150xi32>
    %convert_element_type3A_3 = arith.sitofp %convert_element_type3A : vector<2000x150xi32> to vector<2000x150xf32>
    %get3A_4 = arith.constant 0 : index
    %get3A_5 = arith.constant 0 : index
    %get3A_6 = vector.load %arg5[%get3A_4, %get3A_5] : memref<150x64xf32, #tpu.memory_space<vmem>>, vector<150x64xf32>
    %dot_general3A = arith.constant dense<0.000000e+00> : vector<2000x64xf32>
    %dot_general3A_7 = tpu.matmul %convert_element_type3A_3, %get3A_6, %dot_general3A {dimension_numbers = #tpu.dot_dimension_numbers<[1], [0], [0], [1], [0, 0, 1, 1], [], []>, transpose_lhs_hint = false} : vector<2000x150xf32>, vector<150x64xf32>, vector<2000x64xf32> -> vector<2000x64xf32>
    %get3A_8 = arith.constant 0 : index
    %get3A_9 = arith.constant 0 : index
    %get3A_10 = vector.load %arg3[%get3A_8, %get3A_9] : memref<2000x300xf32, #tpu.memory_space<vmem>>, vector<2000x300xf32>
    %get3A_11 = arith.constant 0 : index
    %get3A_12 = arith.constant 0 : index
    %get3A_13 = vector.load %arg6[%get3A_11, %get3A_12] : memref<300x64xf32, #tpu.memory_space<vmem>>, vector<300x64xf32>
    %dot_general3A_14 = arith.constant dense<0.000000e+00> : vector<2000x64xf32>
    %dot_general3A_15 = tpu.matmul %get3A_10, %get3A_13, %dot_general3A_14 {dimension_numbers = #tpu.dot_dimension_numbers<[1], [0], [0], [1], [0, 0, 1, 1], [], []>, transpose_lhs_hint = false} : vector<2000x300xf32>, vector<300x64xf32>, vector<2000x64xf32> -> vector<2000x64xf32>
    %get3A_16 = arith.constant 0 : index
    %get3A_17 = arith.constant 0 : index
    %get3A_18 = vector.load %arg7[%get3A_16, %get3A_17] : memref<1x64xf32, #tpu.memory_space<vmem>>, vector<1x64xf32>
    %add3A = vector.broadcast %get3A_18 : vector<1x64xf32> to vector<2000x64xf32>
    %add3A_19 = arith.addf %dot_general3A_15, %add3A : vector<2000x64xf32>
    %get3A_20 = arith.constant 0 : index
    %get3A_21 = arith.constant 0 : index
    %get3A_22 = vector.load %arg8[%get3A_20, %get3A_21] : memref<64x64xf32, #tpu.memory_space<vmem>>, vector<64x64xf32>
    %dot_general3A_23 = arith.constant dense<0.000000e+00> : vector<2000x64xf32>
    %dot_general3A_24 = tpu.matmul %dot_general3A_7, %get3A_22, %dot_general3A_23 {dimension_numbers = #tpu.dot_dimension_numbers<[1], [0], [0], [1], [0, 0, 1, 1], [], []>, transpose_lhs_hint = false} : vector<2000x64xf32>, vector<64x64xf32>, vector<2000x64xf32> -> vector<2000x64xf32>
    %get3A_25 = arith.constant 0 : index
    %get3A_26 = arith.constant 0 : index
    %get3A_27 = vector.load %arg9[%get3A_25, %get3A_26] : memref<64x64xf32, #tpu.memory_space<vmem>>, vector<64x64xf32>
    %dot_general3A_28 = arith.constant dense<0.000000e+00> : vector<2000x64xf32>
    %dot_general3A_29 = tpu.matmul %add3A_19, %get3A_27, %dot_general3A_28 {dimension_numbers = #tpu.dot_dimension_numbers<[1], [0], [0], [1], [0, 0, 1, 1], [], []>, transpose_lhs_hint = false} : vector<2000x64xf32>, vector<64x64xf32>, vector<2000x64xf32> -> vector<2000x64xf32>
    %add3A_30 = arith.addf %dot_general3A_24, %dot_general3A_29 : vector<2000x64xf32>
    %get3A_31 = arith.constant 0 : index
    %get3A_32 = arith.constant 0 : index
    %get3A_33 = vector.load %arg10[%get3A_31, %get3A_32] : memref<1x64xf32, #tpu.memory_space<vmem>>, vector<1x64xf32>
    %add3A_34 = vector.broadcast %get3A_33 : vector<1x64xf32> to vector<2000x64xf32>
    %add3A_35 = arith.addf %add3A_30, %add3A_34 : vector<2000x64xf32>
    %max3A = arith.constant 0.000000e+00 : f32
    %max3A_36 = vector.broadcast %max3A : f32 to vector<2000x64xf32>
    %max3A_37 = arith.maximumf %add3A_35, %max3A_36 : vector<2000x64xf32>
    %get3A_38 = arith.constant 0 : index
    %get3A_39 = arith.constant 0 : index
    %get3A_40 = vector.load %arg2[%get3A_38, %get3A_39] : memref<2000x300xf32, #tpu.memory_space<vmem>>, vector<2000x300xf32>
    %get3A_41 = arith.constant 0 : index
    %get3A_42 = arith.constant 0 : index
    %get3A_43 = vector.load %arg11[%get3A_41, %get3A_42] : memref<300x64xf32, #tpu.memory_space<vmem>>, vector<300x64xf32>
    %dot_general3A_44 = arith.constant dense<0.000000e+00> : vector<2000x64xf32>
    %dot_general3A_45 = tpu.matmul %get3A_40, %get3A_43, %dot_general3A_44 {dimension_numbers = #tpu.dot_dimension_numbers<[1], [0], [0], [1], [0, 0, 1, 1], [], []>, transpose_lhs_hint = false} : vector<2000x300xf32>, vector<300x64xf32>, vector<2000x64xf32> -> vector<2000x64xf32>
    %get3A_46 = arith.constant 0 : index
    %get3A_47 = arith.constant 0 : index
    %get3A_48 = vector.load %arg12[%get3A_46, %get3A_47] : memref<1x64xf32, #tpu.memory_space<vmem>>, vector<1x64xf32>
    %add3A_49 = vector.broadcast %get3A_48 : vector<1x64xf32> to vector<2000x64xf32>
    %add3A_50 = arith.addf %dot_general3A_45, %add3A_49 : vector<2000x64xf32>
    %max3A_51 = arith.constant 0.000000e+00 : f32
    %max3A_52 = vector.broadcast %max3A_51 : f32 to vector<2000x64xf32>
    %max3A_53 = arith.maximumf %add3A_50, %max3A_52 : vector<2000x64xf32>
    %get3A_54 = arith.constant 0 : index
    %get3A_55 = arith.constant 0 : index
    %get3A_56 = vector.load %arg13[%get3A_54, %get3A_55] : memref<64x32xf32, #tpu.memory_space<vmem>>, vector<64x32xf32>
    %dot_general3A_57 = arith.constant dense<0.000000e+00> : vector<2000x32xf32>
    %dot_general3A_58 = tpu.matmul %max3A_37, %get3A_56, %dot_general3A_57 {dimension_numbers = #tpu.dot_dimension_numbers<[1], [0], [0], [1], [0, 0, 1, 1], [], []>, transpose_lhs_hint = false} : vector<2000x64xf32>, vector<64x32xf32>, vector<2000x32xf32> -> vector<2000x32xf32>
    %get3A_59 = arith.constant 0 : index
    %get3A_60 = arith.constant 0 : index
    %get3A_61 = vector.load %arg14[%get3A_59, %get3A_60] : memref<64x32xf32, #tpu.memory_space<vmem>>, vector<64x32xf32>
    %dot_general3A_62 = arith.constant dense<0.000000e+00> : vector<2000x32xf32>
    %dot_general3A_63 = tpu.matmul %max3A_53, %get3A_61, %dot_general3A_62 {dimension_numbers = #tpu.dot_dimension_numbers<[1], [0], [0], [1], [0, 0, 1, 1], [], []>, transpose_lhs_hint = false} : vector<2000x64xf32>, vector<64x32xf32>, vector<2000x32xf32> -> vector<2000x32xf32>
    %add3A_64 = arith.addf %dot_general3A_58, %dot_general3A_63 : vector<2000x32xf32>
    %get3A_65 = arith.constant 0 : index
    %get3A_66 = arith.constant 0 : index
    %get3A_67 = vector.load %arg15[%get3A_65, %get3A_66] : memref<1x32xf32, #tpu.memory_space<vmem>>, vector<1x32xf32>
    %add3A_68 = vector.broadcast %get3A_67 : vector<1x32xf32> to vector<2000x32xf32>
    %add3A_69 = arith.addf %add3A_64, %add3A_68 : vector<2000x32xf32>
    %max3A_70 = arith.constant 0.000000e+00 : f32
    %max3A_71 = vector.broadcast %max3A_70 : f32 to vector<2000x32xf32>
    %max3A_72 = arith.maximumf %add3A_69, %max3A_71 : vector<2000x32xf32>
    %get3A_73 = arith.constant 0 : index
    %get3A_74 = arith.constant 0 : index
    %get3A_75 = vector.load %arg16[%get3A_73, %get3A_74] : memref<64x32xf32, #tpu.memory_space<vmem>>, vector<64x32xf32>
    %dot_general3A_76 = arith.constant dense<0.000000e+00> : vector<2000x32xf32>
    %dot_general3A_77 = tpu.matmul %max3A_37, %get3A_75, %dot_general3A_76 {dimension_numbers = #tpu.dot_dimension_numbers<[1], [0], [0], [1], [0, 0, 1, 1], [], []>, transpose_lhs_hint = false} : vector<2000x64xf32>, vector<64x32xf32>, vector<2000x32xf32> -> vector<2000x32xf32>
    %get3A_78 = arith.constant 0 : index
    %get3A_79 = arith.constant 0 : index
    %get3A_80 = vector.load %arg17[%get3A_78, %get3A_79] : memref<64x32xf32, #tpu.memory_space<vmem>>, vector<64x32xf32>
    %dot_general3A_81 = arith.constant dense<0.000000e+00> : vector<2000x32xf32>
    %dot_general3A_82 = tpu.matmul %max3A_53, %get3A_80, %dot_general3A_81 {dimension_numbers = #tpu.dot_dimension_numbers<[1], [0], [0], [1], [0, 0, 1, 1], [], []>, transpose_lhs_hint = false} : vector<2000x64xf32>, vector<64x32xf32>, vector<2000x32xf32> -> vector<2000x32xf32>
    %add3A_83 = arith.addf %dot_general3A_77, %dot_general3A_82 : vector<2000x32xf32>
    %get3A_84 = arith.constant 0 : index
    %get3A_85 = arith.constant 0 : index
    %get3A_86 = vector.load %arg18[%get3A_84, %get3A_85] : memref<1x32xf32, #tpu.memory_space<vmem>>, vector<1x32xf32>
    %add3A_87 = vector.broadcast %get3A_86 : vector<1x32xf32> to vector<2000x32xf32>
    %add3A_88 = arith.addf %add3A_83, %add3A_87 : vector<2000x32xf32>
    %max3A_89 = arith.constant 0.000000e+00 : f32
    %max3A_90 = vector.broadcast %max3A_89 : f32 to vector<2000x32xf32>
    %max3A_91 = arith.maximumf %add3A_88, %max3A_90 : vector<2000x32xf32>
    %get3A_92 = arith.constant 0 : index
    %get3A_93 = arith.constant 0 : index
    %get3A_94 = vector.load %arg4[%get3A_92, %get3A_93] : memref<2000x16xf32, #tpu.memory_space<vmem>>, vector<2000x16xf32>
    %get3A_95 = arith.constant 0 : index
    %get3A_96 = arith.constant 0 : index
    %get3A_97 = vector.load %arg19[%get3A_95, %get3A_96] : memref<16x32xf32, #tpu.memory_space<vmem>>, vector<16x32xf32>
    %dot_general3A_98 = arith.constant dense<0.000000e+00> : vector<2000x32xf32>
    %dot_general3A_99 = tpu.matmul %get3A_94, %get3A_97, %dot_general3A_98 {dimension_numbers = #tpu.dot_dimension_numbers<[1], [0], [0], [1], [0, 0, 1, 1], [], []>, transpose_lhs_hint = false} : vector<2000x16xf32>, vector<16x32xf32>, vector<2000x32xf32> -> vector<2000x32xf32>
    %get3A_100 = arith.constant 0 : index
    %get3A_101 = arith.constant 0 : index
    %get3A_102 = vector.load %arg20[%get3A_100, %get3A_101] : memref<1x32xf32, #tpu.memory_space<vmem>>, vector<1x32xf32>
    %add3A_103 = vector.broadcast %get3A_102 : vector<1x32xf32> to vector<2000x32xf32>
    %add3A_104 = arith.addf %dot_general3A_99, %add3A_103 : vector<2000x32xf32>
    %max3A_105 = arith.constant 0.000000e+00 : f32
    %max3A_106 = vector.broadcast %max3A_105 : f32 to vector<2000x32xf32>
    %max3A_107 = arith.maximumf %add3A_104, %max3A_106 : vector<2000x32xf32>
    %get3A_108 = arith.constant 0 : index
    %get3A_109 = arith.constant 0 : index
    %get3A_110 = vector.load %arg4[%get3A_108, %get3A_109] : memref<2000x16xf32, #tpu.memory_space<vmem>>, vector<2000x16xf32>
    %get3A_111 = arith.constant 0 : index
    %get3A_112 = arith.constant 0 : index
    %get3A_113 = vector.load %arg21[%get3A_111, %get3A_112] : memref<16x32xf32, #tpu.memory_space<vmem>>, vector<16x32xf32>
    %dot_general3A_114 = arith.constant dense<0.000000e+00> : vector<2000x32xf32>
    %dot_general3A_115 = tpu.matmul %get3A_110, %get3A_113, %dot_general3A_114 {dimension_numbers = #tpu.dot_dimension_numbers<[1], [0], [0], [1], [0, 0, 1, 1], [], []>, transpose_lhs_hint = false} : vector<2000x16xf32>, vector<16x32xf32>, vector<2000x32xf32> -> vector<2000x32xf32>
    %get3A_116 = arith.constant 0 : index
    %get3A_117 = arith.constant 0 : index
    %get3A_118 = vector.load %arg22[%get3A_116, %get3A_117] : memref<1x32xf32, #tpu.memory_space<vmem>>, vector<1x32xf32>
    %add3A_119 = vector.broadcast %get3A_118 : vector<1x32xf32> to vector<2000x32xf32>
    %add3A_120 = arith.addf %dot_general3A_115, %add3A_119 : vector<2000x32xf32>
    %max3A_121 = arith.constant 0.000000e+00 : f32
    %max3A_122 = vector.broadcast %max3A_121 : f32 to vector<2000x32xf32>
    %max3A_123 = arith.maximumf %add3A_120, %max3A_122 : vector<2000x32xf32>
    %add3A_124 = arith.addf %max3A_72, %max3A_107 : vector<2000x32xf32>
    %max3A_125 = arith.constant 0.000000e+00 : f32
    %max3A_126 = vector.broadcast %max3A_125 : f32 to vector<2000x32xf32>
    %max3A_127 = arith.maximumf %add3A_124, %max3A_126 : vector<2000x32xf32>
    %swap3A = arith.constant 0 : index
    %swap3A_128 = arith.constant 0 : index
    %swap3A_129 = vector.load %arg23[%swap3A, %swap3A_128] : memref<2000x32xf32, #tpu.memory_space<vmem>>, vector<2000x32xf32>
    tpu.vector_store %arg23[%swap3A, %swap3A_128], %max3A_127 {strides = array<i32>} : memref<2000x32xf32, #tpu.memory_space<vmem>>, vector<2000x32xf32>,
    %add3A_130 = arith.addf %max3A_91, %max3A_123 : vector<2000x32xf32>
    %max3A_131 = arith.constant 0.000000e+00 : f32
    %max3A_132 = vector.broadcast %max3A_131 : f32 to vector<2000x32xf32>
    %max3A_133 = arith.maximumf %add3A_130, %max3A_132 : vector<2000x32xf32>
    %swap3A_134 = arith.constant 0 : index
    %swap3A_135 = arith.constant 0 : index
    %swap3A_136 = vector.load %arg24[%swap3A_134, %swap3A_135] : memref<2000x32xf32, #tpu.memory_space<vmem>>, vector<2000x32xf32>
    tpu.vector_store %arg24[%swap3A_134, %swap3A_135], %max3A_133 {strides = array<i32>} : memref<2000x32xf32, #tpu.memory_space<vmem>>, vector<2000x32xf32>,
    return
  }
  func.func @transform_0(%arg0: i32) -> (i32, i32) {
    %c0_i32 = arith.constant 0 : i32
    %c0_i32_0 = arith.constant 0 : i32
    return %arg0, %c0_i32 : i32, i32
  }
  func.func @transform_1(%arg0: i32) -> (i32, i32) {
    %c0_i32 = arith.constant 0 : i32
    %c0_i32_0 = arith.constant 0 : i32
    return %arg0, %c0_i32 : i32, i32
  }
  func.func @transform_2(%arg0: i32) -> (i32, i32) {
    %c0_i32 = arith.constant 0 : i32
    %c0_i32_0 = arith.constant 0 : i32
    return %arg0, %c0_i32 : i32, i32
  }
  func.func @transform_3(%arg0: i32) -> (i32, i32) {
    %c0_i32 = arith.constant 0 : i32
    %c0_i32_0 = arith.constant 0 : i32
    return %arg0, %c0_i32 : i32, i32
  }
  func.func @transform_4(%arg0: i32) -> (i32, i32) {
    %c0_i32 = arith.constant 0 : i32
    %c0_i32_0 = arith.constant 0 : i32
    %c0_i32_1 = arith.constant 0 : i32
    return %c0_i32, %c0_i32_0 : i32, i32
  }
  func.func @transform_5(%arg0: i32) -> (i32, i32) {
    %c0_i32 = arith.constant 0 : i32
    %c0_i32_0 = arith.constant 0 : i32
    %c0_i32_1 = arith.constant 0 : i32
    return %c0_i32, %c0_i32_0 : i32, i32
  }
  func.func @transform_6(%arg0: i32) -> (i32, i32) {
    %c0_i32 = arith.constant 0 : i32
    %c0_i32_0 = arith.constant 0 : i32
    %c0_i32_1 = arith.constant 0 : i32
    return %c0_i32, %c0_i32_0 : i32, i32
  }
  func.func @transform_7(%arg0: i32) -> (i32, i32) {
    %c0_i32 = arith.constant 0 : i32
    %c0_i32_0 = arith.constant 0 : i32
    %c0_i32_1 = arith.constant 0 : i32
    return %c0_i32, %c0_i32_0 : i32, i32
  }
  func.func @transform_8(%arg0: i32) -> (i32, i32) {
    %c0_i32 = arith.constant 0 : i32
    %c0_i32_0 = arith.constant 0 : i32
    %c0_i32_1 = arith.constant 0 : i32
    return %c0_i32, %c0_i32_0 : i32, i32
  }
  func.func @transform_9(%arg0: i32) -> (i32, i32) {
    %c0_i32 = arith.constant 0 : i32
    %c0_i32_0 = arith.constant 0 : i32
    %c0_i32_1 = arith.constant 0 : i32
    return %c0_i32, %c0_i32_0 : i32, i32
  }
  func.func @transform_10(%arg0: i32) -> (i32, i32) {
    %c0_i32 = arith.constant 0 : i32
    %c0_i32_0 = arith.constant 0 : i32
    %c0_i32_1 = arith.constant 0 : i32
    return %c0_i32, %c0_i32_0 : i32, i32
  }
  func.func @transform_11(%arg0: i32) -> (i32, i32) {
    %c0_i32 = arith.constant 0 : i32
    %c0_i32_0 = arith.constant 0 : i32
    %c0_i32_1 = arith.constant 0 : i32
    return %c0_i32, %c0_i32_0 : i32, i32
  }
  func.func @transform_12(%arg0: i32) -> (i32, i32) {
    %c0_i32 = arith.constant 0 : i32
    %c0_i32_0 = arith.constant 0 : i32
    %c0_i32_1 = arith.constant 0 : i32
    return %c0_i32, %c0_i32_0 : i32, i32
  }
  func.func @transform_13(%arg0: i32) -> (i32, i32) {
    %c0_i32 = arith.constant 0 : i32
    %c0_i32_0 = arith.constant 0 : i32
    %c0_i32_1 = arith.constant 0 : i32
    return %c0_i32, %c0_i32_0 : i32, i32
  }
  func.func @transform_14(%arg0: i32) -> (i32, i32) {
    %c0_i32 = arith.constant 0 : i32
    %c0_i32_0 = arith.constant 0 : i32
    %c0_i32_1 = arith.constant 0 : i32
    return %c0_i32, %c0_i32_0 : i32, i32
  }
  func.func @transform_15(%arg0: i32) -> (i32, i32) {
    %c0_i32 = arith.constant 0 : i32
    %c0_i32_0 = arith.constant 0 : i32
    %c0_i32_1 = arith.constant 0 : i32
    return %c0_i32, %c0_i32_0 : i32, i32
  }
  func.func @transform_16(%arg0: i32) -> (i32, i32) {
    %c0_i32 = arith.constant 0 : i32
    %c0_i32_0 = arith.constant 0 : i32
    %c0_i32_1 = arith.constant 0 : i32
    return %c0_i32, %c0_i32_0 : i32, i32
  }
  func.func @transform_17(%arg0: i32) -> (i32, i32) {
    %c0_i32 = arith.constant 0 : i32
    %c0_i32_0 = arith.constant 0 : i32
    %c0_i32_1 = arith.constant 0 : i32
    return %c0_i32, %c0_i32_0 : i32, i32
  }
  func.func @transform_18(%arg0: i32) -> (i32, i32) {
    %c0_i32 = arith.constant 0 : i32
    %c0_i32_0 = arith.constant 0 : i32
    %c0_i32_1 = arith.constant 0 : i32
    return %c0_i32, %c0_i32_0 : i32, i32
  }
  func.func @transform_19(%arg0: i32) -> (i32, i32) {
    %c0_i32 = arith.constant 0 : i32
    %c0_i32_0 = arith.constant 0 : i32
    %c0_i32_1 = arith.constant 0 : i32
    return %c0_i32, %c0_i32_0 : i32, i32
  }
  func.func @transform_20(%arg0: i32) -> (i32, i32) {
    %c0_i32 = arith.constant 0 : i32
    %c0_i32_0 = arith.constant 0 : i32
    %c0_i32_1 = arith.constant 0 : i32
    return %c0_i32, %c0_i32_0 : i32, i32
  }
  func.func @transform_21(%arg0: i32) -> (i32, i32) {
    %c0_i32 = arith.constant 0 : i32
    %c0_i32_0 = arith.constant 0 : i32
    %c0_i32_1 = arith.constant 0 : i32
    return %c0_i32, %c0_i32_0 : i32, i32
  }
  func.func @transform_22(%arg0: i32) -> (i32, i32) {
    %c0_i32 = arith.constant 0 : i32
    %c0_i32_0 = arith.constant 0 : i32
    return %arg0, %c0_i32 : i32, i32
  }
  func.func @transform_23(%arg0: i32) -> (i32, i32) {
    %c0_i32 = arith.constant 0 : i32
    %c0_i32_0 = arith.constant 0 : i32
    return %arg0, %c0_i32 : i32, i32
  }
}

module attributes {stable_mosaic.version = 14 : i64} {
  func.func @_k2_body(%arg0: i32, %arg1: memref<2000x16xbf16, #tpu.memory_space<vmem>>, %arg2: memref<2000x16xbf16, #tpu.memory_space<vmem>>, %arg3: memref<2000x16xbf16, #tpu.memory_space<vmem>>, %arg4: memref<2000x16xbf16, #tpu.memory_space<vmem>>, %arg5: memref<2000x16xbf16, #tpu.memory_space<vmem>>, %arg6: memref<2000x32xf32, #tpu.memory_space<vmem>>, %arg7: memref<2000x32xf32, #tpu.memory_space<vmem>>, %arg8: memref<1x16xf32, #tpu.memory_space<vmem>>, %arg9: memref<1x16xf32, #tpu.memory_space<vmem>>, %arg10: memref<1x16xf32, #tpu.memory_space<vmem>>, %arg11: memref<1x16xf32, #tpu.memory_space<vmem>>, %arg12: memref<16x32xf32, #tpu.memory_space<vmem>>, %arg13: memref<16x32xf32, #tpu.memory_space<vmem>>, %arg14: memref<16x32xf32, #tpu.memory_space<vmem>>, %arg15: memref<16x32xf32, #tpu.memory_space<vmem>>, %arg16: memref<16x32xf32, #tpu.memory_space<vmem>>, %arg17: memref<16x32xf32, #tpu.memory_space<vmem>>, %arg18: memref<16x32xf32, #tpu.memory_space<vmem>>, %arg19: memref<16x32xf32, #tpu.memory_space<vmem>>, %arg20: memref<32x32xf32, #tpu.memory_space<vmem>>, %arg21: memref<32x32xf32, #tpu.memory_space<vmem>>, %arg22: memref<32x32xf32, #tpu.memory_space<vmem>>, %arg23: memref<32x32xf32, #tpu.memory_space<vmem>>, %arg24: memref<1x32xf32, #tpu.memory_space<vmem>>, %arg25: memref<1x32xf32, #tpu.memory_space<vmem>>, %arg26: memref<2000x32xf32, #tpu.memory_space<vmem>>, %arg27: memref<2000x32xf32, #tpu.memory_space<vmem>>, %arg28: memref<2x32xf32, #tpu.memory_space<vmem>>, %arg29: memref<2x32xf32, #tpu.memory_space<vmem>>) attributes {dimension_semantics = [#tpu.dimension_semantics<arbitrary>], iteration_bounds = array<i64: 25>, scalar_prefetch = 0 : i64, scratch_operands = 0 : i64, tpu.core_type = #tpu.core_type<tc>, window_params = [{transform_indices = @transform_0, window_bounds = array<i64: 2000, 16>}, {transform_indices = @transform_1, window_bounds = array<i64: 2000, 16>}, {transform_indices = @transform_2, window_bounds = array<i64: 2000, 16>}, {transform_indices = @transform_3, window_bounds = array<i64: 2000, 16>}, {transform_indices = @transform_4, window_bounds = array<i64: 2000, 16>}, {transform_indices = @transform_5, window_bounds = array<i64: 2000, 32>}, {transform_indices = @transform_6, window_bounds = array<i64: 2000, 32>}, {pipeline_mode = #tpu.pipeline_mode<synchronous>, transform_indices = @transform_7, window_bounds = array<i64: 1, 16>}, {pipeline_mode = #tpu.pipeline_mode<synchronous>, transform_indices = @transform_8, window_bounds = array<i64: 1, 16>}, {pipeline_mode = #tpu.pipeline_mode<synchronous>, transform_indices = @transform_9, window_bounds = array<i64: 1, 16>}, {pipeline_mode = #tpu.pipeline_mode<synchronous>, transform_indices = @transform_10, window_bounds = array<i64: 1, 16>}, {pipeline_mode = #tpu.pipeline_mode<synchronous>, transform_indices = @transform_11, window_bounds = array<i64: 16, 32>}, {pipeline_mode = #tpu.pipeline_mode<synchronous>, transform_indices = @transform_12, window_bounds = array<i64: 16, 32>}, {pipeline_mode = #tpu.pipeline_mode<synchronous>, transform_indices = @transform_13, window_bounds = array<i64: 16, 32>}, {pipeline_mode = #tpu.pipeline_mode<synchronous>, transform_indices = @transform_14, window_bounds = array<i64: 16, 32>}, {pipeline_mode = #tpu.pipeline_mode<synchronous>, transform_indices = @transform_15, window_bounds = array<i64: 16, 32>}, {pipeline_mode = #tpu.pipeline_mode<synchronous>, transform_indices = @transform_16, window_bounds = array<i64: 16, 32>}, {pipeline_mode = #tpu.pipeline_mode<synchronous>, transform_indices = @transform_17, window_bounds = array<i64: 16, 32>}, {pipeline_mode = #tpu.pipeline_mode<synchronous>, transform_indices = @transform_18, window_bounds = array<i64: 16, 32>}, {pipeline_mode = #tpu.pipeline_mode<synchronous>, transform_indices = @transform_19, window_bounds = array<i64: 32, 32>}, {pipeline_mode = #tpu.pipeline_mode<synchronous>, transform_indices = @transform_20, window_bounds = array<i64: 32, 32>}, {pipeline_mode = #tpu.pipeline_mode<synchronous>, transform_indices = @transform_21, window_bounds = array<i64: 32, 32>}, {pipeline_mode = #tpu.pipeline_mode<synchronous>, transform_indices = @transform_22, window_bounds = array<i64: 32, 32>}, {pipeline_mode = #tpu.pipeline_mode<synchronous>, transform_indices = @transform_23, window_bounds = array<i64: 1, 32>}, {pipeline_mode = #tpu.pipeline_mode<synchronous>, transform_indices = @transform_24, window_bounds = array<i64: 1, 32>}, {transform_indices = @transform_25, window_bounds = array<i64: 2000, 32>}, {transform_indices = @transform_26, window_bounds = array<i64: 2000, 32>}, {pipeline_mode = #tpu.pipeline_mode<synchronous>, transform_indices = @transform_27, window_bounds = array<i64: 2, 32>}, {pipeline_mode = #tpu.pipeline_mode<synchronous>, transform_indices = @transform_28, window_bounds = array<i64: 2, 32>}]} {
    %eq3A = arith.constant 0 : i32
    %eq3A_0 = arith.cmpi eq, %arg0, %eq3A : i32
    %convert_element_type3A = arith.extui %eq3A_0 : i1 to i32
    %cond3A = arith.constant 0 : i32
    %cond3A_1 = arith.cmpi ne, %convert_element_type3A, %cond3A : i32
    scf.if %cond3A_1 {
      %broadcast_in_dim3A_176 = arith.constant 0.000000e+00 : f32
      %broadcast_in_dim3A_177 = vector.broadcast %broadcast_in_dim3A_176 : f32 to vector<2x32xf32>
      %swap3A_178 = arith.constant 0 : index
      %swap3A_179 = arith.constant 0 : index
      %swap3A_180 = vector.load %arg28[%swap3A_178, %swap3A_179] : memref<2x32xf32, #tpu.memory_space<vmem>>, vector<2x32xf32>
      tpu.vector_store %arg28[%swap3A_178, %swap3A_179], %broadcast_in_dim3A_177 {strides = array<i32>} : memref<2x32xf32, #tpu.memory_space<vmem>>, vector<2x32xf32>,
      %broadcast_in_dim3A_181 = arith.constant 0.000000e+00 : f32
      %broadcast_in_dim3A_182 = vector.broadcast %broadcast_in_dim3A_181 : f32 to vector<2x32xf32>
      %swap3A_183 = arith.constant 0 : index
      %swap3A_184 = arith.constant 0 : index
      %swap3A_185 = vector.load %arg29[%swap3A_183, %swap3A_184] : memref<2x32xf32, #tpu.memory_space<vmem>>, vector<2x32xf32>
      tpu.vector_store %arg29[%swap3A_183, %swap3A_184], %broadcast_in_dim3A_182 {strides = array<i32>} : memref<2x32xf32, #tpu.memory_space<vmem>>, vector<2x32xf32>,
    } else {
    }
    %get3A = arith.constant 0 : index
    %get3A_2 = arith.constant 0 : index
    %get3A_3 = vector.load %arg5[%get3A, %get3A_2] : memref<2000x16xbf16, #tpu.memory_space<vmem>>, vector<2000x16xbf16>
    %slice3A = vector.extract_strided_slice %get3A_3 {offsets = [0, 0], sizes = [2000, 1], strides = [1, 1]} : vector<2000x16xbf16> to vector<2000x1xbf16>
    %convert_element_type3A_4 = arith.extf %slice3A : vector<2000x1xbf16> to vector<2000x1xf32>
    %max3A = arith.constant 1.000000e+00 : f32
    %max3A_5 = vector.broadcast %max3A : f32 to vector<2000x1xf32>
    %max3A_6 = arith.maximumf %convert_element_type3A_4, %max3A_5 : vector<2000x1xf32>
    %div3A = arith.constant 1.000000e+00 : f32
    %div3A_7 = vector.broadcast %div3A : f32 to vector<2000x1xf32>
    %div3A_8 = arith.divf %div3A_7, %max3A_6 : vector<2000x1xf32>
    %get3A_9 = arith.constant 0 : index
    %get3A_10 = arith.constant 0 : index
    %get3A_11 = vector.load %arg1[%get3A_9, %get3A_10] : memref<2000x16xbf16, #tpu.memory_space<vmem>>, vector<2000x16xbf16>
    %convert_element_type3A_12 = arith.extf %get3A_11 : vector<2000x16xbf16> to vector<2000x16xf32>
    %get3A_13 = arith.constant 0 : index
    %get3A_14 = arith.constant 0 : index
    %get3A_15 = vector.load %arg8[%get3A_13, %get3A_14] : memref<1x16xf32, #tpu.memory_space<vmem>>, vector<1x16xf32>
    %mul3A = vector.broadcast %convert_element_type3A_4 : vector<2000x1xf32> to vector<2000x16xf32>
    %mul3A_16 = vector.broadcast %get3A_15 : vector<1x16xf32> to vector<2000x16xf32>
    %mul3A_17 = arith.mulf %mul3A, %mul3A_16 : vector<2000x16xf32>
    %add3A = arith.addf %convert_element_type3A_12, %mul3A_17 : vector<2000x16xf32>
    %mul3A_18 = vector.broadcast %div3A_8 : vector<2000x1xf32> to vector<2000x16xf32>
    %mul3A_19 = arith.mulf %add3A, %mul3A_18 : vector<2000x16xf32>
    %get3A_20 = arith.constant 0 : index
    %get3A_21 = arith.constant 0 : index
    %get3A_22 = vector.load %arg2[%get3A_20, %get3A_21] : memref<2000x16xbf16, #tpu.memory_space<vmem>>, vector<2000x16xbf16>
    %convert_element_type3A_23 = arith.extf %get3A_22 : vector<2000x16xbf16> to vector<2000x16xf32>
    %get3A_24 = arith.constant 0 : index
    %get3A_25 = arith.constant 0 : index
    %get3A_26 = vector.load %arg9[%get3A_24, %get3A_25] : memref<1x16xf32, #tpu.memory_space<vmem>>, vector<1x16xf32>
    %mul3A_27 = vector.broadcast %convert_element_type3A_4 : vector<2000x1xf32> to vector<2000x16xf32>
    %mul3A_28 = vector.broadcast %get3A_26 : vector<1x16xf32> to vector<2000x16xf32>
    %mul3A_29 = arith.mulf %mul3A_27, %mul3A_28 : vector<2000x16xf32>
    %add3A_30 = arith.addf %convert_element_type3A_23, %mul3A_29 : vector<2000x16xf32>
    %mul3A_31 = vector.broadcast %div3A_8 : vector<2000x1xf32> to vector<2000x16xf32>
    %mul3A_32 = arith.mulf %add3A_30, %mul3A_31 : vector<2000x16xf32>
    %get3A_33 = arith.constant 0 : index
    %get3A_34 = arith.constant 0 : index
    %get3A_35 = vector.load %arg3[%get3A_33, %get3A_34] : memref<2000x16xbf16, #tpu.memory_space<vmem>>, vector<2000x16xbf16>
    %convert_element_type3A_36 = arith.extf %get3A_35 : vector<2000x16xbf16> to vector<2000x16xf32>
    %get3A_37 = arith.constant 0 : index
    %get3A_38 = arith.constant 0 : index
    %get3A_39 = vector.load %arg10[%get3A_37, %get3A_38] : memref<1x16xf32, #tpu.memory_space<vmem>>, vector<1x16xf32>
    %mul3A_40 = vector.broadcast %convert_element_type3A_4 : vector<2000x1xf32> to vector<2000x16xf32>
    %mul3A_41 = vector.broadcast %get3A_39 : vector<1x16xf32> to vector<2000x16xf32>
    %mul3A_42 = arith.mulf %mul3A_40, %mul3A_41 : vector<2000x16xf32>
    %add3A_43 = arith.addf %convert_element_type3A_36, %mul3A_42 : vector<2000x16xf32>
    %mul3A_44 = vector.broadcast %div3A_8 : vector<2000x1xf32> to vector<2000x16xf32>
    %mul3A_45 = arith.mulf %add3A_43, %mul3A_44 : vector<2000x16xf32>
    %get3A_46 = arith.constant 0 : index
    %get3A_47 = arith.constant 0 : index
    %get3A_48 = vector.load %arg4[%get3A_46, %get3A_47] : memref<2000x16xbf16, #tpu.memory_space<vmem>>, vector<2000x16xbf16>
    %convert_element_type3A_49 = arith.extf %get3A_48 : vector<2000x16xbf16> to vector<2000x16xf32>
    %get3A_50 = arith.constant 0 : index
    %get3A_51 = arith.constant 0 : index
    %get3A_52 = vector.load %arg11[%get3A_50, %get3A_51] : memref<1x16xf32, #tpu.memory_space<vmem>>, vector<1x16xf32>
    %mul3A_53 = vector.broadcast %convert_element_type3A_4 : vector<2000x1xf32> to vector<2000x16xf32>
    %mul3A_54 = vector.broadcast %get3A_52 : vector<1x16xf32> to vector<2000x16xf32>
    %mul3A_55 = arith.mulf %mul3A_53, %mul3A_54 : vector<2000x16xf32>
    %add3A_56 = arith.addf %convert_element_type3A_49, %mul3A_55 : vector<2000x16xf32>
    %mul3A_57 = vector.broadcast %div3A_8 : vector<2000x1xf32> to vector<2000x16xf32>
    %mul3A_58 = arith.mulf %add3A_56, %mul3A_57 : vector<2000x16xf32>
    %get3A_59 = arith.constant 0 : index
    %get3A_60 = arith.constant 0 : index
    %get3A_61 = vector.load %arg6[%get3A_59, %get3A_60] : memref<2000x32xf32, #tpu.memory_space<vmem>>, vector<2000x32xf32>
    %get3A_62 = arith.constant 0 : index
    %get3A_63 = arith.constant 0 : index
    %get3A_64 = vector.load %arg7[%get3A_62, %get3A_63] : memref<2000x32xf32, #tpu.memory_space<vmem>>, vector<2000x32xf32>
    %get3A_65 = arith.constant 0 : index
    %get3A_66 = arith.constant 0 : index
    %get3A_67 = vector.load %arg12[%get3A_65, %get3A_66] : memref<16x32xf32, #tpu.memory_space<vmem>>, vector<16x32xf32>
    %dot_general3A = arith.constant dense<0.000000e+00> : vector<2000x32xf32>
    %dot_general3A_68 = tpu.matmul %mul3A_19, %get3A_67, %dot_general3A {dimension_numbers = #tpu.dot_dimension_numbers<[1], [0], [0], [1], [0, 0, 1, 1], [], []>, transpose_lhs_hint = false} : vector<2000x16xf32>, vector<16x32xf32>, vector<2000x32xf32> -> vector<2000x32xf32>
    %get3A_69 = arith.constant 0 : index
    %get3A_70 = arith.constant 0 : index
    %get3A_71 = vector.load %arg13[%get3A_69, %get3A_70] : memref<16x32xf32, #tpu.memory_space<vmem>>, vector<16x32xf32>
    %dot_general3A_72 = arith.constant dense<0.000000e+00> : vector<2000x32xf32>
    %dot_general3A_73 = tpu.matmul %mul3A_32, %get3A_71, %dot_general3A_72 {dimension_numbers = #tpu.dot_dimension_numbers<[1], [0], [0], [1], [0, 0, 1, 1], [], []>, transpose_lhs_hint = false} : vector<2000x16xf32>, vector<16x32xf32>, vector<2000x32xf32> -> vector<2000x32xf32>
    %add3A_74 = arith.addf %dot_general3A_68, %dot_general3A_73 : vector<2000x32xf32>
    %get3A_75 = arith.constant 0 : index
    %get3A_76 = arith.constant 0 : index
    %get3A_77 = vector.load %arg14[%get3A_75, %get3A_76] : memref<16x32xf32, #tpu.memory_space<vmem>>, vector<16x32xf32>
    %dot_general3A_78 = arith.constant dense<0.000000e+00> : vector<2000x32xf32>
    %dot_general3A_79 = tpu.matmul %mul3A_45, %get3A_77, %dot_general3A_78 {dimension_numbers = #tpu.dot_dimension_numbers<[1], [0], [0], [1], [0, 0, 1, 1], [], []>, transpose_lhs_hint = false} : vector<2000x16xf32>, vector<16x32xf32>, vector<2000x32xf32> -> vector<2000x32xf32>
    %add3A_80 = arith.addf %add3A_74, %dot_general3A_79 : vector<2000x32xf32>
    %get3A_81 = arith.constant 0 : index
    %get3A_82 = arith.constant 0 : index
    %get3A_83 = vector.load %arg15[%get3A_81, %get3A_82] : memref<16x32xf32, #tpu.memory_space<vmem>>, vector<16x32xf32>
    %dot_general3A_84 = arith.constant dense<0.000000e+00> : vector<2000x32xf32>
    %dot_general3A_85 = tpu.matmul %mul3A_58, %get3A_83, %dot_general3A_84 {dimension_numbers = #tpu.dot_dimension_numbers<[1], [0], [0], [1], [0, 0, 1, 1], [], []>, transpose_lhs_hint = false} : vector<2000x16xf32>, vector<16x32xf32>, vector<2000x32xf32> -> vector<2000x32xf32>
    %add3A_86 = arith.addf %add3A_80, %dot_general3A_85 : vector<2000x32xf32>
    %get3A_87 = arith.constant 0 : index
    %get3A_88 = arith.constant 0 : index
    %get3A_89 = vector.load %arg20[%get3A_87, %get3A_88] : memref<32x32xf32, #tpu.memory_space<vmem>>, vector<32x32xf32>
    %dot_general3A_90 = arith.constant dense<0.000000e+00> : vector<2000x32xf32>
    %dot_general3A_91 = tpu.matmul %get3A_61, %get3A_89, %dot_general3A_90 {dimension_numbers = #tpu.dot_dimension_numbers<[1], [0], [0], [1], [0, 0, 1, 1], [], []>, transpose_lhs_hint = false} : vector<2000x32xf32>, vector<32x32xf32>, vector<2000x32xf32> -> vector<2000x32xf32>
    %add3A_92 = arith.addf %add3A_86, %dot_general3A_91 : vector<2000x32xf32>
    %get3A_93 = arith.constant 0 : index
    %get3A_94 = arith.constant 0 : index
    %get3A_95 = vector.load %arg21[%get3A_93, %get3A_94] : memref<32x32xf32, #tpu.memory_space<vmem>>, vector<32x32xf32>
    %dot_general3A_96 = arith.constant dense<0.000000e+00> : vector<2000x32xf32>
    %dot_general3A_97 = tpu.matmul %get3A_64, %get3A_95, %dot_general3A_96 {dimension_numbers = #tpu.dot_dimension_numbers<[1], [0], [0], [1], [0, 0, 1, 1], [], []>, transpose_lhs_hint = false} : vector<2000x32xf32>, vector<32x32xf32>, vector<2000x32xf32> -> vector<2000x32xf32>
    %add3A_98 = arith.addf %add3A_92, %dot_general3A_97 : vector<2000x32xf32>
    %get3A_99 = arith.constant 0 : index
    %get3A_100 = arith.constant 0 : index
    %get3A_101 = vector.load %arg24[%get3A_99, %get3A_100] : memref<1x32xf32, #tpu.memory_space<vmem>>, vector<1x32xf32>
    %add3A_102 = vector.broadcast %get3A_101 : vector<1x32xf32> to vector<2000x32xf32>
    %add3A_103 = arith.addf %add3A_98, %add3A_102 : vector<2000x32xf32>
    %get3A_104 = arith.constant 0 : index
    %get3A_105 = arith.constant 0 : index
    %get3A_106 = vector.load %arg16[%get3A_104, %get3A_105] : memref<16x32xf32, #tpu.memory_space<vmem>>, vector<16x32xf32>
    %dot_general3A_107 = arith.constant dense<0.000000e+00> : vector<2000x32xf32>
    %dot_general3A_108 = tpu.matmul %mul3A_19, %get3A_106, %dot_general3A_107 {dimension_numbers = #tpu.dot_dimension_numbers<[1], [0], [0], [1], [0, 0, 1, 1], [], []>, transpose_lhs_hint = false} : vector<2000x16xf32>, vector<16x32xf32>, vector<2000x32xf32> -> vector<2000x32xf32>
    %get3A_109 = arith.constant 0 : index
    %get3A_110 = arith.constant 0 : index
    %get3A_111 = vector.load %arg17[%get3A_109, %get3A_110] : memref<16x32xf32, #tpu.memory_space<vmem>>, vector<16x32xf32>
    %dot_general3A_112 = arith.constant dense<0.000000e+00> : vector<2000x32xf32>
    %dot_general3A_113 = tpu.matmul %mul3A_32, %get3A_111, %dot_general3A_112 {dimension_numbers = #tpu.dot_dimension_numbers<[1], [0], [0], [1], [0, 0, 1, 1], [], []>, transpose_lhs_hint = false} : vector<2000x16xf32>, vector<16x32xf32>, vector<2000x32xf32> -> vector<2000x32xf32>
    %add3A_114 = arith.addf %dot_general3A_108, %dot_general3A_113 : vector<2000x32xf32>
    %get3A_115 = arith.constant 0 : index
    %get3A_116 = arith.constant 0 : index
    %get3A_117 = vector.load %arg18[%get3A_115, %get3A_116] : memref<16x32xf32, #tpu.memory_space<vmem>>, vector<16x32xf32>
    %dot_general3A_118 = arith.constant dense<0.000000e+00> : vector<2000x32xf32>
    %dot_general3A_119 = tpu.matmul %mul3A_45, %get3A_117, %dot_general3A_118 {dimension_numbers = #tpu.dot_dimension_numbers<[1], [0], [0], [1], [0, 0, 1, 1], [], []>, transpose_lhs_hint = false} : vector<2000x16xf32>, vector<16x32xf32>, vector<2000x32xf32> -> vector<2000x32xf32>
    %add3A_120 = arith.addf %add3A_114, %dot_general3A_119 : vector<2000x32xf32>
    %get3A_121 = arith.constant 0 : index
    %get3A_122 = arith.constant 0 : index
    %get3A_123 = vector.load %arg19[%get3A_121, %get3A_122] : memref<16x32xf32, #tpu.memory_space<vmem>>, vector<16x32xf32>
    %dot_general3A_124 = arith.constant dense<0.000000e+00> : vector<2000x32xf32>
    %dot_general3A_125 = tpu.matmul %mul3A_58, %get3A_123, %dot_general3A_124 {dimension_numbers = #tpu.dot_dimension_numbers<[1], [0], [0], [1], [0, 0, 1, 1], [], []>, transpose_lhs_hint = false} : vector<2000x16xf32>, vector<16x32xf32>, vector<2000x32xf32> -> vector<2000x32xf32>
    %add3A_126 = arith.addf %add3A_120, %dot_general3A_125 : vector<2000x32xf32>
    %get3A_127 = arith.constant 0 : index
    %get3A_128 = arith.constant 0 : index
    %get3A_129 = vector.load %arg22[%get3A_127, %get3A_128] : memref<32x32xf32, #tpu.memory_space<vmem>>, vector<32x32xf32>
    %dot_general3A_130 = arith.constant dense<0.000000e+00> : vector<2000x32xf32>
    %dot_general3A_131 = tpu.matmul %get3A_61, %get3A_129, %dot_general3A_130 {dimension_numbers = #tpu.dot_dimension_numbers<[1], [0], [0], [1], [0, 0, 1, 1], [], []>, transpose_lhs_hint = false} : vector<2000x32xf32>, vector<32x32xf32>, vector<2000x32xf32> -> vector<2000x32xf32>
    %add3A_132 = arith.addf %add3A_126, %dot_general3A_131 : vector<2000x32xf32>
    %get3A_133 = arith.constant 0 : index
    %get3A_134 = arith.constant 0 : index
    %get3A_135 = vector.load %arg23[%get3A_133, %get3A_134] : memref<32x32xf32, #tpu.memory_space<vmem>>, vector<32x32xf32>
    %dot_general3A_136 = arith.constant dense<0.000000e+00> : vector<2000x32xf32>
    %dot_general3A_137 = tpu.matmul %get3A_64, %get3A_135, %dot_general3A_136 {dimension_numbers = #tpu.dot_dimension_numbers<[1], [0], [0], [1], [0, 0, 1, 1], [], []>, transpose_lhs_hint = false} : vector<2000x32xf32>, vector<32x32xf32>, vector<2000x32xf32> -> vector<2000x32xf32>
    %add3A_138 = arith.addf %add3A_132, %dot_general3A_137 : vector<2000x32xf32>
    %get3A_139 = arith.constant 0 : index
    %get3A_140 = arith.constant 0 : index
    %get3A_141 = vector.load %arg25[%get3A_139, %get3A_140] : memref<1x32xf32, #tpu.memory_space<vmem>>, vector<1x32xf32>
    %add3A_142 = vector.broadcast %get3A_141 : vector<1x32xf32> to vector<2000x32xf32>
    %add3A_143 = arith.addf %add3A_138, %add3A_142 : vector<2000x32xf32>
    %swap3A = arith.constant 0 : index
    %swap3A_144 = arith.constant 0 : index
    %swap3A_145 = vector.load %arg26[%swap3A, %swap3A_144] : memref<2000x32xf32, #tpu.memory_space<vmem>>, vector<2000x32xf32>
    tpu.vector_store %arg26[%swap3A, %swap3A_144], %add3A_103 {strides = array<i32>} : memref<2000x32xf32, #tpu.memory_space<vmem>>, vector<2000x32xf32>,
    %swap3A_146 = arith.constant 0 : index
    %swap3A_147 = arith.constant 0 : index
    %swap3A_148 = vector.load %arg27[%swap3A_146, %swap3A_147] : memref<2000x32xf32, #tpu.memory_space<vmem>>, vector<2000x32xf32>
    tpu.vector_store %arg27[%swap3A_146, %swap3A_147], %add3A_143 {strides = array<i32>} : memref<2000x32xf32, #tpu.memory_space<vmem>>, vector<2000x32xf32>,
    %get3A_149 = arith.constant 0 : index
    %get3A_150 = arith.constant 0 : index
    %get3A_151 = vector.load %arg28[%get3A_149, %get3A_150] : memref<2x32xf32, #tpu.memory_space<vmem>>, vector<2x32xf32>
    %reduce_sum3A = arith.constant dense<0.000000e+00> : vector<32xf32>
    %reduce_sum3A_152 = vector.multi_reduction <add>, %add3A_103, %reduce_sum3A [0] : vector<2000x32xf32> to vector<32xf32>
    %broadcast_in_dim3A = vector.shape_cast %reduce_sum3A_152 : vector<32xf32> to vector<1x32xf32>
    %mul3A_153 = arith.mulf %add3A_103, %add3A_103 : vector<2000x32xf32>
    %reduce_sum3A_154 = arith.constant dense<0.000000e+00> : vector<32xf32>
    %reduce_sum3A_155 = vector.multi_reduction <add>, %mul3A_153, %reduce_sum3A_154 [0] : vector<2000x32xf32> to vector<32xf32>
    %broadcast_in_dim3A_156 = vector.shape_cast %reduce_sum3A_155 : vector<32xf32> to vector<1x32xf32>
    %concatenate3A = tpu.concatenate %broadcast_in_dim3A, %broadcast_in_dim3A_156 in 0 : vector<1x32xf32>, vector<1x32xf32> -> vector<2x32xf32>
    %add3A_157 = arith.addf %get3A_151, %concatenate3A : vector<2x32xf32>
    %swap3A_158 = arith.constant 0 : index
    %swap3A_159 = arith.constant 0 : index
    %swap3A_160 = vector.load %arg28[%swap3A_158, %swap3A_159] : memref<2x32xf32, #tpu.memory_space<vmem>>, vector<2x32xf32>
    tpu.vector_store %arg28[%swap3A_158, %swap3A_159], %add3A_157 {strides = array<i32>} : memref<2x32xf32, #tpu.memory_space<vmem>>, vector<2x32xf32>,
    %get3A_161 = arith.constant 0 : index
    %get3A_162 = arith.constant 0 : index
    %get3A_163 = vector.load %arg29[%get3A_161, %get3A_162] : memref<2x32xf32, #tpu.memory_space<vmem>>, vector<2x32xf32>
    %reduce_sum3A_164 = arith.constant dense<0.000000e+00> : vector<32xf32>
    %reduce_sum3A_165 = vector.multi_reduction <add>, %add3A_143, %reduce_sum3A_164 [0] : vector<2000x32xf32> to vector<32xf32>
    %broadcast_in_dim3A_166 = vector.shape_cast %reduce_sum3A_165 : vector<32xf32> to vector<1x32xf32>
    %mul3A_167 = arith.mulf %add3A_143, %add3A_143 : vector<2000x32xf32>
    %reduce_sum3A_168 = arith.constant dense<0.000000e+00> : vector<32xf32>
    %reduce_sum3A_169 = vector.multi_reduction <add>, %mul3A_167, %reduce_sum3A_168 [0] : vector<2000x32xf32> to vector<32xf32>
    %broadcast_in_dim3A_170 = vector.shape_cast %reduce_sum3A_169 : vector<32xf32> to vector<1x32xf32>
    %concatenate3A_171 = tpu.concatenate %broadcast_in_dim3A_166, %broadcast_in_dim3A_170 in 0 : vector<1x32xf32>, vector<1x32xf32> -> vector<2x32xf32>
    %add3A_172 = arith.addf %get3A_163, %concatenate3A_171 : vector<2x32xf32>
    %swap3A_173 = arith.constant 0 : index
    %swap3A_174 = arith.constant 0 : index
    %swap3A_175 = vector.load %arg29[%swap3A_173, %swap3A_174] : memref<2x32xf32, #tpu.memory_space<vmem>>, vector<2x32xf32>
    tpu.vector_store %arg29[%swap3A_173, %swap3A_174], %add3A_172 {strides = array<i32>} : memref<2x32xf32, #tpu.memory_space<vmem>>, vector<2x32xf32>,
    return
  }
  func.func @transform_0(%arg0: i32) -> (i32, i32) {
    %c0_i32 = arith.constant 0 : i32
    %c0_i32_0 = arith.constant 0 : i32
    return %arg0, %c0_i32 : i32, i32
  }
  func.func @transform_1(%arg0: i32) -> (i32, i32) {
    %c0_i32 = arith.constant 0 : i32
    %c0_i32_0 = arith.constant 0 : i32
    return %arg0, %c0_i32 : i32, i32
  }
  func.func @transform_2(%arg0: i32) -> (i32, i32) {
    %c0_i32 = arith.constant 0 : i32
    %c0_i32_0 = arith.constant 0 : i32
    return %arg0, %c0_i32 : i32, i32
  }
  func.func @transform_3(%arg0: i32) -> (i32, i32) {
    %c0_i32 = arith.constant 0 : i32
    %c0_i32_0 = arith.constant 0 : i32
    return %arg0, %c0_i32 : i32, i32
  }
  func.func @transform_4(%arg0: i32) -> (i32, i32) {
    %c0_i32 = arith.constant 0 : i32
    %c0_i32_0 = arith.constant 0 : i32
    return %arg0, %c0_i32 : i32, i32
  }
  func.func @transform_5(%arg0: i32) -> (i32, i32) {
    %c0_i32 = arith.constant 0 : i32
    %c0_i32_0 = arith.constant 0 : i32
    return %arg0, %c0_i32 : i32, i32
  }
  func.func @transform_6(%arg0: i32) -> (i32, i32) {
    %c0_i32 = arith.constant 0 : i32
    %c0_i32_0 = arith.constant 0 : i32
    return %arg0, %c0_i32 : i32, i32
  }
  func.func @transform_7(%arg0: i32) -> (i32, i32) {
    %c0_i32 = arith.constant 0 : i32
    %c0_i32_0 = arith.constant 0 : i32
    %c0_i32_1 = arith.constant 0 : i32
    return %c0_i32, %c0_i32_0 : i32, i32
  }
  func.func @transform_8(%arg0: i32) -> (i32, i32) {
    %c0_i32 = arith.constant 0 : i32
    %c0_i32_0 = arith.constant 0 : i32
    %c0_i32_1 = arith.constant 0 : i32
    return %c0_i32, %c0_i32_0 : i32, i32
  }
  func.func @transform_9(%arg0: i32) -> (i32, i32) {
    %c0_i32 = arith.constant 0 : i32
    %c0_i32_0 = arith.constant 0 : i32
    %c0_i32_1 = arith.constant 0 : i32
    return %c0_i32, %c0_i32_0 : i32, i32
  }
  func.func @transform_10(%arg0: i32) -> (i32, i32) {
    %c0_i32 = arith.constant 0 : i32
    %c0_i32_0 = arith.constant 0 : i32
    %c0_i32_1 = arith.constant 0 : i32
    return %c0_i32, %c0_i32_0 : i32, i32
  }
  func.func @transform_11(%arg0: i32) -> (i32, i32) {
    %c0_i32 = arith.constant 0 : i32
    %c0_i32_0 = arith.constant 0 : i32
    %c0_i32_1 = arith.constant 0 : i32
    return %c0_i32, %c0_i32_0 : i32, i32
  }
  func.func @transform_12(%arg0: i32) -> (i32, i32) {
    %c0_i32 = arith.constant 0 : i32
    %c0_i32_0 = arith.constant 0 : i32
    %c0_i32_1 = arith.constant 0 : i32
    return %c0_i32, %c0_i32_0 : i32, i32
  }
  func.func @transform_13(%arg0: i32) -> (i32, i32) {
    %c0_i32 = arith.constant 0 : i32
    %c0_i32_0 = arith.constant 0 : i32
    %c0_i32_1 = arith.constant 0 : i32
    return %c0_i32, %c0_i32_0 : i32, i32
  }
  func.func @transform_14(%arg0: i32) -> (i32, i32) {
    %c0_i32 = arith.constant 0 : i32
    %c0_i32_0 = arith.constant 0 : i32
    %c0_i32_1 = arith.constant 0 : i32
    return %c0_i32, %c0_i32_0 : i32, i32
  }
  func.func @transform_15(%arg0: i32) -> (i32, i32) {
    %c0_i32 = arith.constant 0 : i32
    %c0_i32_0 = arith.constant 0 : i32
    %c0_i32_1 = arith.constant 0 : i32
    return %c0_i32, %c0_i32_0 : i32, i32
  }
  func.func @transform_16(%arg0: i32) -> (i32, i32) {
    %c0_i32 = arith.constant 0 : i32
    %c0_i32_0 = arith.constant 0 : i32
    %c0_i32_1 = arith.constant 0 : i32
    return %c0_i32, %c0_i32_0 : i32, i32
  }
  func.func @transform_17(%arg0: i32) -> (i32, i32) {
    %c0_i32 = arith.constant 0 : i32
    %c0_i32_0 = arith.constant 0 : i32
    %c0_i32_1 = arith.constant 0 : i32
    return %c0_i32, %c0_i32_0 : i32, i32
  }
  func.func @transform_18(%arg0: i32) -> (i32, i32) {
    %c0_i32 = arith.constant 0 : i32
    %c0_i32_0 = arith.constant 0 : i32
    %c0_i32_1 = arith.constant 0 : i32
    return %c0_i32, %c0_i32_0 : i32, i32
  }
  func.func @transform_19(%arg0: i32) -> (i32, i32) {
    %c0_i32 = arith.constant 0 : i32
    %c0_i32_0 = arith.constant 0 : i32
    %c0_i32_1 = arith.constant 0 : i32
    return %c0_i32, %c0_i32_0 : i32, i32
  }
  func.func @transform_20(%arg0: i32) -> (i32, i32) {
    %c0_i32 = arith.constant 0 : i32
    %c0_i32_0 = arith.constant 0 : i32
    %c0_i32_1 = arith.constant 0 : i32
    return %c0_i32, %c0_i32_0 : i32, i32
  }
  func.func @transform_21(%arg0: i32) -> (i32, i32) {
    %c0_i32 = arith.constant 0 : i32
    %c0_i32_0 = arith.constant 0 : i32
    %c0_i32_1 = arith.constant 0 : i32
    return %c0_i32, %c0_i32_0 : i32, i32
  }
  func.func @transform_22(%arg0: i32) -> (i32, i32) {
    %c0_i32 = arith.constant 0 : i32
    %c0_i32_0 = arith.constant 0 : i32
    %c0_i32_1 = arith.constant 0 : i32
    return %c0_i32, %c0_i32_0 : i32, i32
  }
  func.func @transform_23(%arg0: i32) -> (i32, i32) {
    %c0_i32 = arith.constant 0 : i32
    %c0_i32_0 = arith.constant 0 : i32
    %c0_i32_1 = arith.constant 0 : i32
    return %c0_i32, %c0_i32_0 : i32, i32
  }
  func.func @transform_24(%arg0: i32) -> (i32, i32) {
    %c0_i32 = arith.constant 0 : i32
    %c0_i32_0 = arith.constant 0 : i32
    %c0_i32_1 = arith.constant 0 : i32
    return %c0_i32, %c0_i32_0 : i32, i32
  }
  func.func @transform_25(%arg0: i32) -> (i32, i32) {
    %c0_i32 = arith.constant 0 : i32
    %c0_i32_0 = arith.constant 0 : i32
    return %arg0, %c0_i32 : i32, i32
  }
  func.func @transform_26(%arg0: i32) -> (i32, i32) {
    %c0_i32 = arith.constant 0 : i32
    %c0_i32_0 = arith.constant 0 : i32
    return %arg0, %c0_i32 : i32, i32
  }
  func.func @transform_27(%arg0: i32) -> (i32, i32) {
    %c0_i32 = arith.constant 0 : i32
    %c0_i32_0 = arith.constant 0 : i32
    %c0_i32_1 = arith.constant 0 : i32
    return %c0_i32, %c0_i32_0 : i32, i32
  }
  func.func @transform_28(%arg0: i32) -> (i32, i32) {
    %c0_i32 = arith.constant 0 : i32
    %c0_i32_0 = arith.constant 0 : i32
    %c0_i32_1 = arith.constant 0 : i32
    return %c0_i32, %c0_i32_0 : i32, i32
  }
}

module attributes {stable_mosaic.version = 14 : i64} {
  func.func @_k4_body(%arg0: i32, %arg1: memref<2000x32xf32, #tpu.memory_space<vmem>>, %arg2: memref<2000x32xf32, #tpu.memory_space<vmem>>, %arg3: memref<2000x32xf32, #tpu.memory_space<vmem>>, %arg4: memref<2000x32xf32, #tpu.memory_space<vmem>>, %arg5: memref<1x32xf32, #tpu.memory_space<vmem>>, %arg6: memref<1x32xf32, #tpu.memory_space<vmem>>, %arg7: memref<1x32xf32, #tpu.memory_space<vmem>>, %arg8: memref<1x32xf32, #tpu.memory_space<vmem>>, %arg9: memref<2000x32xf32, #tpu.memory_space<vmem>>, %arg10: memref<2000x32xf32, #tpu.memory_space<vmem>>, %arg11: memref<1x32xf32, #tpu.memory_space<vmem>>, %arg12: memref<1x32xf32, #tpu.memory_space<vmem>>) attributes {dimension_semantics = [#tpu.dimension_semantics<arbitrary>], iteration_bounds = array<i64: 25>, scalar_prefetch = 0 : i64, scratch_operands = 0 : i64, tpu.core_type = #tpu.core_type<tc>, window_params = [{transform_indices = @transform_0, window_bounds = array<i64: 2000, 32>}, {transform_indices = @transform_1, window_bounds = array<i64: 2000, 32>}, {transform_indices = @transform_2, window_bounds = array<i64: 2000, 32>}, {transform_indices = @transform_3, window_bounds = array<i64: 2000, 32>}, {pipeline_mode = #tpu.pipeline_mode<synchronous>, transform_indices = @transform_4, window_bounds = array<i64: 1, 32>}, {pipeline_mode = #tpu.pipeline_mode<synchronous>, transform_indices = @transform_5, window_bounds = array<i64: 1, 32>}, {pipeline_mode = #tpu.pipeline_mode<synchronous>, transform_indices = @transform_6, window_bounds = array<i64: 1, 32>}, {pipeline_mode = #tpu.pipeline_mode<synchronous>, transform_indices = @transform_7, window_bounds = array<i64: 1, 32>}, {transform_indices = @transform_8, window_bounds = array<i64: 2000, 32>}, {transform_indices = @transform_9, window_bounds = array<i64: 2000, 32>}, {pipeline_mode = #tpu.pipeline_mode<synchronous>, transform_indices = @transform_10, window_bounds = array<i64: 1, 32>}, {pipeline_mode = #tpu.pipeline_mode<synchronous>, transform_indices = @transform_11, window_bounds = array<i64: 1, 32>}]} {
    %eq3A = arith.constant 0 : i32
    %eq3A_0 = arith.cmpi eq, %arg0, %eq3A : i32
    %convert_element_type3A = arith.extui %eq3A_0 : i1 to i32
    %cond3A = arith.constant 0 : i32
    %cond3A_1 = arith.cmpi ne, %convert_element_type3A, %cond3A : i32
    scf.if %cond3A_1 {
      %broadcast_in_dim3A_61 = arith.constant 0.000000e+00 : f32
      %broadcast_in_dim3A_62 = vector.broadcast %broadcast_in_dim3A_61 : f32 to vector<1x32xf32>
      %swap3A_63 = arith.constant 0 : index
      %swap3A_64 = arith.constant 0 : index
      %swap3A_65 = vector.load %arg11[%swap3A_63, %swap3A_64] : memref<1x32xf32, #tpu.memory_space<vmem>>, vector<1x32xf32>
      tpu.vector_store %arg11[%swap3A_63, %swap3A_64], %broadcast_in_dim3A_62 {strides = array<i32>} : memref<1x32xf32, #tpu.memory_space<vmem>>, vector<1x32xf32>,
      %broadcast_in_dim3A_66 = arith.constant 0.000000e+00 : f32
      %broadcast_in_dim3A_67 = vector.broadcast %broadcast_in_dim3A_66 : f32 to vector<1x32xf32>
      %swap3A_68 = arith.constant 0 : index
      %swap3A_69 = arith.constant 0 : index
      %swap3A_70 = vector.load %arg12[%swap3A_68, %swap3A_69] : memref<1x32xf32, #tpu.memory_space<vmem>>, vector<1x32xf32>
      tpu.vector_store %arg12[%swap3A_68, %swap3A_69], %broadcast_in_dim3A_67 {strides = array<i32>} : memref<1x32xf32, #tpu.memory_space<vmem>>, vector<1x32xf32>,
    } else {
    }
    %get3A = arith.constant 0 : index
    %get3A_2 = arith.constant 0 : index
    %get3A_3 = vector.load %arg1[%get3A, %get3A_2] : memref<2000x32xf32, #tpu.memory_space<vmem>>, vector<2000x32xf32>
    %get3A_4 = arith.constant 0 : index
    %get3A_5 = arith.constant 0 : index
    %get3A_6 = vector.load %arg5[%get3A_4, %get3A_5] : memref<1x32xf32, #tpu.memory_space<vmem>>, vector<1x32xf32>
    %mul3A = vector.broadcast %get3A_6 : vector<1x32xf32> to vector<2000x32xf32>
    %mul3A_7 = arith.mulf %get3A_3, %mul3A : vector<2000x32xf32>
    %get3A_8 = arith.constant 0 : index
    %get3A_9 = arith.constant 0 : index
    %get3A_10 = vector.load %arg6[%get3A_8, %get3A_9] : memref<1x32xf32, #tpu.memory_space<vmem>>, vector<1x32xf32>
    %add3A = vector.broadcast %get3A_10 : vector<1x32xf32> to vector<2000x32xf32>
    %add3A_11 = arith.addf %mul3A_7, %add3A : vector<2000x32xf32>
    %max3A = arith.constant 0.000000e+00 : f32
    %max3A_12 = vector.broadcast %max3A : f32 to vector<2000x32xf32>
    %max3A_13 = arith.maximumf %add3A_11, %max3A_12 : vector<2000x32xf32>
    %get3A_14 = arith.constant 0 : index
    %get3A_15 = arith.constant 0 : index
    %get3A_16 = vector.load %arg3[%get3A_14, %get3A_15] : memref<2000x32xf32, #tpu.memory_space<vmem>>, vector<2000x32xf32>
    %add3A_17 = arith.addf %max3A_13, %get3A_16 : vector<2000x32xf32>
    %get3A_18 = arith.constant 0 : index
    %get3A_19 = arith.constant 0 : index
    %get3A_20 = vector.load %arg2[%get3A_18, %get3A_19] : memref<2000x32xf32, #tpu.memory_space<vmem>>, vector<2000x32xf32>
    %get3A_21 = arith.constant 0 : index
    %get3A_22 = arith.constant 0 : index
    %get3A_23 = vector.load %arg7[%get3A_21, %get3A_22] : memref<1x32xf32, #tpu.memory_space<vmem>>, vector<1x32xf32>
    %mul3A_24 = vector.broadcast %get3A_23 : vector<1x32xf32> to vector<2000x32xf32>
    %mul3A_25 = arith.mulf %get3A_20, %mul3A_24 : vector<2000x32xf32>
    %get3A_26 = arith.constant 0 : index
    %get3A_27 = arith.constant 0 : index
    %get3A_28 = vector.load %arg8[%get3A_26, %get3A_27] : memref<1x32xf32, #tpu.memory_space<vmem>>, vector<1x32xf32>
    %add3A_29 = vector.broadcast %get3A_28 : vector<1x32xf32> to vector<2000x32xf32>
    %add3A_30 = arith.addf %mul3A_25, %add3A_29 : vector<2000x32xf32>
    %max3A_31 = arith.constant 0.000000e+00 : f32
    %max3A_32 = vector.broadcast %max3A_31 : f32 to vector<2000x32xf32>
    %max3A_33 = arith.maximumf %add3A_30, %max3A_32 : vector<2000x32xf32>
    %get3A_34 = arith.constant 0 : index
    %get3A_35 = arith.constant 0 : index
    %get3A_36 = vector.load %arg4[%get3A_34, %get3A_35] : memref<2000x32xf32, #tpu.memory_space<vmem>>, vector<2000x32xf32>
    %add3A_37 = arith.addf %max3A_33, %get3A_36 : vector<2000x32xf32>
    %swap3A = arith.constant 0 : index
    %swap3A_38 = arith.constant 0 : index
    %swap3A_39 = vector.load %arg9[%swap3A, %swap3A_38] : memref<2000x32xf32, #tpu.memory_space<vmem>>, vector<2000x32xf32>
    tpu.vector_store %arg9[%swap3A, %swap3A_38], %add3A_17 {strides = array<i32>} : memref<2000x32xf32, #tpu.memory_space<vmem>>, vector<2000x32xf32>,
    %swap3A_40 = arith.constant 0 : index
    %swap3A_41 = arith.constant 0 : index
    %swap3A_42 = vector.load %arg10[%swap3A_40, %swap3A_41] : memref<2000x32xf32, #tpu.memory_space<vmem>>, vector<2000x32xf32>
    tpu.vector_store %arg10[%swap3A_40, %swap3A_41], %add3A_37 {strides = array<i32>} : memref<2000x32xf32, #tpu.memory_space<vmem>>, vector<2000x32xf32>,
    %get3A_43 = arith.constant 0 : index
    %get3A_44 = arith.constant 0 : index
    %get3A_45 = vector.load %arg11[%get3A_43, %get3A_44] : memref<1x32xf32, #tpu.memory_space<vmem>>, vector<1x32xf32>
    %reduce_sum3A = arith.constant dense<0.000000e+00> : vector<32xf32>
    %reduce_sum3A_46 = vector.multi_reduction <add>, %add3A_17, %reduce_sum3A [0] : vector<2000x32xf32> to vector<32xf32>
    %broadcast_in_dim3A = vector.shape_cast %reduce_sum3A_46 : vector<32xf32> to vector<1x32xf32>
    %add3A_47 = arith.addf %get3A_45, %broadcast_in_dim3A : vector<1x32xf32>
    %swap3A_48 = arith.constant 0 : index
    %swap3A_49 = arith.constant 0 : index
    %swap3A_50 = vector.load %arg11[%swap3A_48, %swap3A_49] : memref<1x32xf32, #tpu.memory_space<vmem>>, vector<1x32xf32>
    tpu.vector_store %arg11[%swap3A_48, %swap3A_49], %add3A_47 {strides = array<i32>} : memref<1x32xf32, #tpu.memory_space<vmem>>, vector<1x32xf32>,
    %get3A_51 = arith.constant 0 : index
    %get3A_52 = arith.constant 0 : index
    %get3A_53 = vector.load %arg12[%get3A_51, %get3A_52] : memref<1x32xf32, #tpu.memory_space<vmem>>, vector<1x32xf32>
    %reduce_sum3A_54 = arith.constant dense<0.000000e+00> : vector<32xf32>
    %reduce_sum3A_55 = vector.multi_reduction <add>, %add3A_37, %reduce_sum3A_54 [0] : vector<2000x32xf32> to vector<32xf32>
    %broadcast_in_dim3A_56 = vector.shape_cast %reduce_sum3A_55 : vector<32xf32> to vector<1x32xf32>
    %add3A_57 = arith.addf %get3A_53, %broadcast_in_dim3A_56 : vector<1x32xf32>
    %swap3A_58 = arith.constant 0 : index
    %swap3A_59 = arith.constant 0 : index
    %swap3A_60 = vector.load %arg12[%swap3A_58, %swap3A_59] : memref<1x32xf32, #tpu.memory_space<vmem>>, vector<1x32xf32>
    tpu.vector_store %arg12[%swap3A_58, %swap3A_59], %add3A_57 {strides = array<i32>} : memref<1x32xf32, #tpu.memory_space<vmem>>, vector<1x32xf32>,
    return
  }
  func.func @transform_0(%arg0: i32) -> (i32, i32) {
    %c0_i32 = arith.constant 0 : i32
    %c0_i32_0 = arith.constant 0 : i32
    return %arg0, %c0_i32 : i32, i32
  }
  func.func @transform_1(%arg0: i32) -> (i32, i32) {
    %c0_i32 = arith.constant 0 : i32
    %c0_i32_0 = arith.constant 0 : i32
    return %arg0, %c0_i32 : i32, i32
  }
  func.func @transform_2(%arg0: i32) -> (i32, i32) {
    %c0_i32 = arith.constant 0 : i32
    %c0_i32_0 = arith.constant 0 : i32
    return %arg0, %c0_i32 : i32, i32
  }
  func.func @transform_3(%arg0: i32) -> (i32, i32) {
    %c0_i32 = arith.constant 0 : i32
    %c0_i32_0 = arith.constant 0 : i32
    return %arg0, %c0_i32 : i32, i32
  }
  func.func @transform_4(%arg0: i32) -> (i32, i32) {
    %c0_i32 = arith.constant 0 : i32
    %c0_i32_0 = arith.constant 0 : i32
    %c0_i32_1 = arith.constant 0 : i32
    return %c0_i32, %c0_i32_0 : i32, i32
  }
  func.func @transform_5(%arg0: i32) -> (i32, i32) {
    %c0_i32 = arith.constant 0 : i32
    %c0_i32_0 = arith.constant 0 : i32
    %c0_i32_1 = arith.constant 0 : i32
    return %c0_i32, %c0_i32_0 : i32, i32
  }
  func.func @transform_6(%arg0: i32) -> (i32, i32) {
    %c0_i32 = arith.constant 0 : i32
    %c0_i32_0 = arith.constant 0 : i32
    %c0_i32_1 = arith.constant 0 : i32
    return %c0_i32, %c0_i32_0 : i32, i32
  }
  func.func @transform_7(%arg0: i32) -> (i32, i32) {
    %c0_i32 = arith.constant 0 : i32
    %c0_i32_0 = arith.constant 0 : i32
    %c0_i32_1 = arith.constant 0 : i32
    return %c0_i32, %c0_i32_0 : i32, i32
  }
  func.func @transform_8(%arg0: i32) -> (i32, i32) {
    %c0_i32 = arith.constant 0 : i32
    %c0_i32_0 = arith.constant 0 : i32
    return %arg0, %c0_i32 : i32, i32
  }
  func.func @transform_9(%arg0: i32) -> (i32, i32) {
    %c0_i32 = arith.constant 0 : i32
    %c0_i32_0 = arith.constant 0 : i32
    return %arg0, %c0_i32 : i32, i32
  }
  func.func @transform_10(%arg0: i32) -> (i32, i32) {
    %c0_i32 = arith.constant 0 : i32
    %c0_i32_0 = arith.constant 0 : i32
    %c0_i32_1 = arith.constant 0 : i32
    return %c0_i32, %c0_i32_0 : i32, i32
  }
  func.func @transform_11(%arg0: i32) -> (i32, i32) {
    %c0_i32 = arith.constant 0 : i32
    %c0_i32_0 = arith.constant 0 : i32
    %c0_i32_1 = arith.constant 0 : i32
    return %c0_i32, %c0_i32_0 : i32, i32
  }
}

module attributes {stable_mosaic.version = 14 : i64} {
  func.func @_head_body(%arg0: i32, %arg1: memref<2000x32xf32, #tpu.memory_space<vmem>>, %arg2: memref<2000x32xf32, #tpu.memory_space<vmem>>, %arg3: memref<32x2xf32, #tpu.memory_space<vmem>>, %arg4: memref<32x2xf32, #tpu.memory_space<vmem>>, %arg5: memref<1x2xf32, #tpu.memory_space<vmem>>, %arg6: memref<2000x2xf32, #tpu.memory_space<vmem>>) attributes {dimension_semantics = [#tpu.dimension_semantics<parallel>], iteration_bounds = array<i64: 25>, scalar_prefetch = 0 : i64, scratch_operands = 0 : i64, tpu.core_type = #tpu.core_type<tc>, window_params = [{transform_indices = @transform_0, window_bounds = array<i64: 2000, 32>}, {transform_indices = @transform_1, window_bounds = array<i64: 2000, 32>}, {pipeline_mode = #tpu.pipeline_mode<synchronous>, transform_indices = @transform_2, window_bounds = array<i64: 32, 2>}, {pipeline_mode = #tpu.pipeline_mode<synchronous>, transform_indices = @transform_3, window_bounds = array<i64: 32, 2>}, {pipeline_mode = #tpu.pipeline_mode<synchronous>, transform_indices = @transform_4, window_bounds = array<i64: 1, 2>}, {transform_indices = @transform_5, window_bounds = array<i64: 2000, 2>}]} {
    %get3A = arith.constant 0 : index
    %get3A_0 = arith.constant 0 : index
    %get3A_1 = vector.load %arg1[%get3A, %get3A_0] : memref<2000x32xf32, #tpu.memory_space<vmem>>, vector<2000x32xf32>
    %get3A_2 = arith.constant 0 : index
    %get3A_3 = arith.constant 0 : index
    %get3A_4 = vector.load %arg3[%get3A_2, %get3A_3] : memref<32x2xf32, #tpu.memory_space<vmem>>, vector<32x2xf32>
    %dot_general3A = arith.constant dense<0.000000e+00> : vector<2000x2xf32>
    %dot_general3A_5 = tpu.matmul %get3A_1, %get3A_4, %dot_general3A {dimension_numbers = #tpu.dot_dimension_numbers<[1], [0], [0], [1], [0, 0, 1, 1], [], []>, transpose_lhs_hint = false} : vector<2000x32xf32>, vector<32x2xf32>, vector<2000x2xf32> -> vector<2000x2xf32>
    %get3A_6 = arith.constant 0 : index
    %get3A_7 = arith.constant 0 : index
    %get3A_8 = vector.load %arg2[%get3A_6, %get3A_7] : memref<2000x32xf32, #tpu.memory_space<vmem>>, vector<2000x32xf32>
    %get3A_9 = arith.constant 0 : index
    %get3A_10 = arith.constant 0 : index
    %get3A_11 = vector.load %arg4[%get3A_9, %get3A_10] : memref<32x2xf32, #tpu.memory_space<vmem>>, vector<32x2xf32>
    %dot_general3A_12 = arith.constant dense<0.000000e+00> : vector<2000x2xf32>
    %dot_general3A_13 = tpu.matmul %get3A_8, %get3A_11, %dot_general3A_12 {dimension_numbers = #tpu.dot_dimension_numbers<[1], [0], [0], [1], [0, 0, 1, 1], [], []>, transpose_lhs_hint = false} : vector<2000x32xf32>, vector<32x2xf32>, vector<2000x2xf32> -> vector<2000x2xf32>
    %add3A = arith.addf %dot_general3A_5, %dot_general3A_13 : vector<2000x2xf32>
    %get3A_14 = arith.constant 0 : index
    %get3A_15 = arith.constant 0 : index
    %get3A_16 = vector.load %arg5[%get3A_14, %get3A_15] : memref<1x2xf32, #tpu.memory_space<vmem>>, vector<1x2xf32>
    %add3A_17 = vector.broadcast %get3A_16 : vector<1x2xf32> to vector<2000x2xf32>
    %add3A_18 = arith.addf %add3A, %add3A_17 : vector<2000x2xf32>
    %swap3A = arith.constant 0 : index
    %swap3A_19 = arith.constant 0 : index
    %swap3A_20 = vector.load %arg6[%swap3A, %swap3A_19] : memref<2000x2xf32, #tpu.memory_space<vmem>>, vector<2000x2xf32>
    tpu.vector_store %arg6[%swap3A, %swap3A_19], %add3A_18 {strides = array<i32>} : memref<2000x2xf32, #tpu.memory_space<vmem>>, vector<2000x2xf32>,
    return
  }
  func.func @transform_0(%arg0: i32) -> (i32, i32) {
    %c0_i32 = arith.constant 0 : i32
    %c0_i32_0 = arith.constant 0 : i32
    return %arg0, %c0_i32 : i32, i32
  }
  func.func @transform_1(%arg0: i32) -> (i32, i32) {
    %c0_i32 = arith.constant 0 : i32
    %c0_i32_0 = arith.constant 0 : i32
    return %arg0, %c0_i32 : i32, i32
  }
  func.func @transform_2(%arg0: i32) -> (i32, i32) {
    %c0_i32 = arith.constant 0 : i32
    %c0_i32_0 = arith.constant 0 : i32
    %c0_i32_1 = arith.constant 0 : i32
    return %c0_i32, %c0_i32_0 : i32, i32
  }
  func.func @transform_3(%arg0: i32) -> (i32, i32) {
    %c0_i32 = arith.constant 0 : i32
    %c0_i32_0 = arith.constant 0 : i32
    %c0_i32_1 = arith.constant 0 : i32
    return %c0_i32, %c0_i32_0 : i32, i32
  }
  func.func @transform_4(%arg0: i32) -> (i32, i32) {
    %c0_i32 = arith.constant 0 : i32
    %c0_i32_0 = arith.constant 0 : i32
    %c0_i32_1 = arith.constant 0 : i32
    return %c0_i32, %c0_i32_0 : i32, i32
  }
  func.func @transform_5(%arg0: i32) -> (i32, i32) {
    %c0_i32 = arith.constant 0 : i32
    %c0_i32_0 = arith.constant 0 : i32
    return %arg0, %c0_i32 : i32, i32
  }
}

</mosaic_0001>

<sc_bundles>
// kernel: closed_call.28.cloned.1.call-start
scs
__scs_entry_jumppad:
0x0: {  	(pc) =	sbr.rel $0x88, $3  }
0x1: {  	(tag) =	ssettag $0x0;
	lr =	simm.s32 $0x1  }
0x2: {  	[smem:$0x3F80] =	sst lr;
	_ =	strace $0xD0000000  }
0x3: {  	_ = 	snop  }
0x4: {  	_ = 	snop  }
0x5: {  	_ = 	snop  }
0x6: {  	_ = 	snop  }
0x7: {  	_ = 	snop  }
__scs_overlays_trampoline_lowered:
0x8: {  	[smem:$0x3F8F] =	sst s0  }
0x9: {  	[smem:$0x3F90] =	sst s1  }
0xa: {  	[smem:$0x3F91] =	sst s2  }
0xb: {  	[smem:$0x3F92] =	sst s3  }
0xc: {  	[smem:$0x3F93] =	sst s4  }
0xd: {  	[smem:$0x3F94] =	sst s5  }
0xe: {  	[smem:$0x3F95] =	sst s6  }
0xf: {  	[smem:$0x3F96] =	sst s7  }
0x10: {  	[smem:$0x3F97] =	sst s8  }
0x11: {  	[smem:$0x3F98] =	sst s9;
	s0 =	simm.s32 @!p0 $0x0  }
0x12: {  	s1 =	sld [smem:$0x3F7E];
	s0 =	simm.s32 @p0 $0x1  }
0x13: {  	[smem:$0x3F99] =	sst s0;
	s0 =	simm.s32 @!p1 $0x0  }
0x14: {  	s2 =	sld [smem:$0x3F7D];
	s0 =	simm.s32 @p1 $0x1  }
0x15: {  	[smem:$0x3F9A] =	sst s0;
	s0 =	simm.s32 @!p2 $0x0  }
0x16: {  	s3 =	sld [smem:$0x3FDB];
	s0 =	simm.s32 @p2 $0x1  }
0x17: {  	s4 =	simm.s32 $0x1BF5;
	[smem:$0x3F9C] =	sst s0  }
0x18: {  	s0 =	sld [smem:$0x3F7F];
	_ =	swait.ge [sflag:s4], $0x0  }
0x19: {  	s7 =	sld [smem:$0x3F80]  }
0x1a: {  	s8 =	sadd.s32 $0xFFFFE003, lr  }
0x1b: {  	s9 =	sadd.s32 $0xFFFFFEF7, lr;
	s5 =	simm.s32 $0xFFFFFFFF;
	p2 =	slt.u32 s8, $0xFFFFF086  }
0x1c: {  	p1 =	slt.u32 s9, $0xF7A;
	s5 =	simm.s32 @!p2 $0x0  }
0x1d: {  	s5 =	simm.s32 @p1 $0x1;
	p0 =	seq.s32 s7, s2  }
0x1e: {  	s7 =	smul.u32 @!p0 $0xF7A, s2;
	p2 =	seq.s32 @!p0 s5, $0x0  }
0x1f: {  	s9 =	smul.u32 $0xF7A, s1;
	s8 =	simm.s32 @!p0 $0x1BF5;
	p2 =	por !p2, p0  }
0x20: {  	[sflag:s8] =	ssyncset.s32 @!p0 $0xFFFFF086;
	s6 =	sadd.s32 @!p0 s3, s7;
	s7 =	simm.s32 @!p0 $0x108  }
0x21: {  	s3 =	sadd.s32 s3, s9;
	s6 =	sadd.s32 @!p0 $0x88, s6;
	s7 =	simm.s32 @p2 $0x1082  }
0x22: {  	[simem:s7], [sflag:s8] =	dma.local @!p0 [hbm:s6], $0xF7A  }
0x23: {  	s9 =	sor.u32 $0xD0000000, s2;
	s6 =	simm.s32 $0x108;
	_ =	swait.ge @!p0 [sflag:s8], $0x0  }
0x24: {  	s3 =	sadd.s32 $0x88, s3;
	s6 =	simm.s32 @!p1 $0x1082;
	[sflag:s4] =	ssyncset.s32 $0xFFFFF086  }
0x25: {  	[simem:s6], [sflag:s4] =	dma.local [hbm:s3], $0xF7A  }
0x26: {  	[smem:$0x3F80] =	sst s1;
	(tag) =	ssettag s2;
	_ =	strace s9  }
0x27: {  	s1 =	sld [smem:$0x3F90]  }
0x28: {  	s2 =	sld [smem:$0x3F91]  }
0x29: {  	s4 =	sld [smem:$0x3F93]  }
0x2a: {  	p0 =	seq.s32 s5, $0x0;
	s5 =	sld [smem:$0x3F94]  }
0x2b: {  	s6 =	sld [smem:$0x3F95]  }
0x2c: {  	s7 =	sld [smem:$0x3F96]  }
0x2d: {  	s3 =	simm.s32 $0x108;
	s8 =	sld [smem:$0x3F97]  }
0x2e: {  	s3 =	simm.s32 @!p0 $0x1082;
	s9 =	sld [smem:$0x3F98]  }
0x2f: {  	lr =	sadd.s32 s0, s3;
	s0 =	sld [smem:$0x3F8F]  }
0x30: {  	s3 =	sld [smem:$0x3F92]  }
0x31: {  	[smem:$0x3F9B] =	sst s10  }
0x32: {  	s10 =	sld [smem:$0x3F99];
	_ =	sdelay $0x3  }
0x33: {  	p0 =	seq.s32 s10, $0x1;
	s10 =	sld [smem:$0x3F9B];
	_ =	sdelay $0x3  }
0x34: {  	[smem:$0x3F9B] =	sst s10  }
0x35: {  	s10 =	sld [smem:$0x3F9A];
	_ =	sdelay $0x3  }
0x36: {  	p1 =	seq.s32 s10, $0x1;
	s10 =	sld [smem:$0x3F9B];
	_ =	sdelay $0x3  }
0x37: {  	[smem:$0x3F9B] =	sst s10  }
0x38: {  	s10 =	sld [smem:$0x3F9C]  }
0x39: {  	_ = 	snop;
	(pc) =	sbr.ind lr, $3  }
0x3a: {  	_ = 	snop  }
0x3b: {  	_ = 	snop  }
0x3c: {  	p2 =	seq.s32 s10, $0x1;
	s10 =	sld [smem:$0x3F9B]  }
0x3d: {  	_ =	shalt  }
0x3e: {  	_ =	shalt  }
0x3f: {  	_ =	shalt  }
0x40: {  	_ =	shalt  }
0x41: {  	_ =	shalt  }
0x42: {  	_ =	shalt  }
0x43: {  	_ =	shalt  }
0x44: {  	_ =	shalt  }
0x45: {  	_ =	shalt  }
0x46: {  	_ =	shalt  }
0x47: {  	_ =	shalt  }
0x48: {  	_ =	shalt  }
0x49: {  	_ =	shalt  }
0x4a: {  	_ =	shalt  }
0x4b: {  	_ =	shalt  }
0x4c: {  	_ =	shalt  }
0x4d: {  	_ =	shalt  }
0x4e: {  	_ =	shalt  }
0x4f: {  	_ =	shalt  }
0x50: {  	_ =	shalt  }
0x51: {  	_ =	shalt  }
0x52: {  	_ =	shalt  }
0x53: {  	_ =	shalt  }
0x54: {  	_ =	shalt  }
0x55: {  	_ =	shalt  }
0x56: {  	_ =	shalt  }
0x57: {  	_ =	shalt  }
0x58: {  	_ =	shalt  }
0x59: {  	_ =	shalt  }
0x5a: {  	_ =	shalt  }
0x5b: {  	_ =	shalt  }
0x5c: {  	_ =	shalt  }
0x5d: {  	_ =	shalt  }
0x5e: {  	_ =	shalt  }
0x5f: {  	_ =	shalt  }
0x60: {  	_ =	shalt  }
0x61: {  	_ =	shalt  }
0x62: {  	_ =	shalt  }
0x63: {  	_ =	shalt  }
0x64: {  	_ =	shalt  }
0x65: {  	_ =	shalt  }
0x66: {  	_ =	shalt  }
0x67: {  	_ =	shalt  }
0x68: {  	_ =	shalt  }
0x69: {  	_ =	shalt  }
0x6a: {  	_ =	shalt  }
0x6b: {  	_ =	shalt  }
0x6c: {  	_ =	shalt  }
0x6d: {  	_ =	shalt  }
0x6e: {  	_ =	shalt  }
0x6f: {  	_ =	shalt  }
0x70: {  	_ =	shalt  }
0x71: {  	_ =	shalt  }
0x72: {  	_ =	shalt  }
0x73: {  	_ =	shalt  }
0x74: {  	_ =	shalt  }
0x75: {  	_ =	shalt  }
0x76: {  	_ =	shalt  }
0x77: {  	_ =	shalt  }
0x78: {  	_ =	shalt  }
0x79: {  	_ =	shalt  }
0x7a: {  	_ =	shalt  }
0x7b: {  	_ =	shalt  }
0x7c: {  	_ =	shalt  }
0x7d: {  	_ =	shalt  }
0x7e: {  	_ =	shalt  }
0x7f: {  	_ =	shalt  }
0x80: {  	_ =	shalt  }
0x81: {  	_ =	shalt  }
0x82: {  	_ =	shalt  }
0x83: {  	_ =	shalt  }
0x84: {  	_ =	shalt  }
0x85: {  	_ =	shalt  }
0x86: {  	_ =	shalt  }
0x87: {  	_ =	shalt  }
.Lfunc_end0:
.L_simem_size_0:
called_computation_lowered:
.L_overlay_start_0:
0x88: {  	s2 =	sld [smem:$0x3FD9]  }
0x89: {  	s3 =	sld [smem:$0x3FFE];
	_ =	sdelay $0x1  }
0x8a: {  	s1 =	srdreg.scid  }
0x8b: {  	s0 =	sand.u32 $0x1, s1  }
0x8c: {  	s17 =	sshll.u32 s0, $0xA;
	s2 =	sadd.s32 s3, s2  }
0x8d: {  	s2 =	sadd.s32 s2, s17  }
0x8e: {  	[smem:$0x3FA7] =	sst s2  }
0x8f: {  	_ = 	snop  }
0x90: {  	s2 =	sld [smem:$0x3FD0];
	(tm) =	ssettm $0x1  }
0x91: {  	s18 =	sld [smem:$0x3FFB];
	_ =	sdelay $0x3  }
0x92: {  	_ =	strace s18  }
0x93: {  	s3 =	sld [smem:$0x3FFC];
	_ =	sdelay $0x3  }
0x94: {  	_ =	strace s3  }
0x95: {  	s3 =	sld [smem:$0x3FFD];
	_ =	sdelay $0x3  }
0x96: {  	_ =	strace s3  }
0x97: {  	_ =	strace $0x8FFFFFFF  }
0x98: {  	s19 =	sld [smem:$0x3FDB];
	_ =	sdelay $0x1  }
0x99: {  	s4 =	simm.s32 $_scs_section_size  }
0x9a: {  	s5 =	simm.s32 $_size__tile_overlayer_lowered;
	s6 =	simm.s32 $_tile_overlayer_lowered  }
0x9b: {  	s22 =	simm.s32 $0x1BFF;
	s21 =	sshll.u32 s6, $0x1;
	s3 =	sadd.s32 s4, s19  }
0x9c: {  	s7 =	simm.s32 $0x0;
	s20 =	sshll.u32 s5, $0x1;
	s5 =	sadd.s32 s21, s3  }
0x9d: {  	[timem:s7], [sflag:s22] =	dma.local [hbm:s5], s20  }
0x9e: {  	_ =	swait.ge [sflag:s22], s20  }
0x9f: {  	s4 =	ssub.s32 $0x0, s20;
	[sflag:s22] =	ssyncset.done $0x0  }
0xa0: {  	[sflag:s22] =	ssyncadd.s32 s4;
	_ =	sdelay $0x1  }
0xa1: {  	s23 =	simm.s32 $0x1B8B  }
0xa2: {  	_ =	swait.ge [sflag:s23], $0x1  }
0xa3: {  	[sflag:s23] =	ssyncset.done $0x0  }
0xa4: {  	s25 =	simm.s32 $0x1B8E;
	s24 =	sld [smem:$0x3FFE];
	[sflag:s23] =	ssyncadd.s32 $0xFFFFFFFF  }
0xa5: {  	s26 =	simm.s32 $execute0_lowered;
	[smem:$0x3FD2] =	sst s25  }
0xa6: {  	s5 =	sshll.u32 s26, $0x1;
	_ =	strace $0x80000046;
	[dreg:$0x1] =	wrdreg $0xFFFFFFFF  }
0xa7: {  	s28 =	simm.s32 $_size_execute0_lowered;
	s3 =	sadd.s32 s3, s5;
	[dreg:$0x0] =	wrdreg $0x0  }
0xa8: {  	s5 =	sshll.u32 s28, $0x1;
	[dreg:$0x2] =	wrdreg s3  }
0xa9: {  	[dreg:$0x3] =	wrdreg s5  }
0xaa: {  	[dreg:$0x4] =	wrdreg $0xC0  }
0xab: {  	_ =	task [dreg:s7], $0x5FFFF  }
0xac: {  	[dreg:$0x1] =	wrdreg $0xFFFFFFFF  }
0xad: {  	[dreg:$0x0] =	wrdreg $0x60  }
0xae: {  	[dreg:$0x2] =	wrdreg s24  }
0xaf: {  	[dreg:$0x3] =	wrdreg s2  }
0xb0: {  	[dreg:$0x4] =	wrdreg $0x198000  }
0xb1: {  	[dreg:$0x5] =	wrdreg $0x9  }
0xb2: {  	_ =	task.clear_ibuf [dreg:s7], $0x6FFFF;
	_ =	strace $0x90000046  }
0xb3: {  	s29 =	simm.s32 $0x9;
	_ =	strace $0x80000048  }
0xb4: {  	_ =	swait.ge [sflag:s29], $0x1  }
0xb5: {  	[sflag:s29] =	ssyncadd.s32 $0xFFFFFFFF  }
0xb6: {  	_ =	strace $0x90000048  }
0xb7: {  	_ =	sfence  }
0xb8: {  	s30 =	sld [smem:$0x0];
	_ =	sdelay $0x2  }
0xb9: {  	s31 =	sshll.u32 s1, $0xD;
	s1 =	sshrl.u32 s1, $0x2  }
0xba: {  	s3 =	sand.u32 $0x4000, s31;
	s1 =	sadd.s32 s1, s30  }
0xbb: {  	s0 =	sor.u32 s3, s0;
	s1 =	sshll.u32 s1, $0x11  }
0xbc: {  	s0 =	sor.u32 s1, s0  }
0xbd: {  	s0 =	sadd.s32 $0x8F2B, s0  }
0xbe: {  	[sflag:s0] =	ssyncadd.remote.s32 $0x1  }
0xbf: {  	_ =	sfence.sel $0xFFFF  }
0xc0: {  	[dreg:$0x0] =	wrdreg $0xFFFFFFFF;
	(pc) =	sbr.abs _section_cstart, $3  }
0xc1: {  	[dreg:$0x1] =	wrdreg $0xFFFFFFFF  }
0xc2: {  	_ =	task.clear_ibuf [dreg:s7], $0x2FFFF;
	_ =	strace $0x9FFFFFFF  }
0xc3: {  	(tm) =	ssettm $0x7FFFFFFF  }
tec
execute0_lowered:
.L_overlay_start_1:
0x0: {  	(tag) =	ssettag $0x1  }
0x1: {  	s0 =	rddreg [dreg:$0x0]  }
0x2: {  	s13 =	rddreg [dreg:$0x1]  }
0x3: {  	s2 =	rddreg [dreg:$0x2];
	s1 =	simm.s32 $0x0  }
0x4: {  	s12 =	stileid.u32;
	s28 =	simm.s32 $0x18C00;
	s30 =	simm.s32 $0x19000  }
0x5: {  	s31 =	simm.s32 $0x180;
	s15 =	simm.s32 $0x18680;
	s5 =	sadd.s32 $0x221A00, s0  }
0x6: {  	s16 =	simm.s32 $0x18700;
	s17 =	smul.u32 $0x1880, s12;
	s6 =	sadd.s32 $0x22DE00, s0  }
0x7: {  	[smem:$0x7FF] =	sst s1;
	s3 =	smul.u32 $0xC380, s12;
	s7 =	sadd.s32 $0x23A200, s0  }
0x8: {  	s4 =	srdreg.scid;
	s8 =	sadd.s32 $0x246600, s0;
	s19 =	sadd.s32 $0x26A548, s0  }
0x9: {  	s20 =	sadd.s32 $0x5BA40, s2;
	_ =	strace $0x80000047;
	[dreg:$0x6] =	wrdreg s19  }
0xa: {  	s4 =	sand.u32 $0x1, s4;
	s23 =	sadd.s32 $0x25E148, s0;
	[dreg:$0x8] =	wrdreg s20  }
0xb: {  	s25 =	sadd.s32 $0x282D48, s0;
	s29 =	sshll.u32 s12, $0x6;
	[dreg:$0xa] =	wrdreg s23  }
0xc: {  	p1 =	seq.s32 s12, $0xF;
	s10 =	ssub.s32 $0x2, s4;
	[dreg:$0xc] =	wrdreg s25  }
0xd: {  	p0 =	sne.s32 s4, $0x0;
	s25 =	simm.s32 $0x80;
	s23 =	simm.s32 $0x2  }
0xe: {  	s19 =	simm.s32 $0x0;
	s1 =	sadd.s32 s17, s0;
	s9 =	sshrl.u32 s3, $0x4  }
0xf: {  	s11 =	sshrl.u32 s10, $0x1;
	s22 =	sshrl.u32 s3, $0x1;
	s3 =	simm.s32 $0x1  }
0x10: {  	s9 =	sadd.s32 s9, s0;
	s14 =	sadd.s32 $0x1F0800, s1;
	s10 =	ssub.s32 s10, s11  }
0x11: {  	s1 =	sadd.s32 $0x209000, s1;
	s17 =	sadd.s32 s22, s2;
	[dreg:$0x4] =	wrdreg s14  }
0x12: {  	s0 =	sadd.s32 $0x276948, s0;
	s22 =	simm.s32 $0x5;
	[dreg:$0x7] =	wrdreg s1  }
0x13: {  	s11 =	simm.s32 $0x4;
	s18 =	sadd.s32 $0x25EE00, s9;
	[dreg:$0xe] =	wrdreg s0  }
.Ltmp0:
0x14: {  	s21 =	sadd.s32 $0x252A00, s9;
	[dreg:$0x5] =	wrdreg s18;
	(pc) =	sbr.rel .LBB2_1-.Ltmp0, $4  }
0x15: {  	s24 =	sadd.s32 $0x277600, s9;
	s26 =	sadd.s32 $0x26B200, s9;
	[dreg:$0x9] =	wrdreg s21  }
0x16: {  	s0 =	simm.s32 $0x19400;
	s14 =	simm.s32 $0x18600;
	[dreg:$0xb] =	wrdreg s24  }
0x17: {  	[dreg:$0xd] =	wrdreg s26;
	s21 =	smax.u32 s10, $0x1;
	s24 =	sor.u32 $0x1C05, s29  }
0x18: {  	s26 =	simm.s32 $0x18800;
	s10 =	simm.s32 $0x3;
	s18 =	simm.s32 $0x18780  }
.LBB2_14:
0x19: {  	[tilespmem:s0], [sflag:$0x4] =	stream.indirect.gather [hbm4b:s8+s25], $0x8, s9, s25, $0xb8;
	[tilespmem:$0x1F9C0] =	vst v63  }
0x1a: {  	_ =	swait.ge [sflag:s3], $0x400  }
0x1b: {  	[sflag:s3] =	ssyncset.done $0x0  }
0x1c: {  	[sflag:s3] =	ssyncadd.s32 $0xFFFFFC00  }
0x1d: {  	[spmem:s2] =	stream.indirect.scatter.add.bf16 [tilespmem:s26], [sflag:$0x1], $0x8, s14, s25, $0xb8;
	[tilespmem:$0x1F9C0] =	vst v63  }
0x1e: {  	_ =	swait.ge [sflag:s23], $0x400  }
0x1f: {  	[sflag:s23] =	ssyncset.done $0x0  }
0x20: {  	[sflag:s23] =	ssyncadd.s32 $0xFFFFFC00  }
0x21: {  	[spmem:s2] =	stream.indirect.scatter.add.bf16 [tilespmem:s28], [sflag:$0x2], $0x8, s15, s25, $0xb8;
	[tilespmem:$0x1F9C0] =	vst v63  }
0x22: {  	_ =	swait.ge [sflag:s10], $0x400  }
0x23: {  	[sflag:s10] =	ssyncset.done $0x0  }
0x24: {  	[sflag:s10] =	ssyncadd.s32 $0xFFFFFC00  }
0x25: {  	[spmem:s2] =	stream.indirect.scatter.add.bf16 [tilespmem:s30], [sflag:$0x3], $0x8, s16, s25, $0xb8;
	[tilespmem:$0x1F9C0] =	vst v63  }
0x26: {  	_ =	swait.ge [sflag:s11], $0x400  }
0x27: {  	[sflag:s11] =	ssyncset.done $0x0  }
0x28: {  	[sflag:s11] =	ssyncadd.s32 $0xFFFFFC00  }
0x29: {  	[spmem:s2] =	stream.indirect.scatter.add.bf16 [tilespmem:s0], [sflag:$0x4], $0x8, s18, s25, $0xb8;
	[tilespmem:$0x1F9C0] =	vst v63  }
0x2a: {  	_ =	swait.ge [sflag:s3], $0x400  }
0x2b: {  	[sflag:s3] =	ssyncset.done $0x0  }
0x2c: {  	[sflag:s3] =	ssyncadd.s32 $0xFFFFFC00  }
0x2d: {  	_ =	swait.ge [sflag:s23], $0x400  }
0x2e: {  	[sflag:s23] =	ssyncset.done $0x0  }
0x2f: {  	[sflag:s23] =	ssyncadd.s32 $0xFFFFFC00  }
0x30: {  	_ =	swait.ge [sflag:s10], $0x400  }
0x31: {  	[sflag:s10] =	ssyncset.done $0x0  }
0x32: {  	[sflag:s10] =	ssyncadd.s32 $0xFFFFFC00  }
0x33: {  	_ =	swait.ge [sflag:s11], $0x400  }
0x34: {  	[sflag:s11] =	ssyncset.done $0x0  }
0x35: {  	[sflag:s11] =	ssyncadd.s32 $0xFFFFFC00  }
0x36: {  	[bflag:$0x0] =	sbarrier.arrive $0xFFFF  }
0x37: {  	s4 =	rddreg [dreg:$0xc]  }
0x38: {  	[hbm:s4], [sflag:s24] =	dma.local @p1 [spmem:s1], $0xC08  }
0x39: {  	s1 =	simm.s32 @p1 $0x5  }
0x3a: {  	_ =	swait.ge @p1 [sflag:s1], $0xC08  }
0x3b: {  	[sflag:s1] =	ssyncset.done @p1 $0x0  }
0x3c: {  	[sflag:s1] =	ssyncadd.s32 @p1 $0xFFFFF3F8;
	s1 =	rddreg [dreg:$0xb]  }
0x3d: {  	[hbm:s1], [sflag:s24] =	dma.local @!p1 [spmem:s20], $0xC38  }
0x3e: {  	s1 =	simm.s32 @!p1 $0x5  }
0x3f: {  	_ =	swait.ge @!p1 [sflag:s1], $0xC38  }
0x40: {  	[sflag:s1] =	ssyncset.done @!p1 $0x0  }
0x41: {  	[sflag:s1] =	ssyncadd.s32 @!p1 $0xFFFFF3C8  }
.LBB2_15:
0x42: {  	s19 =	sadd.s32 $0x1, s19  }
0x43: {  	p2 =	sne.s32 s19, s21  }
.Ltmp1:
0x44: {  	_ = 	snop;
	(pc) =	sbr.rel @!p2 .LBB2_16-.Ltmp1, $2  }
0x45: {  	_ =	sdelay $0x1  }
0x46: {  	[bflag:$0x0] =	sbarrier.arrive $0xFFFF;
	_ =	sdelay $0x1  }
.LBB2_1:
0x47: {  	s1 =	simm.s32 $0x0;
	s4 =	rddreg [dreg:$0x7]  }
0x48: {  	[tilespmem:s1], [sflag:$0x5] =	stream.linear.gather [hbm4b:s4+s1], $0xC400, $0x38;
	[tilespmem:$0x1F9C0] =	vst v63  }
0x49: {  	_ =	swait.ge [sflag:s22], $0xC400  }
0x4a: {  	[sflag:s22] =	ssyncset.done $0x0  }
0x4b: {  	s9 =	simm.s32 $0xC400;
	s20 =	rddreg [dreg:$0x4];
	[sflag:s22] =	ssyncadd.s32 $0xFFFF3C00  }
0x4c: {  	[tilespmem:s9], [sflag:$0x5] =	stream.linear.gather [hbm4b:s20+s1], $0xC400, $0x38;
	[tilespmem:$0x1F9C0] =	vst v63  }
0x4d: {  	_ =	swait.ge [sflag:s22], $0xC400  }
0x4e: {  	[sflag:s22] =	ssyncset.done $0x0  }
0x4f: {  	s4 =	sshrl.u32 s17, $0x3;
	[sflag:s22] =	ssyncadd.s32 $0xFFFF3C00  }
0x50: {  	[spmem:s4], [sflag:s24] =	dma.local [hbm:s13], $0xC38  }
0x51: {  	_ =	swait.ge [sflag:s22], $0xC38  }
.Ltmp2:
0x52: {  	[sflag:s22] =	ssyncset.done $0x0;
	(pc) =	sbr.rel @p0 .LBB2_5-.Ltmp2, $4  }
0x53: {  	[sflag:s22] =	ssyncadd.s32 $0xFFFFF3C8  }
0x54: {  	[bflag:$0x0] =	sbarrier.arrive $0xFFFF  }
0x55: {  	s29 =	smov.u32 s13;
	s1 =	rddreg [dreg:$0x8]  }
0x56: {  	s20 =	sshrl.u32 @!p1 s17, $0x3;
	s9 =	simm.s32 $0x0;
	s1 =	sshrl.u32 @p1 s1, $0x3  }
0x57: {  	[tilespmem:s26], [sflag:$0x1] =	stream.indirect.gather [hbm4b:s5+s25], $0x8, s9, s25, $0xb8;
	[tilespmem:$0x1F9C0] =	vst v63  }
0x58: {  	_ = 	snop  }
0x59: {  	[tilespmem:s28], [sflag:$0x2] =	stream.indirect.gather [hbm4b:s5+s25], $0x8, s25, s25, $0xb8;
	[tilespmem:$0x1F9C0] =	vst v63  }
0x5a: {  	s12 =	simm.s32 $0x100  }
0x5b: {  	[tilespmem:s30], [sflag:$0x3] =	stream.indirect.gather [hbm4b:s5+s25], $0x8, s12, s25, $0xb8;
	[tilespmem:$0x1F9C0] =	vst v63  }
0x5c: {  	_ = 	snop  }
0x5d: {  	[tilespmem:s0], [sflag:$0x4] =	stream.indirect.gather [hbm4b:s5+s25], $0x8, s31, s25, $0xb8;
	[tilespmem:$0x1F9C0] =	vst v63  }
0x5e: {  	_ =	swait.ge [sflag:s3], $0x400  }
0x5f: {  	[sflag:s3] =	ssyncset.done $0x0  }
0x60: {  	s13 =	simm.s32 $0xC400;
	[sflag:s3] =	ssyncadd.s32 $0xFFFFFC00  }
0x61: {  	[spmem:s2] =	stream.indirect.scatter.add.bf16 [tilespmem:s26], [sflag:$0x1], $0x8, s13, s25, $0xb8;
	[tilespmem:$0x1F9C0] =	vst v63  }
0x62: {  	_ =	swait.ge [sflag:s23], $0x400  }
0x63: {  	[sflag:s23] =	ssyncset.done $0x0  }
0x64: {  	s12 =	simm.s32 $0xC480;
	[sflag:s23] =	ssyncadd.s32 $0xFFFFFC00  }
0x65: {  	[spmem:s2] =	stream.indirect.scatter.add.bf16 [tilespmem:s28], [sflag:$0x2], $0x8, s12, s25, $0xb8;
	[tilespmem:$0x1F9C0] =	vst v63  }
0x66: {  	_ =	swait.ge [sflag:s10], $0x400  }
0x67: {  	[sflag:s10] =	ssyncset.done $0x0  }
0x68: {  	s13 =	simm.s32 $0xC500;
	[sflag:s10] =	ssyncadd.s32 $0xFFFFFC00  }
0x69: {  	[spmem:s2] =	stream.indirect.scatter.add.bf16 [tilespmem:s30], [sflag:$0x3], $0x8, s13, s25, $0xb8;
	[tilespmem:$0x1F9C0] =	vst v63  }
0x6a: {  	_ =	swait.ge [sflag:s11], $0x400  }
0x6b: {  	[sflag:s11] =	ssyncset.done $0x0  }
0x6c: {  	s12 =	simm.s32 $0xC580;
	[sflag:s11] =	ssyncadd.s32 $0xFFFFFC00  }
0x6d: {  	[spmem:s2] =	stream.indirect.scatter.add.bf16 [tilespmem:s0], [sflag:$0x4], $0x8, s12, s25, $0xb8;
	[tilespmem:$0x1F9C0] =	vst v63  }
0x6e: {  	_ =	swait.ge [sflag:s3], $0x400  }
0x6f: {  	[sflag:s3] =	ssyncset.done $0x0  }
0x70: {  	s13 =	simm.s32 $0x200;
	[sflag:s3] =	ssyncadd.s32 $0xFFFFFC00  }
0x71: {  	[tilespmem:s26], [sflag:$0x1] =	stream.indirect.gather [hbm4b:s5+s25], $0x8, s13, s25, $0xb8;
	[tilespmem:$0x1F9C0] =	vst v63  }
0x72: {  	_ =	swait.ge [sflag:s23], $0x400  }
0x73: {  	[sflag:s23] =	ssyncset.done $0x0  }
0x74: {  	s12 =	simm.s32 $0x280;
	[sflag:s23] =	ssyncadd.s32 $0xFFFFFC00  }
0x75: {  	[tilespmem:s28], [sflag:$0x2] =	stream.indirect.gather [hbm4b:s5+s25], $0x8, s12, s25, $0xb8;
	[tilespmem:$0x1F9C0] =	vst v63  }
0x76: {  	_ =	swait.ge [sflag:s10], $0x400  }
0x77: {  	[sflag:s10] =	ssyncset.done $0x0  }
0x78: {  	s13 =	simm.s32 $0x300;
	[sflag:s10] =	ssyncadd.s32 $0xFFFFFC00  }
0x79: {  	[tilespmem:s30], [sflag:$0x3] =	stream.indirect.gather [hbm4b:s5+s25], $0x8, s13, s25, $0xb8;
	[tilespmem:$0x1F9C0] =	vst v63  }
0x7a: {  	_ =	swait.ge [sflag:s11], $0x400  }
0x7b: {  	[sflag:s11] =	ssyncset.done $0x0  }
0x7c: {  	s9 =	simm.s32 $0x800;
	s12 =	simm.s32 $0x380;
	[sflag:s11] =	ssyncadd.s32 $0xFFFFFC00  }
.LBB2_3:
0x7d: {  	[tilespmem:s0], [sflag:$0x4] =	stream.indirect.gather [hbm4b:s5+s25], $0x8, s12, s25, $0xb8;
	[tilespmem:$0x1F9C0] =	vst v63  }
0x7e: {  	s12 =	smov.u32 s9  }
0x7f: {  	p2 =	sne.s32 s9, $0x30000;
	s9 =	sadd.s32 $0x800, s9;
	_ =	swait.ge [sflag:s3], $0x400  }
0x80: {  	s12 =	sshra.s32 s12, $0x2;
	[sflag:s3] =	ssyncset.done $0x0  }
0x81: {  	s13 =	sadd.s32 $0xC400, s12;
	[sflag:s3] =	ssyncadd.s32 $0xFFFFFC00  }
0x82: {  	[spmem:s2] =	stream.indirect.scatter.add.bf16 [tilespmem:s26], [sflag:$0x1], $0x8, s13, s25, $0xb8;
	[tilespmem:$0x1F9C0] =	vst v63  }
0x83: {  	_ =	swait.ge [sflag:s23], $0x400  }
0x84: {  	[sflag:s23] =	ssyncset.done $0x0  }
0x85: {  	s13 =	sadd.s32 $0xC480, s12;
	[sflag:s23] =	ssyncadd.s32 $0xFFFFFC00  }
0x86: {  	[spmem:s2] =	stream.indirect.scatter.add.bf16 [tilespmem:s28], [sflag:$0x2], $0x8, s13, s25, $0xb8;
	[tilespmem:$0x1F9C0] =	vst v63  }
0x87: {  	_ =	swait.ge [sflag:s10], $0x400  }
0x88: {  	[sflag:s10] =	ssyncset.done $0x0  }
0x89: {  	s13 =	sadd.s32 $0xC500, s12;
	[sflag:s10] =	ssyncadd.s32 $0xFFFFFC00  }
0x8a: {  	[spmem:s2] =	stream.indirect.scatter.add.bf16 [tilespmem:s30], [sflag:$0x3], $0x8, s13, s25, $0xb8;
	[tilespmem:$0x1F9C0] =	vst v63  }
0x8b: {  	_ =	swait.ge [sflag:s11], $0x400  }
0x8c: {  	[sflag:s11] =	ssyncset.done $0x0  }
0x8d: {  	s13 =	sadd.s32 $0xC580, s12;
	[sflag:s11] =	ssyncadd.s32 $0xFFFFFC00  }
0x8e: {  	[spmem:s2] =	stream.indirect.scatter.add.bf16 [tilespmem:s0], [sflag:$0x4], $0x8, s13, s25, $0xb8;
	[tilespmem:$0x1F9C0] =	vst v63  }
0x8f: {  	_ =	swait.ge [sflag:s3], $0x400  }
0x90: {  	[sflag:s3] =	ssyncset.done $0x0  }
0x91: {  	s13 =	sadd.s32 $0x200, s12;
	[sflag:s3] =	ssyncadd.s32 $0xFFFFFC00  }
0x92: {  	[tilespmem:s26], [sflag:$0x1] =	stream.indirect.gather [hbm4b:s5+s25], $0x8, s13, s25, $0xb8;
	[tilespmem:$0x1F9C0] =	vst v63  }
0x93: {  	_ =	swait.ge [sflag:s23], $0x400  }
0x94: {  	[sflag:s23] =	ssyncset.done $0x0  }
0x95: {  	s13 =	sadd.s32 $0x280, s12;
	[sflag:s23] =	ssyncadd.s32 $0xFFFFFC00  }
0x96: {  	[tilespmem:s28], [sflag:$0x2] =	stream.indirect.gather [hbm4b:s5+s25], $0x8, s13, s25, $0xb8;
	[tilespmem:$0x1F9C0] =	vst v63  }
0x97: {  	_ =	swait.ge [sflag:s10], $0x400  }
0x98: {  	[sflag:s10] =	ssyncset.done $0x0  }
.Ltmp3:
0x99: {  	s13 =	sadd.s32 $0x300, s12;
	[sflag:s10] =	ssyncadd.s32 $0xFFFFFC00;
	(pc) =	sbr.rel @p2 .LBB2_3-.Ltmp3, $4  }
0x9a: {  	[tilespmem:s30], [sflag:$0x3] =	stream.indirect.gather [hbm4b:s5+s25], $0x8, s13, s25, $0xb8;
	[tilespmem:$0x1F9C0] =	vst v63  }
0x9b: {  	_ =	swait.ge [sflag:s11], $0x400  }
0x9c: {  	[sflag:s11] =	ssyncset.done $0x0  }
0x9d: {  	s12 =	sadd.s32 $0x380, s12;
	[sflag:s11] =	ssyncadd.s32 $0xFFFFFC00  }
0x9e: {  	[tilespmem:s0], [sflag:$0x4] =	stream.indirect.gather [hbm4b:s5+s25], $0x8, s12, s25, $0xb8;
	[tilespmem:$0x1F9C0] =	vst v63  }
0x9f: {  	_ =	swait.ge [sflag:s3], $0x400  }
0xa0: {  	[sflag:s3] =	ssyncset.done $0x0  }
0xa1: {  	[sflag:s3] =	ssyncadd.s32 $0xFFFFFC00  }
0xa2: {  	[spmem:s2] =	stream.indirect.scatter.add.bf16 [tilespmem:s26], [sflag:$0x1], $0x8, s14, s25, $0xb8;
	[tilespmem:$0x1F9C0] =	vst v63  }
0xa3: {  	_ =	swait.ge [sflag:s23], $0x400  }
0xa4: {  	[sflag:s23] =	ssyncset.done $0x0  }
0xa5: {  	[sflag:s23] =	ssyncadd.s32 $0xFFFFFC00  }
0xa6: {  	[spmem:s2] =	stream.indirect.scatter.add.bf16 [tilespmem:s28], [sflag:$0x2], $0x8, s15, s25, $0xb8;
	[tilespmem:$0x1F9C0] =	vst v63  }
0xa7: {  	_ =	swait.ge [sflag:s10], $0x400  }
0xa8: {  	[sflag:s10] =	ssyncset.done $0x0  }
0xa9: {  	[sflag:s10] =	ssyncadd.s32 $0xFFFFFC00  }
0xaa: {  	[spmem:s2] =	stream.indirect.scatter.add.bf16 [tilespmem:s30], [sflag:$0x3], $0x8, s16, s25, $0xb8;
	[tilespmem:$0x1F9C0] =	vst v63  }
0xab: {  	_ =	swait.ge [sflag:s11], $0x400  }
0xac: {  	[sflag:s11] =	ssyncset.done $0x0  }
0xad: {  	[sflag:s11] =	ssyncadd.s32 $0xFFFFFC00  }
0xae: {  	[spmem:s2] =	stream.indirect.scatter.add.bf16 [tilespmem:s0], [sflag:$0x4], $0x8, s18, s25, $0xb8;
	[tilespmem:$0x1F9C0] =	vst v63  }
0xaf: {  	_ =	swait.ge [sflag:s3], $0x400  }
0xb0: {  	[sflag:s3] =	ssyncset.done $0x0  }
0xb1: {  	[sflag:s3] =	ssyncadd.s32 $0xFFFFFC00  }
0xb2: {  	_ =	swait.ge [sflag:s23], $0x400  }
0xb3: {  	[sflag:s23] =	ssyncset.done $0x0  }
0xb4: {  	[sflag:s23] =	ssyncadd.s32 $0xFFFFFC00  }
0xb5: {  	_ =	swait.ge [sflag:s10], $0x400  }
0xb6: {  	[sflag:s10] =	ssyncset.done $0x0  }
0xb7: {  	[sflag:s10] =	ssyncadd.s32 $0xFFFFFC00  }
0xb8: {  	_ =	swait.ge [sflag:s11], $0x400  }
0xb9: {  	[sflag:s11] =	ssyncset.done $0x0  }
0xba: {  	[sflag:s11] =	ssyncadd.s32 $0xFFFFFC00  }
0xbb: {  	[bflag:$0x0] =	sbarrier.arrive $0xFFFF  }
0xbc: {  	s9 =	rddreg [dreg:$0xa]  }
0xbd: {  	[hbm:s9], [sflag:s24] =	dma.local @p1 [spmem:s1], $0xC08  }
0xbe: {  	s9 =	simm.s32 @p1 $0x5  }
0xbf: {  	_ =	swait.ge @p1 [sflag:s9], $0xC08  }
0xc0: {  	[sflag:s9] =	ssyncset.done @p1 $0x0  }
0xc1: {  	[sflag:s9] =	ssyncadd.s32 @p1 $0xFFFFF3F8;
	s9 =	rddreg [dreg:$0x9]  }
0xc2: {  	[hbm:s9], [sflag:s24] =	dma.local @!p1 [spmem:s20], $0xC38  }
.Ltmp4:
0xc3: {  	_ = 	snop;
	(pc) =	sbr.rel .LBB2_8-.Ltmp4, $4  }
0xc4: {  	s9 =	simm.s32 @!p1 $0x5  }
0xc5: {  	_ =	swait.ge @!p1 [sflag:s9], $0xC38  }
0xc6: {  	[sflag:s9] =	ssyncset.done @!p1 $0x0  }
0xc7: {  	[sflag:s9] =	ssyncadd.s32 @!p1 $0xFFFFF3C8  }
.LBB2_5:
0xc8: {  	[tilespmem:s26], [sflag:$0x1] =	stream.indirect.gather [hbm4b:s6+s25], $0x8, s9, s25, $0xb8;
	[tilespmem:$0x1F9C0] =	vst v63  }
0xc9: {  	_ = 	snop  }
0xca: {  	[tilespmem:s28], [sflag:$0x2] =	stream.indirect.gather [hbm4b:s6+s25], $0x8, s25, s25, $0xb8;
	[tilespmem:$0x1F9C0] =	vst v63  }
0xcb: {  	s12 =	simm.s32 $0x100  }
0xcc: {  	[tilespmem:s30], [sflag:$0x3] =	stream.indirect.gather [hbm4b:s6+s25], $0x8, s12, s25, $0xb8;
	[tilespmem:$0x1F9C0] =	vst v63  }
0xcd: {  	_ = 	snop  }
0xce: {  	[tilespmem:s0], [sflag:$0x4] =	stream.indirect.gather [hbm4b:s6+s25], $0x8, s31, s25, $0xb8;
	[tilespmem:$0x1F9C0] =	vst v63  }
0xcf: {  	_ =	swait.ge [sflag:s3], $0x400  }
0xd0: {  	[sflag:s3] =	ssyncset.done $0x0  }
0xd1: {  	s13 =	simm.s32 $0xC400;
	[sflag:s3] =	ssyncadd.s32 $0xFFFFFC00  }
0xd2: {  	[spmem:s2] =	stream.indirect.scatter.add.bf16 [tilespmem:s26], [sflag:$0x1], $0x8, s13, s25, $0xb8;
	[tilespmem:$0x1F9C0] =	vst v63  }
0xd3: {  	_ =	swait.ge [sflag:s23], $0x400  }
0xd4: {  	[sflag:s23] =	ssyncset.done $0x0  }
0xd5: {  	s12 =	simm.s32 $0xC480;
	[sflag:s23] =	ssyncadd.s32 $0xFFFFFC00  }
0xd6: {  	[spmem:s2] =	stream.indirect.scatter.add.bf16 [tilespmem:s28], [sflag:$0x2], $0x8, s12, s25, $0xb8;
	[tilespmem:$0x1F9C0] =	vst v63  }
0xd7: {  	_ =	swait.ge [sflag:s10], $0x400  }
0xd8: {  	[sflag:s10] =	ssyncset.done $0x0  }
0xd9: {  	s13 =	simm.s32 $0xC500;
	[sflag:s10] =	ssyncadd.s32 $0xFFFFFC00  }
0xda: {  	[spmem:s2] =	stream.indirect.scatter.add.bf16 [tilespmem:s30], [sflag:$0x3], $0x8, s13, s25, $0xb8;
	[tilespmem:$0x1F9C0] =	vst v63  }
0xdb: {  	_ =	swait.ge [sflag:s11], $0x400  }
0xdc: {  	[sflag:s11] =	ssyncset.done $0x0  }
0xdd: {  	s12 =	simm.s32 $0xC580;
	[sflag:s11] =	ssyncadd.s32 $0xFFFFFC00  }
0xde: {  	[spmem:s2] =	stream.indirect.scatter.add.bf16 [tilespmem:s0], [sflag:$0x4], $0x8, s12, s25, $0xb8;
	[tilespmem:$0x1F9C0] =	vst v63  }
0xdf: {  	_ =	swait.ge [sflag:s3], $0x400  }
0xe0: {  	[sflag:s3] =	ssyncset.done $0x0  }
0xe1: {  	s13 =	simm.s32 $0x200;
	[sflag:s3] =	ssyncadd.s32 $0xFFFFFC00  }
0xe2: {  	[tilespmem:s26], [sflag:$0x1] =	stream.indirect.gather [hbm4b:s6+s25], $0x8, s13, s25, $0xb8;
	[tilespmem:$0x1F9C0] =	vst v63  }
0xe3: {  	_ =	swait.ge [sflag:s23], $0x400  }
0xe4: {  	[sflag:s23] =	ssyncset.done $0x0  }
0xe5: {  	s12 =	simm.s32 $0x280;
	[sflag:s23] =	ssyncadd.s32 $0xFFFFFC00  }
0xe6: {  	[tilespmem:s28], [sflag:$0x2] =	stream.indirect.gather [hbm4b:s6+s25], $0x8, s12, s25, $0xb8;
	[tilespmem:$0x1F9C0] =	vst v63  }
0xe7: {  	_ =	swait.ge [sflag:s10], $0x400  }
0xe8: {  	[sflag:s10] =	ssyncset.done $0x0  }
0xe9: {  	s13 =	simm.s32 $0x300;
	[sflag:s10] =	ssyncadd.s32 $0xFFFFFC00  }
0xea: {  	[tilespmem:s30], [sflag:$0x3] =	stream.indirect.gather [hbm4b:s6+s25], $0x8, s13, s25, $0xb8;
	[tilespmem:$0x1F9C0] =	vst v63  }
0xeb: {  	_ =	swait.ge [sflag:s11], $0x400  }
0xec: {  	[sflag:s11] =	ssyncset.done $0x0  }
0xed: {  	s9 =	simm.s32 $0x800;
	s12 =	simm.s32 $0x380;
	[sflag:s11] =	ssyncadd.s32 $0xFFFFFC00  }
.LBB2_6:
0xee: {  	[tilespmem:s0], [sflag:$0x4] =	stream.indirect.gather [hbm4b:s6+s25], $0x8, s12, s25, $0xb8;
	[tilespmem:$0x1F9C0] =	vst v63  }
0xef: {  	s12 =	smov.u32 s9  }
0xf0: {  	p2 =	sne.s32 s9, $0x30000;
	s9 =	sadd.s32 $0x800, s9;
	_ =	swait.ge [sflag:s3], $0x400  }
0xf1: {  	s12 =	sshra.s32 s12, $0x2;
	[sflag:s3] =	ssyncset.done $0x0  }
0xf2: {  	s13 =	sadd.s32 $0xC400, s12;
	[sflag:s3] =	ssyncadd.s32 $0xFFFFFC00  }
0xf3: {  	[spmem:s2] =	stream.indirect.scatter.add.bf16 [tilespmem:s26], [sflag:$0x1], $0x8, s13, s25, $0xb8;
	[tilespmem:$0x1F9C0] =	vst v63  }
0xf4: {  	_ =	swait.ge [sflag:s23], $0x400  }
0xf5: {  	[sflag:s23] =	ssyncset.done $0x0  }
0xf6: {  	s13 =	sadd.s32 $0xC480, s12;
	[sflag:s23] =	ssyncadd.s32 $0xFFFFFC00  }
0xf7: {  	[spmem:s2] =	stream.indirect.scatter.add.bf16 [tilespmem:s28], [sflag:$0x2], $0x8, s13, s25, $0xb8;
	[tilespmem:$0x1F9C0] =	vst v63  }
0xf8: {  	_ =	swait.ge [sflag:s10], $0x400  }
0xf9: {  	[sflag:s10] =	ssyncset.done $0x0  }
0xfa: {  	s13 =	sadd.s32 $0xC500, s12;
	[sflag:s10] =	ssyncadd.s32 $0xFFFFFC00  }
0xfb: {  	[spmem:s2] =	stream.indirect.scatter.add.bf16 [tilespmem:s30], [sflag:$0x3], $0x8, s13, s25, $0xb8;
	[tilespmem:$0x1F9C0] =	vst v63  }
0xfc: {  	_ =	swait.ge [sflag:s11], $0x400  }
0xfd: {  	[sflag:s11] =	ssyncset.done $0x0  }
0xfe: {  	s13 =	sadd.s32 $0xC580, s12;
	[sflag:s11] =	ssyncadd.s32 $0xFFFFFC00  }
0xff: {  	[spmem:s2] =	stream.indirect.scatter.add.bf16 [tilespmem:s0], [sflag:$0x4], $0x8, s13, s25, $0xb8;
	[tilespmem:$0x1F9C0] =	vst v63  }
0x100: {  	_ =	swait.ge [sflag:s3], $0x400  }
0x101: {  	[sflag:s3] =	ssyncset.done $0x0  }
0x102: {  	s13 =	sadd.s32 $0x200, s12;
	[sflag:s3] =	ssyncadd.s32 $0xFFFFFC00  }
0x103: {  	[tilespmem:s26], [sflag:$0x1] =	stream.indirect.gather [hbm4b:s6+s25], $0x8, s13, s25, $0xb8;
	[tilespmem:$0x1F9C0] =	vst v63  }
0x104: {  	_ =	swait.ge [sflag:s23], $0x400  }
0x105: {  	[sflag:s23] =	ssyncset.done $0x0  }
0x106: {  	s13 =	sadd.s32 $0x280, s12;
	[sflag:s23] =	ssyncadd.s32 $0xFFFFFC00  }
0x107: {  	[tilespmem:s28], [sflag:$0x2] =	stream.indirect.gather [hbm4b:s6+s25], $0x8, s13, s25, $0xb8;
	[tilespmem:$0x1F9C0] =	vst v63  }
0x108: {  	_ =	swait.ge [sflag:s10], $0x400  }
0x109: {  	[sflag:s10] =	ssyncset.done $0x0  }
.Ltmp5:
0x10a: {  	s13 =	sadd.s32 $0x300, s12;
	[sflag:s10] =	ssyncadd.s32 $0xFFFFFC00;
	(pc) =	sbr.rel @p2 .LBB2_6-.Ltmp5, $4  }
0x10b: {  	[tilespmem:s30], [sflag:$0x3] =	stream.indirect.gather [hbm4b:s6+s25], $0x8, s13, s25, $0xb8;
	[tilespmem:$0x1F9C0] =	vst v63  }
0x10c: {  	_ =	swait.ge [sflag:s11], $0x400  }
0x10d: {  	[sflag:s11] =	ssyncset.done $0x0  }
0x10e: {  	s12 =	sadd.s32 $0x380, s12;
	[sflag:s11] =	ssyncadd.s32 $0xFFFFFC00  }
0x10f: {  	[tilespmem:s0], [sflag:$0x4] =	stream.indirect.gather [hbm4b:s6+s25], $0x8, s12, s25, $0xb8;
	[tilespmem:$0x1F9C0] =	vst v63  }
0x110: {  	_ =	swait.ge [sflag:s3], $0x400  }
0x111: {  	[sflag:s3] =	ssyncset.done $0x0  }
0x112: {  	[sflag:s3] =	ssyncadd.s32 $0xFFFFFC00  }
0x113: {  	[spmem:s2] =	stream.indirect.scatter.add.bf16 [tilespmem:s26], [sflag:$0x1], $0x8, s14, s25, $0xb8;
	[tilespmem:$0x1F9C0] =	vst v63  }
0x114: {  	_ =	swait.ge [sflag:s23], $0x400  }
0x115: {  	[sflag:s23] =	ssyncset.done $0x0  }
0x116: {  	[sflag:s23] =	ssyncadd.s32 $0xFFFFFC00  }
0x117: {  	[spmem:s2] =	stream.indirect.scatter.add.bf16 [tilespmem:s28], [sflag:$0x2], $0x8, s15, s25, $0xb8;
	[tilespmem:$0x1F9C0] =	vst v63  }
0x118: {  	_ =	swait.ge [sflag:s10], $0x400  }
0x119: {  	[sflag:s10] =	ssyncset.done $0x0  }
0x11a: {  	[sflag:s10] =	ssyncadd.s32 $0xFFFFFC00  }
0x11b: {  	[spmem:s2] =	stream.indirect.scatter.add.bf16 [tilespmem:s30], [sflag:$0x3], $0x8, s16, s25, $0xb8;
	[tilespmem:$0x1F9C0] =	vst v63  }
0x11c: {  	_ =	swait.ge [sflag:s11], $0x400  }
0x11d: {  	[sflag:s11] =	ssyncset.done $0x0  }
0x11e: {  	[sflag:s11] =	ssyncadd.s32 $0xFFFFFC00  }
0x11f: {  	[spmem:s2] =	stream.indirect.scatter.add.bf16 [tilespmem:s0], [sflag:$0x4], $0x8, s18, s25, $0xb8;
	[tilespmem:$0x1F9C0] =	vst v63  }
0x120: {  	_ =	swait.ge [sflag:s3], $0x400  }
0x121: {  	[sflag:s3] =	ssyncset.done $0x0  }
0x122: {  	[sflag:s3] =	ssyncadd.s32 $0xFFFFFC00  }
0x123: {  	_ =	swait.ge [sflag:s23], $0x400  }
0x124: {  	[sflag:s23] =	ssyncset.done $0x0  }
0x125: {  	[sflag:s23] =	ssyncadd.s32 $0xFFFFFC00  }
0x126: {  	_ =	swait.ge [sflag:s10], $0x400  }
0x127: {  	[sflag:s10] =	ssyncset.done $0x0  }
0x128: {  	[sflag:s10] =	ssyncadd.s32 $0xFFFFFC00  }
0x129: {  	_ =	swait.ge [sflag:s11], $0x400  }
0x12a: {  	[sflag:s11] =	ssyncset.done $0x0  }
0x12b: {  	[sflag:s11] =	ssyncadd.s32 $0xFFFFFC00  }
0x12c: {  	[bflag:$0x0] =	sbarrier.arrive $0xFFFF  }
0x12d: {  	s9 =	rddreg [dreg:$0x6]  }
0x12e: {  	[hbm:s9], [sflag:s24] =	dma.local @p1 [spmem:s1], $0xC08  }
0x12f: {  	s9 =	simm.s32 @p1 $0x5  }
0x130: {  	_ =	swait.ge @p1 [sflag:s9], $0xC08  }
0x131: {  	[sflag:s9] =	ssyncset.done @p1 $0x0  }
0x132: {  	[sflag:s9] =	ssyncadd.s32 @p1 $0xFFFFF3F8;
	s9 =	rddreg [dreg:$0x5]  }
0x133: {  	[hbm:s9], [sflag:s24] =	dma.local @!p1 [spmem:s20], $0xC38  }
0x134: {  	s9 =	simm.s32 @!p1 $0x5  }
0x135: {  	_ =	swait.ge @!p1 [sflag:s9], $0xC38  }
0x136: {  	[sflag:s9] =	ssyncset.done @!p1 $0x0  }
0x137: {  	[sflag:s9] =	ssyncadd.s32 @!p1 $0xFFFFF3C8  }
.LBB2_8:
0x138: {  	[bflag:$0x0] =	sbarrier.arrive $0xFFFF  }
0x139: {  	[spmem:s4], [sflag:s24] =	dma.local [hbm:s29], $0xC38  }
.Ltmp6:
0x13a: {  	_ =	swait.ge [sflag:s22], $0xC38;
	(pc) =	sbr.rel @p0 .LBB2_12-.Ltmp6, $4  }
0x13b: {  	[sflag:s22] =	ssyncset.done $0x0  }
0x13c: {  	[sflag:s22] =	ssyncadd.s32 $0xFFFFF3C8  }
0x13d: {  	[bflag:$0x0] =	sbarrier.arrive $0xFFFF  }
0x13e: {  	s13 =	smov.u32 s29;
	s4 =	simm.s32 $0x0  }
0x13f: {  	[tilespmem:s26], [sflag:$0x1] =	stream.indirect.gather [hbm4b:s7+s25], $0x8, s4, s25, $0xb8;
	[tilespmem:$0x1F9C0] =	vst v63  }
0x140: {  	_ = 	snop  }
0x141: {  	[tilespmem:s28], [sflag:$0x2] =	stream.indirect.gather [hbm4b:s7+s25], $0x8, s25, s25, $0xb8;
	[tilespmem:$0x1F9C0] =	vst v63  }
0x142: {  	s12 =	simm.s32 $0x100  }
0x143: {  	[tilespmem:s30], [sflag:$0x3] =	stream.indirect.gather [hbm4b:s7+s25], $0x8, s12, s25, $0xb8;
	[tilespmem:$0x1F9C0] =	vst v63  }
0x144: {  	_ = 	snop  }
0x145: {  	[tilespmem:s0], [sflag:$0x4] =	stream.indirect.gather [hbm4b:s7+s25], $0x8, s31, s25, $0xb8;
	[tilespmem:$0x1F9C0] =	vst v63  }
0x146: {  	_ =	swait.ge [sflag:s3], $0x400  }
0x147: {  	[sflag:s3] =	ssyncset.done $0x0  }
0x148: {  	s29 =	simm.s32 $0xC400;
	[sflag:s3] =	ssyncadd.s32 $0xFFFFFC00  }
0x149: {  	[spmem:s2] =	stream.indirect.scatter.add.bf16 [tilespmem:s26], [sflag:$0x1], $0x8, s29, s25, $0xb8;
	[tilespmem:$0x1F9C0] =	vst v63  }
0x14a: {  	_ =	swait.ge [sflag:s23], $0x400  }
0x14b: {  	[sflag:s23] =	ssyncset.done $0x0  }
0x14c: {  	s9 =	simm.s32 $0xC480;
	[sflag:s23] =	ssyncadd.s32 $0xFFFFFC00  }
0x14d: {  	[spmem:s2] =	stream.indirect.scatter.add.bf16 [tilespmem:s28], [sflag:$0x2], $0x8, s9, s25, $0xb8;
	[tilespmem:$0x1F9C0] =	vst v63  }
0x14e: {  	_ =	swait.ge [sflag:s10], $0x400  }
0x14f: {  	[sflag:s10] =	ssyncset.done $0x0  }
0x150: {  	s12 =	simm.s32 $0xC500;
	[sflag:s10] =	ssyncadd.s32 $0xFFFFFC00  }
0x151: {  	[spmem:s2] =	stream.indirect.scatter.add.bf16 [tilespmem:s30], [sflag:$0x3], $0x8, s12, s25, $0xb8;
	[tilespmem:$0x1F9C0] =	vst v63  }
0x152: {  	_ =	swait.ge [sflag:s11], $0x400  }
0x153: {  	[sflag:s11] =	ssyncset.done $0x0  }
0x154: {  	s29 =	simm.s32 $0xC580;
	[sflag:s11] =	ssyncadd.s32 $0xFFFFFC00  }
0x155: {  	[spmem:s2] =	stream.indirect.scatter.add.bf16 [tilespmem:s0], [sflag:$0x4], $0x8, s29, s25, $0xb8;
	[tilespmem:$0x1F9C0] =	vst v63  }
0x156: {  	_ =	swait.ge [sflag:s3], $0x400  }
0x157: {  	[sflag:s3] =	ssyncset.done $0x0  }
0x158: {  	s9 =	simm.s32 $0x200;
	[sflag:s3] =	ssyncadd.s32 $0xFFFFFC00  }
0x159: {  	[tilespmem:s26], [sflag:$0x1] =	stream.indirect.gather [hbm4b:s7+s25], $0x8, s9, s25, $0xb8;
	[tilespmem:$0x1F9C0] =	vst v63  }
0x15a: {  	_ =	swait.ge [sflag:s23], $0x400  }
0x15b: {  	[sflag:s23] =	ssyncset.done $0x0  }
0x15c: {  	s12 =	simm.s32 $0x280;
	[sflag:s23] =	ssyncadd.s32 $0xFFFFFC00  }
0x15d: {  	[tilespmem:s28], [sflag:$0x2] =	stream.indirect.gather [hbm4b:s7+s25], $0x8, s12, s25, $0xb8;
	[tilespmem:$0x1F9C0] =	vst v63  }
0x15e: {  	_ =	swait.ge [sflag:s10], $0x400  }
0x15f: {  	[sflag:s10] =	ssyncset.done $0x0  }
0x160: {  	s29 =	simm.s32 $0x300;
	[sflag:s10] =	ssyncadd.s32 $0xFFFFFC00  }
0x161: {  	[tilespmem:s30], [sflag:$0x3] =	stream.indirect.gather [hbm4b:s7+s25], $0x8, s29, s25, $0xb8;
	[tilespmem:$0x1F9C0] =	vst v63  }
0x162: {  	_ =	swait.ge [sflag:s11], $0x400  }
0x163: {  	[sflag:s11] =	ssyncset.done $0x0  }
0x164: {  	s4 =	simm.s32 $0x800;
	s9 =	simm.s32 $0x380;
	[sflag:s11] =	ssyncadd.s32 $0xFFFFFC00  }
.LBB2_10:
0x165: {  	[tilespmem:s0], [sflag:$0x4] =	stream.indirect.gather [hbm4b:s7+s25], $0x8, s9, s25, $0xb8;
	[tilespmem:$0x1F9C0] =	vst v63  }
0x166: {  	s9 =	smov.u32 s4  }
0x167: {  	p2 =	sne.s32 s4, $0x30000;
	s4 =	sadd.s32 $0x800, s4;
	_ =	swait.ge [sflag:s3], $0x400  }
0x168: {  	s9 =	sshra.s32 s9, $0x2;
	[sflag:s3] =	ssyncset.done $0x0  }
0x169: {  	s12 =	sadd.s32 $0xC400, s9;
	[sflag:s3] =	ssyncadd.s32 $0xFFFFFC00  }
0x16a: {  	[spmem:s2] =	stream.indirect.scatter.add.bf16 [tilespmem:s26], [sflag:$0x1], $0x8, s12, s25, $0xb8;
	[tilespmem:$0x1F9C0] =	vst v63  }
0x16b: {  	_ =	swait.ge [sflag:s23], $0x400  }
0x16c: {  	[sflag:s23] =	ssyncset.done $0x0  }
0x16d: {  	s12 =	sadd.s32 $0xC480, s9;
	[sflag:s23] =	ssyncadd.s32 $0xFFFFFC00  }
0x16e: {  	[spmem:s2] =	stream.indirect.scatter.add.bf16 [tilespmem:s28], [sflag:$0x2], $0x8, s12, s25, $0xb8;
	[tilespmem:$0x1F9C0] =	vst v63  }
0x16f: {  	_ =	swait.ge [sflag:s10], $0x400  }
0x170: {  	[sflag:s10] =	ssyncset.done $0x0  }
0x171: {  	s12 =	sadd.s32 $0xC500, s9;
	[sflag:s10] =	ssyncadd.s32 $0xFFFFFC00  }
0x172: {  	[spmem:s2] =	stream.indirect.scatter.add.bf16 [tilespmem:s30], [sflag:$0x3], $0x8, s12, s25, $0xb8;
	[tilespmem:$0x1F9C0] =	vst v63  }
0x173: {  	_ =	swait.ge [sflag:s11], $0x400  }
0x174: {  	[sflag:s11] =	ssyncset.done $0x0  }
0x175: {  	s12 =	sadd.s32 $0xC580, s9;
	[sflag:s11] =	ssyncadd.s32 $0xFFFFFC00  }
0x176: {  	[spmem:s2] =	stream.indirect.scatter.add.bf16 [tilespmem:s0], [sflag:$0x4], $0x8, s12, s25, $0xb8;
	[tilespmem:$0x1F9C0] =	vst v63  }
0x177: {  	_ =	swait.ge [sflag:s3], $0x400  }
0x178: {  	[sflag:s3] =	ssyncset.done $0x0  }
0x179: {  	s12 =	sadd.s32 $0x200, s9;
	[sflag:s3] =	ssyncadd.s32 $0xFFFFFC00  }
0x17a: {  	[tilespmem:s26], [sflag:$0x1] =	stream.indirect.gather [hbm4b:s7+s25], $0x8, s12, s25, $0xb8;
	[tilespmem:$0x1F9C0] =	vst v63  }
0x17b: {  	_ =	swait.ge [sflag:s23], $0x400  }
0x17c: {  	[sflag:s23] =	ssyncset.done $0x0  }
0x17d: {  	s12 =	sadd.s32 $0x280, s9;
	[sflag:s23] =	ssyncadd.s32 $0xFFFFFC00  }
0x17e: {  	[tilespmem:s28], [sflag:$0x2] =	stream.indirect.gather [hbm4b:s7+s25], $0x8, s12, s25, $0xb8;
	[tilespmem:$0x1F9C0] =	vst v63  }
0x17f: {  	_ =	swait.ge [sflag:s10], $0x400  }
0x180: {  	[sflag:s10] =	ssyncset.done $0x0  }
.Ltmp7:
0x181: {  	s12 =	sadd.s32 $0x300, s9;
	[sflag:s10] =	ssyncadd.s32 $0xFFFFFC00;
	(pc) =	sbr.rel @p2 .LBB2_10-.Ltmp7, $4  }
0x182: {  	[tilespmem:s30], [sflag:$0x3] =	stream.indirect.gather [hbm4b:s7+s25], $0x8, s12, s25, $0xb8;
	[tilespmem:$0x1F9C0] =	vst v63  }
0x183: {  	_ =	swait.ge [sflag:s11], $0x400  }
0x184: {  	[sflag:s11] =	ssyncset.done $0x0  }
0x185: {  	s9 =	sadd.s32 $0x380, s9;
	[sflag:s11] =	ssyncadd.s32 $0xFFFFFC00  }
0x186: {  	[tilespmem:s0], [sflag:$0x4] =	stream.indirect.gather [hbm4b:s7+s25], $0x8, s9, s25, $0xb8;
	[tilespmem:$0x1F9C0] =	vst v63  }
0x187: {  	_ =	swait.ge [sflag:s3], $0x400  }
0x188: {  	[sflag:s3] =	ssyncset.done $0x0  }
0x189: {  	[sflag:s3] =	ssyncadd.s32 $0xFFFFFC00  }
0x18a: {  	[spmem:s2] =	stream.indirect.scatter.add.bf16 [tilespmem:s26], [sflag:$0x1], $0x8, s14, s25, $0xb8;
	[tilespmem:$0x1F9C0] =	vst v63  }
0x18b: {  	_ =	swait.ge [sflag:s23], $0x400  }
0x18c: {  	[sflag:s23] =	ssyncset.done $0x0  }
0x18d: {  	[sflag:s23] =	ssyncadd.s32 $0xFFFFFC00  }
0x18e: {  	[spmem:s2] =	stream.indirect.scatter.add.bf16 [tilespmem:s28], [sflag:$0x2], $0x8, s15, s25, $0xb8;
	[tilespmem:$0x1F9C0] =	vst v63  }
0x18f: {  	_ =	swait.ge [sflag:s10], $0x400  }
0x190: {  	[sflag:s10] =	ssyncset.done $0x0  }
0x191: {  	[sflag:s10] =	ssyncadd.s32 $0xFFFFFC00  }
0x192: {  	[spmem:s2] =	stream.indirect.scatter.add.bf16 [tilespmem:s30], [sflag:$0x3], $0x8, s16, s25, $0xb8;
	[tilespmem:$0x1F9C0] =	vst v63  }
0x193: {  	_ =	swait.ge [sflag:s11], $0x400  }
0x194: {  	[sflag:s11] =	ssyncset.done $0x0  }
0x195: {  	[sflag:s11] =	ssyncadd.s32 $0xFFFFFC00  }
0x196: {  	[spmem:s2] =	stream.indirect.scatter.add.bf16 [tilespmem:s0], [sflag:$0x4], $0x8, s18, s25, $0xb8;
	[tilespmem:$0x1F9C0] =	vst v63  }
0x197: {  	_ =	swait.ge [sflag:s3], $0x400  }
0x198: {  	[sflag:s3] =	ssyncset.done $0x0  }
0x199: {  	[sflag:s3] =	ssyncadd.s32 $0xFFFFFC00  }
0x19a: {  	_ =	swait.ge [sflag:s23], $0x400  }
0x19b: {  	[sflag:s23] =	ssyncset.done $0x0  }
0x19c: {  	[sflag:s23] =	ssyncadd.s32 $0xFFFFFC00  }
0x19d: {  	_ =	swait.ge [sflag:s10], $0x400  }
0x19e: {  	[sflag:s10] =	ssyncset.done $0x0  }
0x19f: {  	[sflag:s10] =	ssyncadd.s32 $0xFFFFFC00  }
0x1a0: {  	_ =	swait.ge [sflag:s11], $0x400  }
0x1a1: {  	[sflag:s11] =	ssyncset.done $0x0  }
0x1a2: {  	[sflag:s11] =	ssyncadd.s32 $0xFFFFFC00  }
0x1a3: {  	[bflag:$0x0] =	sbarrier.arrive $0xFFFF  }
0x1a4: {  	s4 =	rddreg [dreg:$0xe]  }
0x1a5: {  	[hbm:s4], [sflag:s24] =	dma.local @p1 [spmem:s1], $0xC08  }
0x1a6: {  	s1 =	simm.s32 @p1 $0x5  }
0x1a7: {  	_ =	swait.ge @p1 [sflag:s1], $0xC08  }
0x1a8: {  	[sflag:s1] =	ssyncset.done @p1 $0x0  }
0x1a9: {  	[sflag:s1] =	ssyncadd.s32 @p1 $0xFFFFF3F8;
	s1 =	rddreg [dreg:$0xd]  }
0x1aa: {  	[hbm:s1], [sflag:s24] =	dma.local @!p1 [spmem:s20], $0xC38  }
.Ltmp8:
0x1ab: {  	_ = 	snop;
	(pc) =	sbr.rel .LBB2_15-.Ltmp8, $4  }
0x1ac: {  	s1 =	simm.s32 @!p1 $0x5  }
0x1ad: {  	_ =	swait.ge @!p1 [sflag:s1], $0xC38  }
0x1ae: {  	[sflag:s1] =	ssyncset.done @!p1 $0x0  }
0x1af: {  	[sflag:s1] =	ssyncadd.s32 @!p1 $0xFFFFF3C8  }
.LBB2_12:
0x1b0: {  	[tilespmem:s26], [sflag:$0x1] =	stream.indirect.gather [hbm4b:s8+s25], $0x8, s4, s25, $0xb8;
	[tilespmem:$0x1F9C0] =	vst v63  }
0x1b1: {  	_ = 	snop  }
0x1b2: {  	[tilespmem:s28], [sflag:$0x2] =	stream.indirect.gather [hbm4b:s8+s25], $0x8, s25, s25, $0xb8;
	[tilespmem:$0x1F9C0] =	vst v63  }
0x1b3: {  	s12 =	simm.s32 $0x100  }
0x1b4: {  	[tilespmem:s30], [sflag:$0x3] =	stream.indirect.gather [hbm4b:s8+s25], $0x8, s12, s25, $0xb8;
	[tilespmem:$0x1F9C0] =	vst v63  }
0x1b5: {  	_ = 	snop  }
0x1b6: {  	[tilespmem:s0], [sflag:$0x4] =	stream.indirect.gather [hbm4b:s8+s25], $0x8, s31, s25, $0xb8;
	[tilespmem:$0x1F9C0] =	vst v63  }
0x1b7: {  	_ =	swait.ge [sflag:s3], $0x400  }
0x1b8: {  	[sflag:s3] =	ssyncset.done $0x0  }
0x1b9: {  	s29 =	simm.s32 $0xC400;
	[sflag:s3] =	ssyncadd.s32 $0xFFFFFC00  }
0x1ba: {  	[spmem:s2] =	stream.indirect.scatter.add.bf16 [tilespmem:s26], [sflag:$0x1], $0x8, s29, s25, $0xb8;
	[tilespmem:$0x1F9C0] =	vst v63  }
0x1bb: {  	_ =	swait.ge [sflag:s23], $0x400  }
0x1bc: {  	[sflag:s23] =	ssyncset.done $0x0  }
0x1bd: {  	s9 =	simm.s32 $0xC480;
	[sflag:s23] =	ssyncadd.s32 $0xFFFFFC00  }
0x1be: {  	[spmem:s2] =	stream.indirect.scatter.add.bf16 [tilespmem:s28], [sflag:$0x2], $0x8, s9, s25, $0xb8;
	[tilespmem:$0x1F9C0] =	vst v63  }
0x1bf: {  	_ =	swait.ge [sflag:s10], $0x400  }
0x1c0: {  	[sflag:s10] =	ssyncset.done $0x0  }
0x1c1: {  	s12 =	simm.s32 $0xC500;
	[sflag:s10] =	ssyncadd.s32 $0xFFFFFC00  }
0x1c2: {  	[spmem:s2] =	stream.indirect.scatter.add.bf16 [tilespmem:s30], [sflag:$0x3], $0x8, s12, s25, $0xb8;
	[tilespmem:$0x1F9C0] =	vst v63  }
0x1c3: {  	_ =	swait.ge [sflag:s11], $0x400  }
0x1c4: {  	[sflag:s11] =	ssyncset.done $0x0  }
0x1c5: {  	s29 =	simm.s32 $0xC580;
	[sflag:s11] =	ssyncadd.s32 $0xFFFFFC00  }
0x1c6: {  	[spmem:s2] =	stream.indirect.scatter.add.bf16 [tilespmem:s0], [sflag:$0x4], $0x8, s29, s25, $0xb8;
	[tilespmem:$0x1F9C0] =	vst v63  }
0x1c7: {  	_ =	swait.ge [sflag:s3], $0x400  }
0x1c8: {  	[sflag:s3] =	ssyncset.done $0x0  }
0x1c9: {  	s9 =	simm.s32 $0x200;
	[sflag:s3] =	ssyncadd.s32 $0xFFFFFC00  }
0x1ca: {  	[tilespmem:s26], [sflag:$0x1] =	stream.indirect.gather [hbm4b:s8+s25], $0x8, s9, s25, $0xb8;
	[tilespmem:$0x1F9C0] =	vst v63  }
0x1cb: {  	_ =	swait.ge [sflag:s23], $0x400  }
0x1cc: {  	[sflag:s23] =	ssyncset.done $0x0  }
0x1cd: {  	s12 =	simm.s32 $0x280;
	[sflag:s23] =	ssyncadd.s32 $0xFFFFFC00  }
0x1ce: {  	[tilespmem:s28], [sflag:$0x2] =	stream.indirect.gather [hbm4b:s8+s25], $0x8, s12, s25, $0xb8;
	[tilespmem:$0x1F9C0] =	vst v63  }
0x1cf: {  	_ =	swait.ge [sflag:s10], $0x400  }
0x1d0: {  	[sflag:s10] =	ssyncset.done $0x0  }
0x1d1: {  	s29 =	simm.s32 $0x300;
	[sflag:s10] =	ssyncadd.s32 $0xFFFFFC00  }
0x1d2: {  	[tilespmem:s30], [sflag:$0x3] =	stream.indirect.gather [hbm4b:s8+s25], $0x8, s29, s25, $0xb8;
	[tilespmem:$0x1F9C0] =	vst v63  }
0x1d3: {  	_ =	swait.ge [sflag:s11], $0x400  }
0x1d4: {  	[sflag:s11] =	ssyncset.done $0x0  }
0x1d5: {  	s4 =	simm.s32 $0x800;
	s9 =	simm.s32 $0x380;
	[sflag:s11] =	ssyncadd.s32 $0xFFFFFC00  }
.LBB2_13:
0x1d6: {  	[tilespmem:s0], [sflag:$0x4] =	stream.indirect.gather [hbm4b:s8+s25], $0x8, s9, s25, $0xb8;
	[tilespmem:$0x1F9C0] =	vst v63  }
0x1d7: {  	s9 =	smov.u32 s4  }
0x1d8: {  	p2 =	sne.s32 s4, $0x30000;
	s4 =	sadd.s32 $0x800, s4;
	_ =	swait.ge [sflag:s3], $0x400  }
0x1d9: {  	s9 =	sshra.s32 s9, $0x2;
	[sflag:s3] =	ssyncset.done $0x0  }
0x1da: {  	s12 =	sadd.s32 $0xC400, s9;
	[sflag:s3] =	ssyncadd.s32 $0xFFFFFC00  }
0x1db: {  	[spmem:s2] =	stream.indirect.scatter.add.bf16 [tilespmem:s26], [sflag:$0x1], $0x8, s12, s25, $0xb8;
	[tilespmem:$0x1F9C0] =	vst v63  }
0x1dc: {  	_ =	swait.ge [sflag:s23], $0x400  }
0x1dd: {  	[sflag:s23] =	ssyncset.done $0x0  }
0x1de: {  	s12 =	sadd.s32 $0xC480, s9;
	[sflag:s23] =	ssyncadd.s32 $0xFFFFFC00  }
0x1df: {  	[spmem:s2] =	stream.indirect.scatter.add.bf16 [tilespmem:s28], [sflag:$0x2], $0x8, s12, s25, $0xb8;
	[tilespmem:$0x1F9C0] =	vst v63  }
0x1e0: {  	_ =	swait.ge [sflag:s10], $0x400  }
0x1e1: {  	[sflag:s10] =	ssyncset.done $0x0  }
0x1e2: {  	s12 =	sadd.s32 $0xC500, s9;
	[sflag:s10] =	ssyncadd.s32 $0xFFFFFC00  }
0x1e3: {  	[spmem:s2] =	stream.indirect.scatter.add.bf16 [tilespmem:s30], [sflag:$0x3], $0x8, s12, s25, $0xb8;
	[tilespmem:$0x1F9C0] =	vst v63  }
0x1e4: {  	_ =	swait.ge [sflag:s11], $0x400  }
0x1e5: {  	[sflag:s11] =	ssyncset.done $0x0  }
0x1e6: {  	s12 =	sadd.s32 $0xC580, s9;
	[sflag:s11] =	ssyncadd.s32 $0xFFFFFC00  }
0x1e7: {  	[spmem:s2] =	stream.indirect.scatter.add.bf16 [tilespmem:s0], [sflag:$0x4], $0x8, s12, s25, $0xb8;
	[tilespmem:$0x1F9C0] =	vst v63  }
0x1e8: {  	_ =	swait.ge [sflag:s3], $0x400  }
0x1e9: {  	[sflag:s3] =	ssyncset.done $0x0  }
0x1ea: {  	s12 =	sadd.s32 $0x200, s9;
	[sflag:s3] =	ssyncadd.s32 $0xFFFFFC00  }
0x1eb: {  	[tilespmem:s26], [sflag:$0x1] =	stream.indirect.gather [hbm4b:s8+s25], $0x8, s12, s25, $0xb8;
	[tilespmem:$0x1F9C0] =	vst v63  }
0x1ec: {  	_ =	swait.ge [sflag:s23], $0x400  }
0x1ed: {  	[sflag:s23] =	ssyncset.done $0x0  }
0x1ee: {  	s12 =	sadd.s32 $0x280, s9;
	[sflag:s23] =	ssyncadd.s32 $0xFFFFFC00  }
0x1ef: {  	[tilespmem:s28], [sflag:$0x2] =	stream.indirect.gather [hbm4b:s8+s25], $0x8, s12, s25, $0xb8;
	[tilespmem:$0x1F9C0] =	vst v63  }
0x1f0: {  	_ =	swait.ge [sflag:s10], $0x400  }
0x1f1: {  	[sflag:s10] =	ssyncset.done $0x0  }
.Ltmp9:
0x1f2: {  	s12 =	sadd.s32 $0x300, s9;
	[sflag:s10] =	ssyncadd.s32 $0xFFFFFC00;
	(pc) =	sbr.rel @p2 .LBB2_13-.Ltmp9, $4  }
0x1f3: {  	[tilespmem:s30], [sflag:$0x3] =	stream.indirect.gather [hbm4b:s8+s25], $0x8, s12, s25, $0xb8;
	[tilespmem:$0x1F9C0] =	vst v63  }
0x1f4: {  	_ =	swait.ge [sflag:s11], $0x400  }
0x1f5: {  	[sflag:s11] =	ssyncset.done $0x0  }
0x1f6: {  	s9 =	sadd.s32 $0x380, s9;
	[sflag:s11] =	ssyncadd.s32 $0xFFFFFC00  }
.Ltmp10:
0x1f7: {  	_ = 	snop;
	(pc) =	sbr.rel .LBB2_14-.Ltmp10, $1  }
0x1f8: {  	_ =	sdelay $0x3  }
.LBB2_16:
0x1f9: {  	_ =	sfence.sel $0x180000  }
0x1fa: {  	[bflag:$0x0] =	sbarrier.arrive $0xFFFF  }
0x1fb: {  	_ =	strace $0x90000047  }
0x1fc: {  	s0 =	stileid.u32;
	[bflag:$0x2] =	sbarrier.arrive $0xFFFF  }
0x1fd: {  	p0 =	sne.s32 s0, $0x0;
	s0 =	rddreg [dreg:$0x3]  }
0x1fe: {  	s0 =	sadd.s32 @!p0 $0x100000, s0  }
0x1ff: {  	[sflag:s0] =	ssyncadd.tile.s32 @!p0 $0x1;
	_ =	shalt  }
.Lfunc_end2:
_tile_overlayer_lowered:
.L_overlay_start_2:
0x200: {  	(tag) =	ssettag $0x2  }
0x201: {  	s0 =	rddreg [dreg:$0x0];
	s2 =	stileid.u32  }
0x202: {  	s1 =	rddreg [dreg:$0x1];
	p0 =	sne.s32 s2, $0x0  }
0x203: {  	s3 =	rddreg [dreg:$0x2];
	[bflag:$0x3] =	sbarrier.arrive $0xFFFF;
	s2 =	simm.s32 @!p0 $0x1C05  }
0x204: {  	[timem:s3], [sflag:s2] =	dma.local @!p0 [hbm:s0], s1  }
0x205: {  	s0 =	simm.s32 @!p0 $0x5  }
0x206: {  	_ =	swait.ge @!p0 [sflag:s0], s1  }
0x207: {  	s1 =	ssub.s32 @!p0 $0x0, s1;
	[sflag:s0] =	ssyncset.done @!p0 $0x0  }
0x208: {  	[sflag:s0] =	ssyncadd.s32 @!p0 s1  }
0x209: {  	[bflag:$0x3] =	sbarrier.arrive $0xFFFF  }
0x20a: {  	_ =	shalt  }

</sc_bundles>
